<compile_context>
chip_gen: v7x
topology: tpu7x:2x2x1
jax: 0.10.2.dev20260603
libtpu: 0.0.44.dev20260713+nightly
codegen_flags: <defaults>
</compile_context>

<pallas_src>
import functools
import math

import jax
import jax.numpy as jnp
from jax import lax
from jax.experimental import pallas as pl
from jax.experimental.pallas import tpu as pltpu
from jax.experimental.pallas import tpu_sc as plsc

EMB = 32
SCALE = math.sqrt(float(EMB))
NC = 2
NS = 16
NW = NC * NS
L = 16
BBLK = 128
NBUF = 4


def _sc_embed(tok_native, table, n_seq, n_batch):
    sgrp = n_seq // 8
    nblk = n_batch // BBLK
    mesh = plsc.VectorSubcoreMesh(core_axis_name="c", subcore_axis_name="s")

    @functools.partial(
        pl.kernel,
        mesh=mesh,
        compiler_params=pltpu.CompilerParams(
            use_tc_tiling_on_sc=False, needs_layout_passes=False
        ),
        out_type=jax.ShapeDtypeStruct(
            (n_seq, EMB // 8, nblk, 8, BBLK), jnp.float32
        ),
        scratch_types=[
            pltpu.VMEM((sgrp, 8, BBLK), jnp.int32),
            pltpu.VMEM((NBUF, BBLK, EMB), jnp.float32),
            pltpu.VMEM((NBUF, EMB // 8, 8, BBLK + 1), jnp.float32),
            pltpu.SemaphoreType.DMA((NBUF,)),
            pltpu.SemaphoreType.DMA((NBUF,)),
        ],
    )
    def k(tok_hbm, tab_hbm, out_hbm, idx_v, rows_v, trans_v, sem_g, sem_o):
        wid = lax.axis_index("s") * NC + lax.axis_index("c")
        pltpu.sync_copy(tok_hbm.at[:, wid], idx_v)

        iota = lax.iota(jnp.int32, L)
        e_hi = iota // 8
        e_lo = iota % 8

        def start_gather(s, b):
            pltpu.async_copy(
                tab_hbm.at[idx_v.at[s // 8, s % 8]], rows_v.at[b], sem_g.at[b]
            )

        def wait_gather(s, b):
            pltpu.make_async_copy(
                tab_hbm.at[idx_v.at[s // 8, s % 8]], rows_v.at[b], sem_g.at[b]
            ).wait()

        def start_out(s, b):
            pltpu.async_copy(
                trans_v.at[b, :, :, pl.ds(0, BBLK)],
                out_hbm.at[s, :, wid],
                sem_o.at[b],
            )

        def wait_out(s, b):
            pltpu.make_async_copy(
                trans_v.at[b, :, :, pl.ds(0, BBLK)],
                out_hbm.at[s, :, wid],
                sem_o.at[b],
            ).wait()

        for b in range(NBUF):
            start_gather(b, b)

        def outer(i, carry):
            for b in range(NBUF):
                s = NBUF * i + b
                @pl.when(i > 0)
                def _():
                    wait_out(s - NBUF, b)

                wait_gather(s, b)

                def token_body(t, cc):
                    lane = jnp.full((L,), 0, jnp.int32) + t
                    v0 = rows_v[b, t, pl.ds(0, L)] * SCALE
                    v1 = rows_v[b, t, pl.ds(L, L)] * SCALE
                    plsc.store_scatter(trans_v.at[b], [e_hi, e_lo, lane], v0)
                    plsc.store_scatter(
                        trans_v.at[b], [e_hi + 2, e_lo, lane], v1
                    )
                    return cc

                lax.fori_loop(0, BBLK, token_body, 0, unroll=8)

                start_out(s, b)

                @pl.when(s + NBUF < NBUF * n_outer)
                def _():
                    start_gather(s + NBUF, b)
            return carry

        n_outer = (sgrp * 8) // NBUF
        lax.fori_loop(0, n_outer, outer, 0)
        for b in range(NBUF):
            wait_out(NBUF * n_outer - NBUF + b, b)

    return k(tok_native, table)


def kernel(tokens, embedding_weight):
    nb, ns = tokens.shape
    tok_native = (
        tokens.astype(jnp.int32)
        .T.reshape(ns // 8, 8, nb // BBLK, BBLK)
        .transpose(0, 2, 1, 3)
    )
    out5 = _sc_embed(tok_native, embedding_weight, ns, nb)
    return out5.transpose(2, 4, 0, 1, 3).reshape(nb, ns, EMB)

# --- scband reference (transcript-rebuilt; emitter-appended) ---
"""Pipeline reference for scband-token-embedding-26774826123356 (READ-ONLY COPY).

The authoritative reference and input builder live on the scoring server;
editing this copy changes nothing except your own understanding.
"""

import math
import jax, jax.numpy as jnp
import numpy as np

VOCAB_SIZE = 1000000
EMB_SIZE = 32

def setup_inputs(seed: int = 0) -> dict:
    key = jax.random.key(seed)
    k_tok, k_emb = jax.random.split(key)
    tokens = jax.random.randint(k_tok, (4096, 200), 0, VOCAB_SIZE, dtype=jnp.int64 if jax.config.jax_enable_x64 else jnp.int32)
    embedding_weight = jax.random.normal(k_emb, (VOCAB_SIZE, EMB_SIZE), dtype=jnp.float32)
    return {"tokens": tokens, "embedding_weight": embedding_weight}

def reference(tokens, embedding_weight):
    embs = jnp.take(embedding_weight, tokens.astype(jnp.int32), axis=0)
    embs = embs * math.sqrt(EMB_SIZE)
    return embs

if __name__ == "__main__":
    import jax
    _d = setup_inputs()
    print(jax.jit(kernel)(*tuple(_d.values())))

</pallas_src>

<mosaic_0001>
#map = affine_map<(d0, d1) -> (0, 0, 0, 0)>
#map1 = affine_map<(d0, d1) -> (0, 0)>
#map2 = affine_map<(d0, d1) -> (0, 0, 0, 0, 0)>
module attributes {stable_mosaic.version = 14 : i64} {
  func.func @k(%arg0: i32, %arg1: i32, %arg2: memref<25x32x8x128xi32, #tpu.memory_space<hbm>>, %arg3: memref<1000000x32xf32, #tpu.memory_space<hbm>>, %arg4: memref<200x4x32x8x128xf32, #tpu.memory_space<hbm>>, %arg5: memref<25x8x128xi32, #tpu.memory_space<vmem>>, %arg6: memref<4x128x32xf32, #tpu.memory_space<vmem>>, %arg7: memref<4x4x8x129xf32, #tpu.memory_space<vmem>>, %arg8: memref<4x!tpu.dma_semaphore, #tpu.memory_space<semaphore_mem>>, %arg9: memref<4x!tpu.dma_semaphore, #tpu.memory_space<semaphore_mem>>) attributes {dimension_semantics = [#tpu.dimension_semantics<core_parallel>, #tpu.dimension_semantics<subcore_parallel>], iteration_bounds = array<i64: 2, 16>, scalar_prefetch = 0 : i64, scratch_operands = 5 : i64, tpu.core_type = #tpu.core_type<sc_vector_subcore>, window_params = [{transform_indices = #map}, {transform_indices = #map1}, {transform_indices = #map2}]} {
    %mul3A = arith.constant 2 : i32
    %mul3A_0 = arith.muli %arg1, %mul3A : i32
    %add3A = arith.addi %mul3A_0, %arg0 : i32
    "tpu.region"() ({
      %run_scoped3A = tpu.sem_alloc : memref<!tpu.dma_semaphore, #tpu.memory_space<semaphore_mem>>
      %dma_start3A_211 = arith.constant 0 : i32
      %dma_start3A_212 = arith.constant 0 : i32
      %dma_start3A_213 = arith.constant 0 : i32
      %dma_start3A_214 = tpu.memref_slice %arg2[%dma_start3A_211, %add3A, %dma_start3A_212, %dma_start3A_213] : memref<25x32x8x128xi32, #tpu.memory_space<hbm>> -> memref<25x1x8x128xi32, #tpu.memory_space<hbm>>
      %dma_start3A_215 = tpu.memref_squeeze %dma_start3A_214 : memref<25x1x8x128xi32, #tpu.memory_space<hbm>> -> memref<25x8x128xi32, #tpu.memory_space<hbm>>
      %dma_start3A_216 = arith.constant 0 : i32
      %dma_start3A_217 = arith.constant 0 : i32
      %dma_start3A_218 = arith.constant 0 : i32
      %dma_start3A_219 = tpu.memref_slice %arg2[%dma_start3A_216, %add3A, %dma_start3A_217, %dma_start3A_218] : memref<25x32x8x128xi32, #tpu.memory_space<hbm>> -> memref<25x1x8x128xi32, #tpu.memory_space<hbm>>
      %dma_start3A_220 = tpu.memref_squeeze %dma_start3A_219 : memref<25x1x8x128xi32, #tpu.memory_space<hbm>> -> memref<25x8x128xi32, #tpu.memory_space<hbm>>
      tpu.enqueue_dma source(%dma_start3A_220 : memref<25x8x128xi32, #tpu.memory_space<hbm>>) target(%arg5 : memref<25x8x128xi32, #tpu.memory_space<vmem>>) target_semaphore(%run_scoped3A : memref<!tpu.dma_semaphore, #tpu.memory_space<semaphore_mem>>)
      %dma_wait3A_221 = arith.constant 0 : i32
      %dma_wait3A_222 = arith.constant 0 : i32
      %dma_wait3A_223 = arith.constant 0 : i32
      %dma_wait3A_224 = tpu.memref_slice %arg2[%dma_wait3A_221, %add3A, %dma_wait3A_222, %dma_wait3A_223] : memref<25x32x8x128xi32, #tpu.memory_space<hbm>> -> memref<25x1x8x128xi32, #tpu.memory_space<hbm>>
      %dma_wait3A_225 = tpu.memref_squeeze %dma_wait3A_224 : memref<25x1x8x128xi32, #tpu.memory_space<hbm>> -> memref<25x8x128xi32, #tpu.memory_space<hbm>>
      %dma_wait3A_226 = arith.constant 0 : i32
      %dma_wait3A_227 = arith.constant 0 : i32
      %dma_wait3A_228 = arith.constant 0 : i32
      %dma_wait3A_229 = tpu.memref_slice %arg2[%dma_wait3A_226, %add3A, %dma_wait3A_227, %dma_wait3A_228] : memref<25x32x8x128xi32, #tpu.memory_space<hbm>> -> memref<25x1x8x128xi32, #tpu.memory_space<hbm>>
      %dma_wait3A_230 = tpu.memref_squeeze %dma_wait3A_229 : memref<25x1x8x128xi32, #tpu.memory_space<hbm>> -> memref<25x8x128xi32, #tpu.memory_space<hbm>>
      tpu.wait_dma2 semaphore(%run_scoped3A : memref<!tpu.dma_semaphore, #tpu.memory_space<semaphore_mem>>) src(%dma_wait3A_230 : memref<25x8x128xi32, #tpu.memory_space<hbm>>) dst(%arg5 : memref<25x8x128xi32, #tpu.memory_space<vmem>>)
      tpu.yield
    }) : () -> ()
    %iota3A = tpu.iota {dimensions = array<i32: 0>} : vector<16xi32>
    %jit3A = arith.constant 8 : i32
    %div3A = vector.broadcast %jit3A : i32 to vector<16xi32>
    %div3A_1 = arith.divsi %iota3A, %div3A : vector<16xi32>
    %sign3A = arith.constant 0 : i32
    %sign3A_2 = vector.broadcast %sign3A : i32 to vector<16xi32>
    %sign3A_3 = arith.cmpi sgt, %iota3A, %sign3A_2 : vector<16xi32>
    %sign3A_4 = arith.extui %sign3A_3 : vector<16xi1> to vector<16xi32>
    %sign3A_5 = arith.constant 0 : i32
    %sign3A_6 = vector.broadcast %sign3A_5 : i32 to vector<16xi32>
    %sign3A_7 = arith.cmpi slt, %iota3A, %sign3A_6 : vector<16xi32>
    %sign3A_8 = arith.extui %sign3A_7 : vector<16xi1> to vector<16xi32>
    %sign3A_9 = arith.subi %sign3A_4, %sign3A_8 : vector<16xi32>
    %sign3A_10 = arith.constant 0 : i32
    %sign3A_11 = arith.cmpi sgt, %jit3A, %sign3A_10 : i32
    %sign3A_12 = arith.extui %sign3A_11 : i1 to i32
    %sign3A_13 = arith.constant 0 : i32
    %sign3A_14 = arith.cmpi slt, %jit3A, %sign3A_13 : i32
    %sign3A_15 = arith.extui %sign3A_14 : i1 to i32
    %sign3A_16 = arith.subi %sign3A_12, %sign3A_15 : i32
    %ne3A = vector.broadcast %sign3A_16 : i32 to vector<16xi32>
    %ne3A_17 = arith.cmpi ne, %sign3A_9, %ne3A : vector<16xi32>
    %rem3A = vector.broadcast %jit3A : i32 to vector<16xi32>
    %rem3A_18 = arith.remsi %iota3A, %rem3A : vector<16xi32>
    %ne3A_19 = arith.constant 0 : i32
    %ne3A_20 = vector.broadcast %ne3A_19 : i32 to vector<16xi32>
    %ne3A_21 = arith.cmpi ne, %rem3A_18, %ne3A_20 : vector<16xi32>
    %and3A = arith.andi %ne3A_17, %ne3A_21 : vector<16xi1>
    %sub3A = arith.constant 1 : i32
    %sub3A_22 = vector.broadcast %sub3A : i32 to vector<16xi32>
    %sub3A_23 = arith.subi %div3A_1, %sub3A_22 : vector<16xi32>
    %select_n3A = arith.select %and3A, %sub3A_23, %div3A_1 : vector<16xi1>, vector<16xi32>
    %jit3A_24 = arith.constant 8 : i32
    %eq3A = arith.constant 0 : i32
    %eq3A_25 = arith.cmpi eq, %jit3A_24, %eq3A : i32
    %jit3A_26 = arith.constant 1 : i32
    %select_n3A_27 = arith.select %eq3A_25, %jit3A_26, %jit3A_24 : i32
    %rem3A_28 = vector.broadcast %select_n3A_27 : i32 to vector<16xi32>
    %rem3A_29 = arith.remsi %iota3A, %rem3A_28 : vector<16xi32>
    %ne3A_30 = arith.constant 0 : i32
    %ne3A_31 = vector.broadcast %ne3A_30 : i32 to vector<16xi32>
    %ne3A_32 = arith.cmpi ne, %rem3A_29, %ne3A_31 : vector<16xi32>
    %lt3A = arith.constant 0 : i32
    %lt3A_33 = vector.broadcast %lt3A : i32 to vector<16xi32>
    %lt3A_34 = arith.cmpi slt, %rem3A_29, %lt3A_33 : vector<16xi32>
    %lt3A_35 = arith.constant 0 : i32
    %lt3A_36 = arith.cmpi slt, %select_n3A_27, %lt3A_35 : i32
    %ne3A_37 = vector.broadcast %lt3A_36 : i1 to vector<16xi1>
    %ne3A_38 = vector.broadcast %ne3A_37 : vector<16xi1> to vector<16xi1>
    %ne3A_39 = arith.xori %lt3A_34, %ne3A_38 : vector<16xi1>
    %and3A_40 = arith.andi %ne3A_39, %ne3A_32 : vector<16xi1>
    %add3A_41 = vector.broadcast %select_n3A_27 : i32 to vector<16xi32>
    %add3A_42 = arith.addi %rem3A_29, %add3A_41 : vector<16xi32>
    %select_n3A_43 = arith.select %and3A_40, %add3A_42, %rem3A_29 : vector<16xi1>, vector<16xi32>
    %dma_start3A = arith.constant 0 : i32
    %dma_start3A_44 = arith.constant 0 : i32
    %dma_start3A_45 = arith.constant 0 : i32
    %dma_start3A_46 = arith.constant 0 : i32
    %dma_start3A_47 = arith.constant 0 : i32
    %dma_start3A_48 = arith.constant 0 : i32
    %dma_start3A_49 = tpu.memref_slice %arg6[%dma_start3A_45, %dma_start3A_47, %dma_start3A_48] : memref<4x128x32xf32, #tpu.memory_space<vmem>> -> memref<1x128x32xf32, #tpu.memory_space<vmem>>
    %dma_start3A_50 = tpu.memref_squeeze %dma_start3A_49 : memref<1x128x32xf32, #tpu.memory_space<vmem>> -> memref<128x32xf32, #tpu.memory_space<vmem>>
    %dma_start3A_51 = arith.constant 0 : i32
    %dma_start3A_52 = tpu.memref_slice %arg5[%dma_start3A, %dma_start3A_44, %dma_start3A_51] : memref<25x8x128xi32, #tpu.memory_space<vmem>> -> memref<1x1x128xi32, #tpu.memory_space<vmem>>
    %dma_start3A_53 = tpu.memref_squeeze %dma_start3A_52 : memref<1x1x128xi32, #tpu.memory_space<vmem>> -> memref<128xi32, #tpu.memory_space<vmem>>
    %dma_start3A_54 = arith.constant 0 : i32
    %dma_start3A_55 = arith.constant 0 : i32
    %dma_start3A_56 = tpu.memref_slice %arg3[%dma_start3A_54, %dma_start3A_55] : memref<1000000x32xf32, #tpu.memory_space<hbm>> -> memref<1000000x32xf32, #tpu.memory_space<hbm>>
    %dma_start3A_57 = tpu.memref_slice %arg8[%dma_start3A_46] : memref<4x!tpu.dma_semaphore, #tpu.memory_space<semaphore_mem>> -> memref<1x!tpu.dma_semaphore, #tpu.memory_space<semaphore_mem>>
    %dma_start3A_58 = tpu.memref_squeeze %dma_start3A_57 : memref<1x!tpu.dma_semaphore, #tpu.memory_space<semaphore_mem>> -> memref<!tpu.dma_semaphore, #tpu.memory_space<semaphore_mem>>
    tpu.enqueue_indirect_dma source(%dma_start3A_56 : memref<1000000x32xf32, #tpu.memory_space<hbm>>) target(%dma_start3A_50 : memref<128x32xf32, #tpu.memory_space<vmem>>) offsets(%dma_start3A_53 : memref<128xi32, #tpu.memory_space<vmem>>) semaphore(%dma_start3A_58 : memref<!tpu.dma_semaphore, #tpu.memory_space<semaphore_mem>>)
    %dma_start3A_59 = arith.constant 0 : i32
    %dma_start3A_60 = arith.constant 1 : i32
    %dma_start3A_61 = arith.constant 1 : i32
    %dma_start3A_62 = arith.constant 1 : i32
    %dma_start3A_63 = arith.constant 0 : i32
    %dma_start3A_64 = arith.constant 0 : i32
    %dma_start3A_65 = tpu.memref_slice %arg6[%dma_start3A_61, %dma_start3A_63, %dma_start3A_64] : memref<4x128x32xf32, #tpu.memory_space<vmem>> -> memref<1x128x32xf32, #tpu.memory_space<vmem>>
    %dma_start3A_66 = tpu.memref_squeeze %dma_start3A_65 : memref<1x128x32xf32, #tpu.memory_space<vmem>> -> memref<128x32xf32, #tpu.memory_space<vmem>>
    %dma_start3A_67 = arith.constant 0 : i32
    %dma_start3A_68 = tpu.memref_slice %arg5[%dma_start3A_59, %dma_start3A_60, %dma_start3A_67] : memref<25x8x128xi32, #tpu.memory_space<vmem>> -> memref<1x1x128xi32, #tpu.memory_space<vmem>>
    %dma_start3A_69 = tpu.memref_squeeze %dma_start3A_68 : memref<1x1x128xi32, #tpu.memory_space<vmem>> -> memref<128xi32, #tpu.memory_space<vmem>>
    %dma_start3A_70 = arith.constant 0 : i32
    %dma_start3A_71 = arith.constant 0 : i32
    %dma_start3A_72 = tpu.memref_slice %arg3[%dma_start3A_70, %dma_start3A_71] : memref<1000000x32xf32, #tpu.memory_space<hbm>> -> memref<1000000x32xf32, #tpu.memory_space<hbm>>
    %dma_start3A_73 = tpu.memref_slice %arg8[%dma_start3A_62] : memref<4x!tpu.dma_semaphore, #tpu.memory_space<semaphore_mem>> -> memref<1x!tpu.dma_semaphore, #tpu.memory_space<semaphore_mem>>
    %dma_start3A_74 = tpu.memref_squeeze %dma_start3A_73 : memref<1x!tpu.dma_semaphore, #tpu.memory_space<semaphore_mem>> -> memref<!tpu.dma_semaphore, #tpu.memory_space<semaphore_mem>>
    tpu.enqueue_indirect_dma source(%dma_start3A_72 : memref<1000000x32xf32, #tpu.memory_space<hbm>>) target(%dma_start3A_66 : memref<128x32xf32, #tpu.memory_space<vmem>>) offsets(%dma_start3A_69 : memref<128xi32, #tpu.memory_space<vmem>>) semaphore(%dma_start3A_74 : memref<!tpu.dma_semaphore, #tpu.memory_space<semaphore_mem>>)
    %dma_start3A_75 = arith.constant 0 : i32
    %dma_start3A_76 = arith.constant 2 : i32
    %dma_start3A_77 = arith.constant 2 : i32
    %dma_start3A_78 = arith.constant 2 : i32
    %dma_start3A_79 = arith.constant 0 : i32
    %dma_start3A_80 = arith.constant 0 : i32
    %dma_start3A_81 = tpu.memref_slice %arg6[%dma_start3A_77, %dma_start3A_79, %dma_start3A_80] : memref<4x128x32xf32, #tpu.memory_space<vmem>> -> memref<1x128x32xf32, #tpu.memory_space<vmem>>
    %dma_start3A_82 = tpu.memref_squeeze %dma_start3A_81 : memref<1x128x32xf32, #tpu.memory_space<vmem>> -> memref<128x32xf32, #tpu.memory_space<vmem>>
    %dma_start3A_83 = arith.constant 0 : i32
    %dma_start3A_84 = tpu.memref_slice %arg5[%dma_start3A_75, %dma_start3A_76, %dma_start3A_83] : memref<25x8x128xi32, #tpu.memory_space<vmem>> -> memref<1x1x128xi32, #tpu.memory_space<vmem>>
    %dma_start3A_85 = tpu.memref_squeeze %dma_start3A_84 : memref<1x1x128xi32, #tpu.memory_space<vmem>> -> memref<128xi32, #tpu.memory_space<vmem>>
    %dma_start3A_86 = arith.constant 0 : i32
    %dma_start3A_87 = arith.constant 0 : i32
    %dma_start3A_88 = tpu.memref_slice %arg3[%dma_start3A_86, %dma_start3A_87] : memref<1000000x32xf32, #tpu.memory_space<hbm>> -> memref<1000000x32xf32, #tpu.memory_space<hbm>>
    %dma_start3A_89 = tpu.memref_slice %arg8[%dma_start3A_78] : memref<4x!tpu.dma_semaphore, #tpu.memory_space<semaphore_mem>> -> memref<1x!tpu.dma_semaphore, #tpu.memory_space<semaphore_mem>>
    %dma_start3A_90 = tpu.memref_squeeze %dma_start3A_89 : memref<1x!tpu.dma_semaphore, #tpu.memory_space<semaphore_mem>> -> memref<!tpu.dma_semaphore, #tpu.memory_space<semaphore_mem>>
    tpu.enqueue_indirect_dma source(%dma_start3A_88 : memref<1000000x32xf32, #tpu.memory_space<hbm>>) target(%dma_start3A_82 : memref<128x32xf32, #tpu.memory_space<vmem>>) offsets(%dma_start3A_85 : memref<128xi32, #tpu.memory_space<vmem>>) semaphore(%dma_start3A_90 : memref<!tpu.dma_semaphore, #tpu.memory_space<semaphore_mem>>)
    %dma_start3A_91 = arith.constant 0 : i32
    %dma_start3A_92 = arith.constant 3 : i32
    %dma_start3A_93 = arith.constant 3 : i32
    %dma_start3A_94 = arith.constant 3 : i32
    %dma_start3A_95 = arith.constant 0 : i32
    %dma_start3A_96 = arith.constant 0 : i32
    %dma_start3A_97 = tpu.memref_slice %arg6[%dma_start3A_93, %dma_start3A_95, %dma_start3A_96] : memref<4x128x32xf32, #tpu.memory_space<vmem>> -> memref<1x128x32xf32, #tpu.memory_space<vmem>>
    %dma_start3A_98 = tpu.memref_squeeze %dma_start3A_97 : memref<1x128x32xf32, #tpu.memory_space<vmem>> -> memref<128x32xf32, #tpu.memory_space<vmem>>
    %dma_start3A_99 = arith.constant 0 : i32
    %dma_start3A_100 = tpu.memref_slice %arg5[%dma_start3A_91, %dma_start3A_92, %dma_start3A_99] : memref<25x8x128xi32, #tpu.memory_space<vmem>> -> memref<1x1x128xi32, #tpu.memory_space<vmem>>
    %dma_start3A_101 = tpu.memref_squeeze %dma_start3A_100 : memref<1x1x128xi32, #tpu.memory_space<vmem>> -> memref<128xi32, #tpu.memory_space<vmem>>
    %dma_start3A_102 = arith.constant 0 : i32
    %dma_start3A_103 = arith.constant 0 : i32
    %dma_start3A_104 = tpu.memref_slice %arg3[%dma_start3A_102, %dma_start3A_103] : memref<1000000x32xf32, #tpu.memory_space<hbm>> -> memref<1000000x32xf32, #tpu.memory_space<hbm>>
    %dma_start3A_105 = tpu.memref_slice %arg8[%dma_start3A_94] : memref<4x!tpu.dma_semaphore, #tpu.memory_space<semaphore_mem>> -> memref<1x!tpu.dma_semaphore, #tpu.memory_space<semaphore_mem>>
    %dma_start3A_106 = tpu.memref_squeeze %dma_start3A_105 : memref<1x!tpu.dma_semaphore, #tpu.memory_space<semaphore_mem>> -> memref<!tpu.dma_semaphore, #tpu.memory_space<semaphore_mem>>
    tpu.enqueue_indirect_dma source(%dma_start3A_104 : memref<1000000x32xf32, #tpu.memory_space<hbm>>) target(%dma_start3A_98 : memref<128x32xf32, #tpu.memory_space<vmem>>) offsets(%dma_start3A_101 : memref<128xi32, #tpu.memory_space<vmem>>) semaphore(%dma_start3A_106 : memref<!tpu.dma_semaphore, #tpu.memory_space<semaphore_mem>>)
    %scan3A = arith.constant 0 : i32
    %scan3A_107 = arith.constant 0 : i32
    %scan3A_108 = arith.constant 50 : i32
    %scan3A_109 = arith.addi %scan3A_107, %scan3A_108 : i32
    %scan3A_110 = arith.constant 1 : i32
    scf.for %scan3A_211 = %scan3A_107 to %scan3A_109 step %scan3A_110  : i32 {
      %mul3A_212 = arith.constant 4 : i32
      %mul3A_213 = arith.muli %mul3A_212, %scan3A_211 : i32
      %add3A_214 = arith.constant 0 : i32
      %add3A_215 = arith.addi %mul3A_213, %add3A_214 : i32
      %gt3A = arith.constant 0 : i32
      %gt3A_216 = arith.cmpi sgt, %scan3A_211, %gt3A : i32
      %convert_element_type3A = arith.extui %gt3A_216 : i1 to i32
      %cond3A = arith.constant 0 : i32
      %cond3A_217 = arith.cmpi ne, %convert_element_type3A, %cond3A : i32
      scf.if %cond3A_217 {
        %sub3A_609 = arith.constant 4 : i32
        %sub3A_610 = arith.subi %add3A_215, %sub3A_609 : i32
        %dma_wait3A_611 = arith.constant 0 : i32
        %dma_wait3A_612 = arith.constant 0 : i32
        %dma_wait3A_613 = arith.constant 0 : i32
        %dma_wait3A_614 = arith.constant 0 : i32
        %dma_wait3A_615 = arith.constant 0 : i32
        %dma_wait3A_616 = tpu.memref_slice %arg7[%dma_wait3A_611, %dma_wait3A_613, %dma_wait3A_614, %dma_wait3A_615] : memref<4x4x8x129xf32, #tpu.memory_space<vmem>> -> memref<1x4x8x128xf32, #tpu.memory_space<vmem>>
        %dma_wait3A_617 = tpu.memref_squeeze %dma_wait3A_616 : memref<1x4x8x128xf32, #tpu.memory_space<vmem>> -> memref<4x8x128xf32, #tpu.memory_space<vmem>>
        %dma_wait3A_618 = arith.constant 0 : i32
        %dma_wait3A_619 = arith.constant 0 : i32
        %dma_wait3A_620 = arith.constant 0 : i32
        %dma_wait3A_621 = tpu.memref_slice %arg4[%sub3A_610, %dma_wait3A_618, %add3A, %dma_wait3A_619, %dma_wait3A_620] : memref<200x4x32x8x128xf32, #tpu.memory_space<hbm>> -> memref<1x4x1x8x128xf32, #tpu.memory_space<hbm>>
        %dma_wait3A_622 = tpu.memref_squeeze %dma_wait3A_621 : memref<1x4x1x8x128xf32, #tpu.memory_space<hbm>> -> memref<4x8x128xf32, #tpu.memory_space<hbm>>
        %dma_wait3A_623 = tpu.memref_slice %arg9[%dma_wait3A_612] : memref<4x!tpu.dma_semaphore, #tpu.memory_space<semaphore_mem>> -> memref<1x!tpu.dma_semaphore, #tpu.memory_space<semaphore_mem>>
        %dma_wait3A_624 = tpu.memref_squeeze %dma_wait3A_623 : memref<1x!tpu.dma_semaphore, #tpu.memory_space<semaphore_mem>> -> memref<!tpu.dma_semaphore, #tpu.memory_space<semaphore_mem>>
        %dma_wait3A_625 = arith.constant 0 : i32
        %dma_wait3A_626 = arith.constant 0 : i32
        %dma_wait3A_627 = arith.constant 0 : i32
        %dma_wait3A_628 = tpu.memref_slice %arg4[%sub3A_610, %dma_wait3A_625, %add3A, %dma_wait3A_626, %dma_wait3A_627] : memref<200x4x32x8x128xf32, #tpu.memory_space<hbm>> -> memref<1x4x1x8x128xf32, #tpu.memory_space<hbm>>
        %dma_wait3A_629 = tpu.memref_squeeze %dma_wait3A_628 : memref<1x4x1x8x128xf32, #tpu.memory_space<hbm>> -> memref<4x8x128xf32, #tpu.memory_space<hbm>>
        %dma_wait3A_630 = arith.constant 0 : i32
        %dma_wait3A_631 = arith.constant 0 : i32
        %dma_wait3A_632 = arith.constant 0 : i32
        %dma_wait3A_633 = tpu.memref_slice %arg7[%dma_wait3A_611, %dma_wait3A_630, %dma_wait3A_631, %dma_wait3A_632] : memref<4x4x8x129xf32, #tpu.memory_space<vmem>> -> memref<1x4x8x128xf32, #tpu.memory_space<vmem>>
        %dma_wait3A_634 = tpu.memref_squeeze %dma_wait3A_633 : memref<1x4x8x128xf32, #tpu.memory_space<vmem>> -> memref<4x8x128xf32, #tpu.memory_space<vmem>>
        tpu.wait_dma2 semaphore(%dma_wait3A_624 : memref<!tpu.dma_semaphore, #tpu.memory_space<semaphore_mem>>) src(%dma_wait3A_634 : memref<4x8x128xf32, #tpu.memory_space<vmem>>) dst(%dma_wait3A_629 : memref<4x8x128xf32, #tpu.memory_space<hbm>>)
      } else {
      }
      %jit3A_218 = arith.constant 8 : i32
      %div3A_219 = arith.divsi %add3A_215, %jit3A_218 : i32
      %sign3A_220 = arith.constant 0 : i32
      %sign3A_221 = arith.cmpi sgt, %add3A_215, %sign3A_220 : i32
      %sign3A_222 = arith.extui %sign3A_221 : i1 to i32
      %sign3A_223 = arith.constant 0 : i32
      %sign3A_224 = arith.cmpi slt, %add3A_215, %sign3A_223 : i32
      %sign3A_225 = arith.extui %sign3A_224 : i1 to i32
      %sign3A_226 = arith.subi %sign3A_222, %sign3A_225 : i32
      %sign3A_227 = arith.constant 0 : i32
      %sign3A_228 = arith.cmpi sgt, %jit3A_218, %sign3A_227 : i32
      %sign3A_229 = arith.extui %sign3A_228 : i1 to i32
      %sign3A_230 = arith.constant 0 : i32
      %sign3A_231 = arith.cmpi slt, %jit3A_218, %sign3A_230 : i32
      %sign3A_232 = arith.extui %sign3A_231 : i1 to i32
      %sign3A_233 = arith.subi %sign3A_229, %sign3A_232 : i32
      %ne3A_234 = arith.cmpi ne, %sign3A_226, %sign3A_233 : i32
      %rem3A_235 = arith.remsi %add3A_215, %jit3A_218 : i32
      %ne3A_236 = arith.constant 0 : i32
      %ne3A_237 = arith.cmpi ne, %rem3A_235, %ne3A_236 : i32
      %and3A_238 = arith.andi %ne3A_234, %ne3A_237 : i1
      %sub3A_239 = arith.constant 1 : i32
      %sub3A_240 = arith.subi %div3A_219, %sub3A_239 : i32
      %select_n3A_241 = arith.select %and3A_238, %sub3A_240, %div3A_219 : i32
      %jit3A_242 = arith.constant 8 : i32
      %eq3A_243 = arith.constant 0 : i32
      %eq3A_244 = arith.cmpi eq, %jit3A_242, %eq3A_243 : i32
      %jit3A_245 = arith.constant 1 : i32
      %select_n3A_246 = arith.select %eq3A_244, %jit3A_245, %jit3A_242 : i32
      %rem3A_247 = arith.remsi %add3A_215, %select_n3A_246 : i32
      %ne3A_248 = arith.constant 0 : i32
      %ne3A_249 = arith.cmpi ne, %rem3A_247, %ne3A_248 : i32
      %lt3A_250 = arith.constant 0 : i32
      %lt3A_251 = arith.cmpi slt, %rem3A_247, %lt3A_250 : i32
      %lt3A_252 = arith.constant 0 : i32
      %lt3A_253 = arith.cmpi slt, %select_n3A_246, %lt3A_252 : i32
      %ne3A_254 = arith.xori %lt3A_251, %lt3A_253 : i1
      %and3A_255 = arith.andi %ne3A_254, %ne3A_249 : i1
      %add3A_256 = arith.addi %rem3A_247, %select_n3A_246 : i32
      %select_n3A_257 = arith.select %and3A_255, %add3A_256, %rem3A_247 : i32
      %dma_wait3A_258 = arith.constant 0 : i32
      %dma_wait3A_259 = arith.constant 0 : i32
      %dma_wait3A_260 = arith.constant 0 : i32
      %dma_wait3A_261 = arith.constant 0 : i32
      %dma_wait3A_262 = tpu.memref_slice %arg6[%dma_wait3A_258, %dma_wait3A_260, %dma_wait3A_261] : memref<4x128x32xf32, #tpu.memory_space<vmem>> -> memref<1x128x32xf32, #tpu.memory_space<vmem>>
      %dma_wait3A_263 = tpu.memref_squeeze %dma_wait3A_262 : memref<1x128x32xf32, #tpu.memory_space<vmem>> -> memref<128x32xf32, #tpu.memory_space<vmem>>
      %dma_wait3A_264 = arith.constant 0 : i32
      %dma_wait3A_265 = tpu.memref_slice %arg5[%select_n3A_241, %select_n3A_257, %dma_wait3A_264] : memref<25x8x128xi32, #tpu.memory_space<vmem>> -> memref<1x1x128xi32, #tpu.memory_space<vmem>>
      %dma_wait3A_266 = tpu.memref_squeeze %dma_wait3A_265 : memref<1x1x128xi32, #tpu.memory_space<vmem>> -> memref<128xi32, #tpu.memory_space<vmem>>
      %dma_wait3A_267 = arith.constant 0 : i32
      %dma_wait3A_268 = arith.constant 0 : i32
      %dma_wait3A_269 = tpu.memref_slice %arg3[%dma_wait3A_267, %dma_wait3A_268] : memref<1000000x32xf32, #tpu.memory_space<hbm>> -> memref<1000000x32xf32, #tpu.memory_space<hbm>>
      %dma_wait3A_270 = tpu.memref_slice %arg8[%dma_wait3A_259] : memref<4x!tpu.dma_semaphore, #tpu.memory_space<semaphore_mem>> -> memref<1x!tpu.dma_semaphore, #tpu.memory_space<semaphore_mem>>
      %dma_wait3A_271 = tpu.memref_squeeze %dma_wait3A_270 : memref<1x!tpu.dma_semaphore, #tpu.memory_space<semaphore_mem>> -> memref<!tpu.dma_semaphore, #tpu.memory_space<semaphore_mem>>
      tpu.wait_indirect_dma semaphore(%dma_wait3A_271 : memref<!tpu.dma_semaphore, #tpu.memory_space<semaphore_mem>>) src(%dma_wait3A_269 : memref<1000000x32xf32, #tpu.memory_space<hbm>>) dst(%dma_wait3A_263 : memref<128x32xf32, #tpu.memory_space<vmem>>)
      %scan3A_272 = arith.constant 0 : i32
      %scan3A_273 = arith.constant 0 : i32
      %scan3A_274 = arith.constant 128 : i32
      %scan3A_275 = arith.addi %scan3A_273, %scan3A_274 : i32
      %scan3A_276 = arith.constant 8 : i32
      scf.for %scan3A_609 = %scan3A_273 to %scan3A_275 step %scan3A_276  : i32 {
        %broadcast_in_dim3A = arith.constant 0 : i32
        %broadcast_in_dim3A_610 = vector.broadcast %broadcast_in_dim3A : i32 to vector<16xi32>
        %add3A_611 = vector.broadcast %scan3A_609 : i32 to vector<16xi32>
        %add3A_612 = arith.addi %broadcast_in_dim3A_610, %add3A_611 : vector<16xi32>
        %get3A = arith.constant 0 : i32
        %get3A_613 = arith.index_cast %get3A : i32 to index
        %get3A_614 = arith.index_cast %scan3A_609 : i32 to index
        %get3A_615 = arith.constant 0 : index
        %get3A_616 = tpu.vector_load %arg6[%get3A_613, %get3A_614, %get3A_615] {strides = array<i32>} : memref<4x128x32xf32, #tpu.memory_space<vmem>>, vector<16xf32>,
        %mul3A_617 = arith.constant 5.65685415 : f32
        %mul3A_618 = vector.broadcast %mul3A_617 : f32 to vector<16xf32>
        %mul3A_619 = arith.mulf %get3A_616, %mul3A_618 : vector<16xf32>
        %get3A_620 = arith.constant 0 : i32
        %get3A_621 = arith.index_cast %get3A_620 : i32 to index
        %get3A_622 = arith.index_cast %scan3A_609 : i32 to index
        %get3A_623 = arith.constant 16 : index
        %get3A_624 = tpu.vector_load %arg6[%get3A_621, %get3A_622, %get3A_623] {strides = array<i32>} : memref<4x128x32xf32, #tpu.memory_space<vmem>>, vector<16xf32>,
        %mul3A_625 = arith.constant 5.65685415 : f32
        %mul3A_626 = vector.broadcast %mul3A_625 : f32 to vector<16xf32>
        %mul3A_627 = arith.mulf %get3A_624, %mul3A_626 : vector<16xf32>
        %scatter3A = arith.constant 0 : i32
        %scatter3A_628 = arith.constant 0 : i32
        %scatter3A_629 = arith.constant 0 : i32
        %scatter3A_630 = arith.constant 0 : i32
        %scatter3A_631 = tpu.memref_slice %arg7[%scatter3A, %scatter3A_628, %scatter3A_629, %scatter3A_630] : memref<4x4x8x129xf32, #tpu.memory_space<vmem>> -> memref<1x4x8x129xf32, #tpu.memory_space<vmem>>
        %scatter3A_632 = tpu.memref_squeeze %scatter3A_631 : memref<1x4x8x129xf32, #tpu.memory_space<vmem>> -> memref<4x8x129xf32, #tpu.memory_space<vmem>>
        tpu.vector_store_idx %scatter3A_632[%select_n3A, %select_n3A_43, %add3A_612], %mul3A_619 : memref<4x8x129xf32, #tpu.memory_space<vmem>>[vector<16xi32>, vector<16xi32>, vector<16xi32>], vector<16xf32>,
        %add3A_633 = arith.constant 2 : i32
        %add3A_634 = vector.broadcast %add3A_633 : i32 to vector<16xi32>
        %add3A_635 = arith.addi %select_n3A, %add3A_634 : vector<16xi32>
        %scatter3A_636 = arith.constant 0 : i32
        %scatter3A_637 = arith.constant 0 : i32
        %scatter3A_638 = arith.constant 0 : i32
        %scatter3A_639 = arith.constant 0 : i32
        %scatter3A_640 = tpu.memref_slice %arg7[%scatter3A_636, %scatter3A_637, %scatter3A_638, %scatter3A_639] : memref<4x4x8x129xf32, #tpu.memory_space<vmem>> -> memref<1x4x8x129xf32, #tpu.memory_space<vmem>>
        %scatter3A_641 = tpu.memref_squeeze %scatter3A_640 : memref<1x4x8x129xf32, #tpu.memory_space<vmem>> -> memref<4x8x129xf32, #tpu.memory_space<vmem>>
        tpu.vector_store_idx %scatter3A_641[%add3A_635, %select_n3A_43, %add3A_612], %mul3A_627 : memref<4x8x129xf32, #tpu.memory_space<vmem>>[vector<16xi32>, vector<16xi32>, vector<16xi32>], vector<16xf32>,
        %scan3A_642 = arith.constant 1 : i32
        %scan3A_643 = arith.addi %scan3A_609, %scan3A_642 : i32
        %broadcast_in_dim3A_644 = arith.constant 0 : i32
        %broadcast_in_dim3A_645 = vector.broadcast %broadcast_in_dim3A_644 : i32 to vector<16xi32>
        %add3A_646 = vector.broadcast %scan3A_643 : i32 to vector<16xi32>
        %add3A_647 = arith.addi %broadcast_in_dim3A_645, %add3A_646 : vector<16xi32>
        %get3A_648 = arith.constant 0 : i32
        %get3A_649 = arith.index_cast %get3A_648 : i32 to index
        %get3A_650 = arith.index_cast %scan3A_643 : i32 to index
        %get3A_651 = arith.constant 0 : index
        %get3A_652 = tpu.vector_load %arg6[%get3A_649, %get3A_650, %get3A_651] {strides = array<i32>} : memref<4x128x32xf32, #tpu.memory_space<vmem>>, vector<16xf32>,
        %mul3A_653 = arith.constant 5.65685415 : f32
        %mul3A_654 = vector.broadcast %mul3A_653 : f32 to vector<16xf32>
        %mul3A_655 = arith.mulf %get3A_652, %mul3A_654 : vector<16xf32>
        %get3A_656 = arith.constant 0 : i32
        %get3A_657 = arith.index_cast %get3A_656 : i32 to index
        %get3A_658 = arith.index_cast %scan3A_643 : i32 to index
        %get3A_659 = arith.constant 16 : index
        %get3A_660 = tpu.vector_load %arg6[%get3A_657, %get3A_658, %get3A_659] {strides = array<i32>} : memref<4x128x32xf32, #tpu.memory_space<vmem>>, vector<16xf32>,
        %mul3A_661 = arith.constant 5.65685415 : f32
        %mul3A_662 = vector.broadcast %mul3A_661 : f32 to vector<16xf32>
        %mul3A_663 = arith.mulf %get3A_660, %mul3A_662 : vector<16xf32>
        %scatter3A_664 = arith.constant 0 : i32
        %scatter3A_665 = arith.constant 0 : i32
        %scatter3A_666 = arith.constant 0 : i32
        %scatter3A_667 = arith.constant 0 : i32
        %scatter3A_668 = tpu.memref_slice %arg7[%scatter3A_664, %scatter3A_665, %scatter3A_666, %scatter3A_667] : memref<4x4x8x129xf32, #tpu.memory_space<vmem>> -> memref<1x4x8x129xf32, #tpu.memory_space<vmem>>
        %scatter3A_669 = tpu.memref_squeeze %scatter3A_668 : memref<1x4x8x129xf32, #tpu.memory_space<vmem>> -> memref<4x8x129xf32, #tpu.memory_space<vmem>>
        tpu.vector_store_idx %scatter3A_669[%select_n3A, %select_n3A_43, %add3A_647], %mul3A_655 : memref<4x8x129xf32, #tpu.memory_space<vmem>>[vector<16xi32>, vector<16xi32>, vector<16xi32>], vector<16xf32>,
        %add3A_670 = arith.constant 2 : i32
        %add3A_671 = vector.broadcast %add3A_670 : i32 to vector<16xi32>
        %add3A_672 = arith.addi %select_n3A, %add3A_671 : vector<16xi32>
        %scatter3A_673 = arith.constant 0 : i32
        %scatter3A_674 = arith.constant 0 : i32
        %scatter3A_675 = arith.constant 0 : i32
        %scatter3A_676 = arith.constant 0 : i32
        %scatter3A_677 = tpu.memref_slice %arg7[%scatter3A_673, %scatter3A_674, %scatter3A_675, %scatter3A_676] : memref<4x4x8x129xf32, #tpu.memory_space<vmem>> -> memref<1x4x8x129xf32, #tpu.memory_space<vmem>>
        %scatter3A_678 = tpu.memref_squeeze %scatter3A_677 : memref<1x4x8x129xf32, #tpu.memory_space<vmem>> -> memref<4x8x129xf32, #tpu.memory_space<vmem>>
        tpu.vector_store_idx %scatter3A_678[%add3A_672, %select_n3A_43, %add3A_647], %mul3A_663 : memref<4x8x129xf32, #tpu.memory_space<vmem>>[vector<16xi32>, vector<16xi32>, vector<16xi32>], vector<16xf32>,
        %scan3A_679 = arith.constant 2 : i32
        %scan3A_680 = arith.addi %scan3A_609, %scan3A_679 : i32
        %broadcast_in_dim3A_681 = arith.constant 0 : i32
        %broadcast_in_dim3A_682 = vector.broadcast %broadcast_in_dim3A_681 : i32 to vector<16xi32>
        %add3A_683 = vector.broadcast %scan3A_680 : i32 to vector<16xi32>
        %add3A_684 = arith.addi %broadcast_in_dim3A_682, %add3A_683 : vector<16xi32>
        %get3A_685 = arith.constant 0 : i32
        %get3A_686 = arith.index_cast %get3A_685 : i32 to index
        %get3A_687 = arith.index_cast %scan3A_680 : i32 to index
        %get3A_688 = arith.constant 0 : index
        %get3A_689 = tpu.vector_load %arg6[%get3A_686, %get3A_687, %get3A_688] {strides = array<i32>} : memref<4x128x32xf32, #tpu.memory_space<vmem>>, vector<16xf32>,
        %mul3A_690 = arith.constant 5.65685415 : f32
        %mul3A_691 = vector.broadcast %mul3A_690 : f32 to vector<16xf32>
        %mul3A_692 = arith.mulf %get3A_689, %mul3A_691 : vector<16xf32>
        %get3A_693 = arith.constant 0 : i32
        %get3A_694 = arith.index_cast %get3A_693 : i32 to index
        %get3A_695 = arith.index_cast %scan3A_680 : i32 to index
        %get3A_696 = arith.constant 16 : index
        %get3A_697 = tpu.vector_load %arg6[%get3A_694, %get3A_695, %get3A_696] {strides = array<i32>} : memref<4x128x32xf32, #tpu.memory_space<vmem>>, vector<16xf32>,
        %mul3A_698 = arith.constant 5.65685415 : f32
        %mul3A_699 = vector.broadcast %mul3A_698 : f32 to vector<16xf32>
        %mul3A_700 = arith.mulf %get3A_697, %mul3A_699 : vector<16xf32>
        %scatter3A_701 = arith.constant 0 : i32
        %scatter3A_702 = arith.constant 0 : i32
        %scatter3A_703 = arith.constant 0 : i32
        %scatter3A_704 = arith.constant 0 : i32
        %scatter3A_705 = tpu.memref_slice %arg7[%scatter3A_701, %scatter3A_702, %scatter3A_703, %scatter3A_704] : memref<4x4x8x129xf32, #tpu.memory_space<vmem>> -> memref<1x4x8x129xf32, #tpu.memory_space<vmem>>
        %scatter3A_706 = tpu.memref_squeeze %scatter3A_705 : memref<1x4x8x129xf32, #tpu.memory_space<vmem>> -> memref<4x8x129xf32, #tpu.memory_space<vmem>>
        tpu.vector_store_idx %scatter3A_706[%select_n3A, %select_n3A_43, %add3A_684], %mul3A_692 : memref<4x8x129xf32, #tpu.memory_space<vmem>>[vector<16xi32>, vector<16xi32>, vector<16xi32>], vector<16xf32>,
        %add3A_707 = arith.constant 2 : i32
        %add3A_708 = vector.broadcast %add3A_707 : i32 to vector<16xi32>
        %add3A_709 = arith.addi %select_n3A, %add3A_708 : vector<16xi32>
        %scatter3A_710 = arith.constant 0 : i32
        %scatter3A_711 = arith.constant 0 : i32
        %scatter3A_712 = arith.constant 0 : i32
        %scatter3A_713 = arith.constant 0 : i32
        %scatter3A_714 = tpu.memref_slice %arg7[%scatter3A_710, %scatter3A_711, %scatter3A_712, %scatter3A_713] : memref<4x4x8x129xf32, #tpu.memory_space<vmem>> -> memref<1x4x8x129xf32, #tpu.memory_space<vmem>>
        %scatter3A_715 = tpu.memref_squeeze %scatter3A_714 : memref<1x4x8x129xf32, #tpu.memory_space<vmem>> -> memref<4x8x129xf32, #tpu.memory_space<vmem>>
        tpu.vector_store_idx %scatter3A_715[%add3A_709, %select_n3A_43, %add3A_684], %mul3A_700 : memref<4x8x129xf32, #tpu.memory_space<vmem>>[vector<16xi32>, vector<16xi32>, vector<16xi32>], vector<16xf32>,
        %scan3A_716 = arith.constant 3 : i32
        %scan3A_717 = arith.addi %scan3A_609, %scan3A_716 : i32
        %broadcast_in_dim3A_718 = arith.constant 0 : i32
        %broadcast_in_dim3A_719 = vector.broadcast %broadcast_in_dim3A_718 : i32 to vector<16xi32>
        %add3A_720 = vector.broadcast %scan3A_717 : i32 to vector<16xi32>
        %add3A_721 = arith.addi %broadcast_in_dim3A_719, %add3A_720 : vector<16xi32>
        %get3A_722 = arith.constant 0 : i32
        %get3A_723 = arith.index_cast %get3A_722 : i32 to index
        %get3A_724 = arith.index_cast %scan3A_717 : i32 to index
        %get3A_725 = arith.constant 0 : index
        %get3A_726 = tpu.vector_load %arg6[%get3A_723, %get3A_724, %get3A_725] {strides = array<i32>} : memref<4x128x32xf32, #tpu.memory_space<vmem>>, vector<16xf32>,
        %mul3A_727 = arith.constant 5.65685415 : f32
        %mul3A_728 = vector.broadcast %mul3A_727 : f32 to vector<16xf32>
        %mul3A_729 = arith.mulf %get3A_726, %mul3A_728 : vector<16xf32>
        %get3A_730 = arith.constant 0 : i32
        %get3A_731 = arith.index_cast %get3A_730 : i32 to index
        %get3A_732 = arith.index_cast %scan3A_717 : i32 to index
        %get3A_733 = arith.constant 16 : index
        %get3A_734 = tpu.vector_load %arg6[%get3A_731, %get3A_732, %get3A_733] {strides = array<i32>} : memref<4x128x32xf32, #tpu.memory_space<vmem>>, vector<16xf32>,
        %mul3A_735 = arith.constant 5.65685415 : f32
        %mul3A_736 = vector.broadcast %mul3A_735 : f32 to vector<16xf32>
        %mul3A_737 = arith.mulf %get3A_734, %mul3A_736 : vector<16xf32>
        %scatter3A_738 = arith.constant 0 : i32
        %scatter3A_739 = arith.constant 0 : i32
        %scatter3A_740 = arith.constant 0 : i32
        %scatter3A_741 = arith.constant 0 : i32
        %scatter3A_742 = tpu.memref_slice %arg7[%scatter3A_738, %scatter3A_739, %scatter3A_740, %scatter3A_741] : memref<4x4x8x129xf32, #tpu.memory_space<vmem>> -> memref<1x4x8x129xf32, #tpu.memory_space<vmem>>
        %scatter3A_743 = tpu.memref_squeeze %scatter3A_742 : memref<1x4x8x129xf32, #tpu.memory_space<vmem>> -> memref<4x8x129xf32, #tpu.memory_space<vmem>>
        tpu.vector_store_idx %scatter3A_743[%select_n3A, %select_n3A_43, %add3A_721], %mul3A_729 : memref<4x8x129xf32, #tpu.memory_space<vmem>>[vector<16xi32>, vector<16xi32>, vector<16xi32>], vector<16xf32>,
        %add3A_744 = arith.constant 2 : i32
        %add3A_745 = vector.broadcast %add3A_744 : i32 to vector<16xi32>
        %add3A_746 = arith.addi %select_n3A, %add3A_745 : vector<16xi32>
        %scatter3A_747 = arith.constant 0 : i32
        %scatter3A_748 = arith.constant 0 : i32
        %scatter3A_749 = arith.constant 0 : i32
        %scatter3A_750 = arith.constant 0 : i32
        %scatter3A_751 = tpu.memref_slice %arg7[%scatter3A_747, %scatter3A_748, %scatter3A_749, %scatter3A_750] : memref<4x4x8x129xf32, #tpu.memory_space<vmem>> -> memref<1x4x8x129xf32, #tpu.memory_space<vmem>>
        %scatter3A_752 = tpu.memref_squeeze %scatter3A_751 : memref<1x4x8x129xf32, #tpu.memory_space<vmem>> -> memref<4x8x129xf32, #tpu.memory_space<vmem>>
        tpu.vector_store_idx %scatter3A_752[%add3A_746, %select_n3A_43, %add3A_721], %mul3A_737 : memref<4x8x129xf32, #tpu.memory_space<vmem>>[vector<16xi32>, vector<16xi32>, vector<16xi32>], vector<16xf32>,
        %scan3A_753 = arith.constant 4 : i32
        %scan3A_754 = arith.addi %scan3A_609, %scan3A_753 : i32
        %broadcast_in_dim3A_755 = arith.constant 0 : i32
        %broadcast_in_dim3A_756 = vector.broadcast %broadcast_in_dim3A_755 : i32 to vector<16xi32>
        %add3A_757 = vector.broadcast %scan3A_754 : i32 to vector<16xi32>
        %add3A_758 = arith.addi %broadcast_in_dim3A_756, %add3A_757 : vector<16xi32>
        %get3A_759 = arith.constant 0 : i32
        %get3A_760 = arith.index_cast %get3A_759 : i32 to index
        %get3A_761 = arith.index_cast %scan3A_754 : i32 to index
        %get3A_762 = arith.constant 0 : index
        %get3A_763 = tpu.vector_load %arg6[%get3A_760, %get3A_761, %get3A_762] {strides = array<i32>} : memref<4x128x32xf32, #tpu.memory_space<vmem>>, vector<16xf32>,
        %mul3A_764 = arith.constant 5.65685415 : f32
        %mul3A_765 = vector.broadcast %mul3A_764 : f32 to vector<16xf32>
        %mul3A_766 = arith.mulf %get3A_763, %mul3A_765 : vector<16xf32>
        %get3A_767 = arith.constant 0 : i32
        %get3A_768 = arith.index_cast %get3A_767 : i32 to index
        %get3A_769 = arith.index_cast %scan3A_754 : i32 to index
        %get3A_770 = arith.constant 16 : index
        %get3A_771 = tpu.vector_load %arg6[%get3A_768, %get3A_769, %get3A_770] {strides = array<i32>} : memref<4x128x32xf32, #tpu.memory_space<vmem>>, vector<16xf32>,
        %mul3A_772 = arith.constant 5.65685415 : f32
        %mul3A_773 = vector.broadcast %mul3A_772 : f32 to vector<16xf32>
        %mul3A_774 = arith.mulf %get3A_771, %mul3A_773 : vector<16xf32>
        %scatter3A_775 = arith.constant 0 : i32
        %scatter3A_776 = arith.constant 0 : i32
        %scatter3A_777 = arith.constant 0 : i32
        %scatter3A_778 = arith.constant 0 : i32
        %scatter3A_779 = tpu.memref_slice %arg7[%scatter3A_775, %scatter3A_776, %scatter3A_777, %scatter3A_778] : memref<4x4x8x129xf32, #tpu.memory_space<vmem>> -> memref<1x4x8x129xf32, #tpu.memory_space<vmem>>
        %scatter3A_780 = tpu.memref_squeeze %scatter3A_779 : memref<1x4x8x129xf32, #tpu.memory_space<vmem>> -> memref<4x8x129xf32, #tpu.memory_space<vmem>>
        tpu.vector_store_idx %scatter3A_780[%select_n3A, %select_n3A_43, %add3A_758], %mul3A_766 : memref<4x8x129xf32, #tpu.memory_space<vmem>>[vector<16xi32>, vector<16xi32>, vector<16xi32>], vector<16xf32>,
        %add3A_781 = arith.constant 2 : i32
        %add3A_782 = vector.broadcast %add3A_781 : i32 to vector<16xi32>
        %add3A_783 = arith.addi %select_n3A, %add3A_782 : vector<16xi32>
        %scatter3A_784 = arith.constant 0 : i32
        %scatter3A_785 = arith.constant 0 : i32
        %scatter3A_786 = arith.constant 0 : i32
        %scatter3A_787 = arith.constant 0 : i32
        %scatter3A_788 = tpu.memref_slice %arg7[%scatter3A_784, %scatter3A_785, %scatter3A_786, %scatter3A_787] : memref<4x4x8x129xf32, #tpu.memory_space<vmem>> -> memref<1x4x8x129xf32, #tpu.memory_space<vmem>>
        %scatter3A_789 = tpu.memref_squeeze %scatter3A_788 : memref<1x4x8x129xf32, #tpu.memory_space<vmem>> -> memref<4x8x129xf32, #tpu.memory_space<vmem>>
        tpu.vector_store_idx %scatter3A_789[%add3A_783, %select_n3A_43, %add3A_758], %mul3A_774 : memref<4x8x129xf32, #tpu.memory_space<vmem>>[vector<16xi32>, vector<16xi32>, vector<16xi32>], vector<16xf32>,
        %scan3A_790 = arith.constant 5 : i32
        %scan3A_791 = arith.addi %scan3A_609, %scan3A_790 : i32
        %broadcast_in_dim3A_792 = arith.constant 0 : i32
        %broadcast_in_dim3A_793 = vector.broadcast %broadcast_in_dim3A_792 : i32 to vector<16xi32>
        %add3A_794 = vector.broadcast %scan3A_791 : i32 to vector<16xi32>
        %add3A_795 = arith.addi %broadcast_in_dim3A_793, %add3A_794 : vector<16xi32>
        %get3A_796 = arith.constant 0 : i32
        %get3A_797 = arith.index_cast %get3A_796 : i32 to index
        %get3A_798 = arith.index_cast %scan3A_791 : i32 to index
        %get3A_799 = arith.constant 0 : index
        %get3A_800 = tpu.vector_load %arg6[%get3A_797, %get3A_798, %get3A_799] {strides = array<i32>} : memref<4x128x32xf32, #tpu.memory_space<vmem>>, vector<16xf32>,
        %mul3A_801 = arith.constant 5.65685415 : f32
        %mul3A_802 = vector.broadcast %mul3A_801 : f32 to vector<16xf32>
        %mul3A_803 = arith.mulf %get3A_800, %mul3A_802 : vector<16xf32>
        %get3A_804 = arith.constant 0 : i32
        %get3A_805 = arith.index_cast %get3A_804 : i32 to index
        %get3A_806 = arith.index_cast %scan3A_791 : i32 to index
        %get3A_807 = arith.constant 16 : index
        %get3A_808 = tpu.vector_load %arg6[%get3A_805, %get3A_806, %get3A_807] {strides = array<i32>} : memref<4x128x32xf32, #tpu.memory_space<vmem>>, vector<16xf32>,
        %mul3A_809 = arith.constant 5.65685415 : f32
        %mul3A_810 = vector.broadcast %mul3A_809 : f32 to vector<16xf32>
        %mul3A_811 = arith.mulf %get3A_808, %mul3A_810 : vector<16xf32>
        %scatter3A_812 = arith.constant 0 : i32
        %scatter3A_813 = arith.constant 0 : i32
        %scatter3A_814 = arith.constant 0 : i32
        %scatter3A_815 = arith.constant 0 : i32
        %scatter3A_816 = tpu.memref_slice %arg7[%scatter3A_812, %scatter3A_813, %scatter3A_814, %scatter3A_815] : memref<4x4x8x129xf32, #tpu.memory_space<vmem>> -> memref<1x4x8x129xf32, #tpu.memory_space<vmem>>
        %scatter3A_817 = tpu.memref_squeeze %scatter3A_816 : memref<1x4x8x129xf32, #tpu.memory_space<vmem>> -> memref<4x8x129xf32, #tpu.memory_space<vmem>>
        tpu.vector_store_idx %scatter3A_817[%select_n3A, %select_n3A_43, %add3A_795], %mul3A_803 : memref<4x8x129xf32, #tpu.memory_space<vmem>>[vector<16xi32>, vector<16xi32>, vector<16xi32>], vector<16xf32>,
        %add3A_818 = arith.constant 2 : i32
        %add3A_819 = vector.broadcast %add3A_818 : i32 to vector<16xi32>
        %add3A_820 = arith.addi %select_n3A, %add3A_819 : vector<16xi32>
        %scatter3A_821 = arith.constant 0 : i32
        %scatter3A_822 = arith.constant 0 : i32
        %scatter3A_823 = arith.constant 0 : i32
        %scatter3A_824 = arith.constant 0 : i32
        %scatter3A_825 = tpu.memref_slice %arg7[%scatter3A_821, %scatter3A_822, %scatter3A_823, %scatter3A_824] : memref<4x4x8x129xf32, #tpu.memory_space<vmem>> -> memref<1x4x8x129xf32, #tpu.memory_space<vmem>>
        %scatter3A_826 = tpu.memref_squeeze %scatter3A_825 : memref<1x4x8x129xf32, #tpu.memory_space<vmem>> -> memref<4x8x129xf32, #tpu.memory_space<vmem>>
        tpu.vector_store_idx %scatter3A_826[%add3A_820, %select_n3A_43, %add3A_795], %mul3A_811 : memref<4x8x129xf32, #tpu.memory_space<vmem>>[vector<16xi32>, vector<16xi32>, vector<16xi32>], vector<16xf32>,
        %scan3A_827 = arith.constant 6 : i32
        %scan3A_828 = arith.addi %scan3A_609, %scan3A_827 : i32
        %broadcast_in_dim3A_829 = arith.constant 0 : i32
        %broadcast_in_dim3A_830 = vector.broadcast %broadcast_in_dim3A_829 : i32 to vector<16xi32>
        %add3A_831 = vector.broadcast %scan3A_828 : i32 to vector<16xi32>
        %add3A_832 = arith.addi %broadcast_in_dim3A_830, %add3A_831 : vector<16xi32>
        %get3A_833 = arith.constant 0 : i32
        %get3A_834 = arith.index_cast %get3A_833 : i32 to index
        %get3A_835 = arith.index_cast %scan3A_828 : i32 to index
        %get3A_836 = arith.constant 0 : index
        %get3A_837 = tpu.vector_load %arg6[%get3A_834, %get3A_835, %get3A_836] {strides = array<i32>} : memref<4x128x32xf32, #tpu.memory_space<vmem>>, vector<16xf32>,
        %mul3A_838 = arith.constant 5.65685415 : f32
        %mul3A_839 = vector.broadcast %mul3A_838 : f32 to vector<16xf32>
        %mul3A_840 = arith.mulf %get3A_837, %mul3A_839 : vector<16xf32>
        %get3A_841 = arith.constant 0 : i32
        %get3A_842 = arith.index_cast %get3A_841 : i32 to index
        %get3A_843 = arith.index_cast %scan3A_828 : i32 to index
        %get3A_844 = arith.constant 16 : index
        %get3A_845 = tpu.vector_load %arg6[%get3A_842, %get3A_843, %get3A_844] {strides = array<i32>} : memref<4x128x32xf32, #tpu.memory_space<vmem>>, vector<16xf32>,
        %mul3A_846 = arith.constant 5.65685415 : f32
        %mul3A_847 = vector.broadcast %mul3A_846 : f32 to vector<16xf32>
        %mul3A_848 = arith.mulf %get3A_845, %mul3A_847 : vector<16xf32>
        %scatter3A_849 = arith.constant 0 : i32
        %scatter3A_850 = arith.constant 0 : i32
        %scatter3A_851 = arith.constant 0 : i32
        %scatter3A_852 = arith.constant 0 : i32
        %scatter3A_853 = tpu.memref_slice %arg7[%scatter3A_849, %scatter3A_850, %scatter3A_851, %scatter3A_852] : memref<4x4x8x129xf32, #tpu.memory_space<vmem>> -> memref<1x4x8x129xf32, #tpu.memory_space<vmem>>
        %scatter3A_854 = tpu.memref_squeeze %scatter3A_853 : memref<1x4x8x129xf32, #tpu.memory_space<vmem>> -> memref<4x8x129xf32, #tpu.memory_space<vmem>>
        tpu.vector_store_idx %scatter3A_854[%select_n3A, %select_n3A_43, %add3A_832], %mul3A_840 : memref<4x8x129xf32, #tpu.memory_space<vmem>>[vector<16xi32>, vector<16xi32>, vector<16xi32>], vector<16xf32>,
        %add3A_855 = arith.constant 2 : i32
        %add3A_856 = vector.broadcast %add3A_855 : i32 to vector<16xi32>
        %add3A_857 = arith.addi %select_n3A, %add3A_856 : vector<16xi32>
        %scatter3A_858 = arith.constant 0 : i32
        %scatter3A_859 = arith.constant 0 : i32
        %scatter3A_860 = arith.constant 0 : i32
        %scatter3A_861 = arith.constant 0 : i32
        %scatter3A_862 = tpu.memref_slice %arg7[%scatter3A_858, %scatter3A_859, %scatter3A_860, %scatter3A_861] : memref<4x4x8x129xf32, #tpu.memory_space<vmem>> -> memref<1x4x8x129xf32, #tpu.memory_space<vmem>>
        %scatter3A_863 = tpu.memref_squeeze %scatter3A_862 : memref<1x4x8x129xf32, #tpu.memory_space<vmem>> -> memref<4x8x129xf32, #tpu.memory_space<vmem>>
        tpu.vector_store_idx %scatter3A_863[%add3A_857, %select_n3A_43, %add3A_832], %mul3A_848 : memref<4x8x129xf32, #tpu.memory_space<vmem>>[vector<16xi32>, vector<16xi32>, vector<16xi32>], vector<16xf32>,
        %scan3A_864 = arith.constant 7 : i32
        %scan3A_865 = arith.addi %scan3A_609, %scan3A_864 : i32
        %broadcast_in_dim3A_866 = arith.constant 0 : i32
        %broadcast_in_dim3A_867 = vector.broadcast %broadcast_in_dim3A_866 : i32 to vector<16xi32>
        %add3A_868 = vector.broadcast %scan3A_865 : i32 to vector<16xi32>
        %add3A_869 = arith.addi %broadcast_in_dim3A_867, %add3A_868 : vector<16xi32>
        %get3A_870 = arith.constant 0 : i32
        %get3A_871 = arith.index_cast %get3A_870 : i32 to index
        %get3A_872 = arith.index_cast %scan3A_865 : i32 to index
        %get3A_873 = arith.constant 0 : index
        %get3A_874 = tpu.vector_load %arg6[%get3A_871, %get3A_872, %get3A_873] {strides = array<i32>} : memref<4x128x32xf32, #tpu.memory_space<vmem>>, vector<16xf32>,
        %mul3A_875 = arith.constant 5.65685415 : f32
        %mul3A_876 = vector.broadcast %mul3A_875 : f32 to vector<16xf32>
        %mul3A_877 = arith.mulf %get3A_874, %mul3A_876 : vector<16xf32>
        %get3A_878 = arith.constant 0 : i32
        %get3A_879 = arith.index_cast %get3A_878 : i32 to index
        %get3A_880 = arith.index_cast %scan3A_865 : i32 to index
        %get3A_881 = arith.constant 16 : index
        %get3A_882 = tpu.vector_load %arg6[%get3A_879, %get3A_880, %get3A_881] {strides = array<i32>} : memref<4x128x32xf32, #tpu.memory_space<vmem>>, vector<16xf32>,
        %mul3A_883 = arith.constant 5.65685415 : f32
        %mul3A_884 = vector.broadcast %mul3A_883 : f32 to vector<16xf32>
        %mul3A_885 = arith.mulf %get3A_882, %mul3A_884 : vector<16xf32>
        %scatter3A_886 = arith.constant 0 : i32
        %scatter3A_887 = arith.constant 0 : i32
        %scatter3A_888 = arith.constant 0 : i32
        %scatter3A_889 = arith.constant 0 : i32
        %scatter3A_890 = tpu.memref_slice %arg7[%scatter3A_886, %scatter3A_887, %scatter3A_888, %scatter3A_889] : memref<4x4x8x129xf32, #tpu.memory_space<vmem>> -> memref<1x4x8x129xf32, #tpu.memory_space<vmem>>
        %scatter3A_891 = tpu.memref_squeeze %scatter3A_890 : memref<1x4x8x129xf32, #tpu.memory_space<vmem>> -> memref<4x8x129xf32, #tpu.memory_space<vmem>>
        tpu.vector_store_idx %scatter3A_891[%select_n3A, %select_n3A_43, %add3A_869], %mul3A_877 : memref<4x8x129xf32, #tpu.memory_space<vmem>>[vector<16xi32>, vector<16xi32>, vector<16xi32>], vector<16xf32>,
        %add3A_892 = arith.constant 2 : i32
        %add3A_893 = vector.broadcast %add3A_892 : i32 to vector<16xi32>
        %add3A_894 = arith.addi %select_n3A, %add3A_893 : vector<16xi32>
        %scatter3A_895 = arith.constant 0 : i32
        %scatter3A_896 = arith.constant 0 : i32
        %scatter3A_897 = arith.constant 0 : i32
        %scatter3A_898 = arith.constant 0 : i32
        %scatter3A_899 = tpu.memref_slice %arg7[%scatter3A_895, %scatter3A_896, %scatter3A_897, %scatter3A_898] : memref<4x4x8x129xf32, #tpu.memory_space<vmem>> -> memref<1x4x8x129xf32, #tpu.memory_space<vmem>>
        %scatter3A_900 = tpu.memref_squeeze %scatter3A_899 : memref<1x4x8x129xf32, #tpu.memory_space<vmem>> -> memref<4x8x129xf32, #tpu.memory_space<vmem>>
        tpu.vector_store_idx %scatter3A_900[%add3A_894, %select_n3A_43, %add3A_869], %mul3A_885 : memref<4x8x129xf32, #tpu.memory_space<vmem>>[vector<16xi32>, vector<16xi32>, vector<16xi32>], vector<16xf32>,
      }
      %scan3A_277 = arith.constant 128 : i32
      %dma_start3A_278 = arith.constant 0 : i32
      %dma_start3A_279 = arith.constant 0 : i32
      %dma_start3A_280 = arith.constant 0 : i32
      %dma_start3A_281 = arith.constant 0 : i32
      %dma_start3A_282 = arith.constant 0 : i32
      %dma_start3A_283 = tpu.memref_slice %arg7[%dma_start3A_278, %dma_start3A_280, %dma_start3A_281, %dma_start3A_282] : memref<4x4x8x129xf32, #tpu.memory_space<vmem>> -> memref<1x4x8x128xf32, #tpu.memory_space<vmem>>
      %dma_start3A_284 = tpu.memref_squeeze %dma_start3A_283 : memref<1x4x8x128xf32, #tpu.memory_space<vmem>> -> memref<4x8x128xf32, #tpu.memory_space<vmem>>
      %dma_start3A_285 = arith.constant 0 : i32
      %dma_start3A_286 = arith.constant 0 : i32
      %dma_start3A_287 = arith.constant 0 : i32
      %dma_start3A_288 = tpu.memref_slice %arg4[%add3A_215, %dma_start3A_285, %add3A, %dma_start3A_286, %dma_start3A_287] : memref<200x4x32x8x128xf32, #tpu.memory_space<hbm>> -> memref<1x4x1x8x128xf32, #tpu.memory_space<hbm>>
      %dma_start3A_289 = tpu.memref_squeeze %dma_start3A_288 : memref<1x4x1x8x128xf32, #tpu.memory_space<hbm>> -> memref<4x8x128xf32, #tpu.memory_space<hbm>>
      %dma_start3A_290 = tpu.memref_slice %arg9[%dma_start3A_279] : memref<4x!tpu.dma_semaphore, #tpu.memory_space<semaphore_mem>> -> memref<1x!tpu.dma_semaphore, #tpu.memory_space<semaphore_mem>>
      %dma_start3A_291 = tpu.memref_squeeze %dma_start3A_290 : memref<1x!tpu.dma_semaphore, #tpu.memory_space<semaphore_mem>> -> memref<!tpu.dma_semaphore, #tpu.memory_space<semaphore_mem>>
      %dma_start3A_292 = arith.constant 0 : i32
      %dma_start3A_293 = arith.constant 0 : i32
      %dma_start3A_294 = arith.constant 0 : i32
      %dma_start3A_295 = tpu.memref_slice %arg4[%add3A_215, %dma_start3A_292, %add3A, %dma_start3A_293, %dma_start3A_294] : memref<200x4x32x8x128xf32, #tpu.memory_space<hbm>> -> memref<1x4x1x8x128xf32, #tpu.memory_space<hbm>>
      %dma_start3A_296 = tpu.memref_squeeze %dma_start3A_295 : memref<1x4x1x8x128xf32, #tpu.memory_space<hbm>> -> memref<4x8x128xf32, #tpu.memory_space<hbm>>
      %dma_start3A_297 = arith.constant 0 : i32
      %dma_start3A_298 = arith.constant 0 : i32
      %dma_start3A_299 = arith.constant 0 : i32
      %dma_start3A_300 = tpu.memref_slice %arg7[%dma_start3A_278, %dma_start3A_297, %dma_start3A_298, %dma_start3A_299] : memref<4x4x8x129xf32, #tpu.memory_space<vmem>> -> memref<1x4x8x128xf32, #tpu.memory_space<vmem>>
      %dma_start3A_301 = tpu.memref_squeeze %dma_start3A_300 : memref<1x4x8x128xf32, #tpu.memory_space<vmem>> -> memref<4x8x128xf32, #tpu.memory_space<vmem>>
      tpu.enqueue_dma source(%dma_start3A_301 : memref<4x8x128xf32, #tpu.memory_space<vmem>>) target(%dma_start3A_296 : memref<4x8x128xf32, #tpu.memory_space<hbm>>) target_semaphore(%dma_start3A_291 : memref<!tpu.dma_semaphore, #tpu.memory_space<semaphore_mem>>)
      %add3A_302 = arith.constant 4 : i32
      %add3A_303 = arith.addi %add3A_215, %add3A_302 : i32
      %lt3A_304 = arith.constant 200 : i32
      %lt3A_305 = arith.cmpi slt, %add3A_303, %lt3A_304 : i32
      %convert_element_type3A_306 = arith.extui %lt3A_305 : i1 to i32
      %cond3A_307 = arith.constant 0 : i32
      %cond3A_308 = arith.cmpi ne, %convert_element_type3A_306, %cond3A_307 : i32
      scf.if %cond3A_308 {
        %add3A_609 = arith.constant 4 : i32
        %add3A_610 = arith.addi %add3A_215, %add3A_609 : i32
        %jit3A_611 = arith.constant 8 : i32
        %div3A_612 = arith.divsi %add3A_610, %jit3A_611 : i32
        %sign3A_613 = arith.constant 0 : i32
        %sign3A_614 = arith.cmpi sgt, %add3A_610, %sign3A_613 : i32
        %sign3A_615 = arith.extui %sign3A_614 : i1 to i32
        %sign3A_616 = arith.constant 0 : i32
        %sign3A_617 = arith.cmpi slt, %add3A_610, %sign3A_616 : i32
        %sign3A_618 = arith.extui %sign3A_617 : i1 to i32
        %sign3A_619 = arith.subi %sign3A_615, %sign3A_618 : i32
        %sign3A_620 = arith.constant 0 : i32
        %sign3A_621 = arith.cmpi sgt, %jit3A_611, %sign3A_620 : i32
        %sign3A_622 = arith.extui %sign3A_621 : i1 to i32
        %sign3A_623 = arith.constant 0 : i32
        %sign3A_624 = arith.cmpi slt, %jit3A_611, %sign3A_623 : i32
        %sign3A_625 = arith.extui %sign3A_624 : i1 to i32
        %sign3A_626 = arith.subi %sign3A_622, %sign3A_625 : i32
        %ne3A_627 = arith.cmpi ne, %sign3A_619, %sign3A_626 : i32
        %rem3A_628 = arith.remsi %add3A_610, %jit3A_611 : i32
        %ne3A_629 = arith.constant 0 : i32
        %ne3A_630 = arith.cmpi ne, %rem3A_628, %ne3A_629 : i32
        %and3A_631 = arith.andi %ne3A_627, %ne3A_630 : i1
        %sub3A_632 = arith.constant 1 : i32
        %sub3A_633 = arith.subi %div3A_612, %sub3A_632 : i32
        %select_n3A_634 = arith.select %and3A_631, %sub3A_633, %div3A_612 : i32
        %jit3A_635 = arith.constant 8 : i32
        %eq3A_636 = arith.constant 0 : i32
        %eq3A_637 = arith.cmpi eq, %jit3A_635, %eq3A_636 : i32
        %jit3A_638 = arith.constant 1 : i32
        %select_n3A_639 = arith.select %eq3A_637, %jit3A_638, %jit3A_635 : i32
        %rem3A_640 = arith.remsi %add3A_610, %select_n3A_639 : i32
        %ne3A_641 = arith.constant 0 : i32
        %ne3A_642 = arith.cmpi ne, %rem3A_640, %ne3A_641 : i32
        %lt3A_643 = arith.constant 0 : i32
        %lt3A_644 = arith.cmpi slt, %rem3A_640, %lt3A_643 : i32
        %lt3A_645 = arith.constant 0 : i32
        %lt3A_646 = arith.cmpi slt, %select_n3A_639, %lt3A_645 : i32
        %ne3A_647 = arith.xori %lt3A_644, %lt3A_646 : i1
        %and3A_648 = arith.andi %ne3A_647, %ne3A_642 : i1
        %add3A_649 = arith.addi %rem3A_640, %select_n3A_639 : i32
        %select_n3A_650 = arith.select %and3A_648, %add3A_649, %rem3A_640 : i32
        %dma_start3A_651 = arith.constant 0 : i32
        %dma_start3A_652 = arith.constant 0 : i32
        %dma_start3A_653 = arith.constant 0 : i32
        %dma_start3A_654 = arith.constant 0 : i32
        %dma_start3A_655 = tpu.memref_slice %arg6[%dma_start3A_651, %dma_start3A_653, %dma_start3A_654] : memref<4x128x32xf32, #tpu.memory_space<vmem>> -> memref<1x128x32xf32, #tpu.memory_space<vmem>>
        %dma_start3A_656 = tpu.memref_squeeze %dma_start3A_655 : memref<1x128x32xf32, #tpu.memory_space<vmem>> -> memref<128x32xf32, #tpu.memory_space<vmem>>
        %dma_start3A_657 = arith.constant 0 : i32
        %dma_start3A_658 = tpu.memref_slice %arg5[%select_n3A_634, %select_n3A_650, %dma_start3A_657] : memref<25x8x128xi32, #tpu.memory_space<vmem>> -> memref<1x1x128xi32, #tpu.memory_space<vmem>>
        %dma_start3A_659 = tpu.memref_squeeze %dma_start3A_658 : memref<1x1x128xi32, #tpu.memory_space<vmem>> -> memref<128xi32, #tpu.memory_space<vmem>>
        %dma_start3A_660 = arith.constant 0 : i32
        %dma_start3A_661 = arith.constant 0 : i32
        %dma_start3A_662 = tpu.memref_slice %arg3[%dma_start3A_660, %dma_start3A_661] : memref<1000000x32xf32, #tpu.memory_space<hbm>> -> memref<1000000x32xf32, #tpu.memory_space<hbm>>
        %dma_start3A_663 = tpu.memref_slice %arg8[%dma_start3A_652] : memref<4x!tpu.dma_semaphore, #tpu.memory_space<semaphore_mem>> -> memref<1x!tpu.dma_semaphore, #tpu.memory_space<semaphore_mem>>
        %dma_start3A_664 = tpu.memref_squeeze %dma_start3A_663 : memref<1x!tpu.dma_semaphore, #tpu.memory_space<semaphore_mem>> -> memref<!tpu.dma_semaphore, #tpu.memory_space<semaphore_mem>>
        tpu.enqueue_indirect_dma source(%dma_start3A_662 : memref<1000000x32xf32, #tpu.memory_space<hbm>>) target(%dma_start3A_656 : memref<128x32xf32, #tpu.memory_space<vmem>>) offsets(%dma_start3A_659 : memref<128xi32, #tpu.memory_space<vmem>>) semaphore(%dma_start3A_664 : memref<!tpu.dma_semaphore, #tpu.memory_space<semaphore_mem>>)
      } else {
      }
      %mul3A_309 = arith.constant 4 : i32
      %mul3A_310 = arith.muli %mul3A_309, %scan3A_211 : i32
      %add3A_311 = arith.constant 1 : i32
      %add3A_312 = arith.addi %mul3A_310, %add3A_311 : i32
      %gt3A_313 = arith.constant 0 : i32
      %gt3A_314 = arith.cmpi sgt, %scan3A_211, %gt3A_313 : i32
      %convert_element_type3A_315 = arith.extui %gt3A_314 : i1 to i32
      %cond3A_316 = arith.constant 0 : i32
      %cond3A_317 = arith.cmpi ne, %convert_element_type3A_315, %cond3A_316 : i32
      scf.if %cond3A_317 {
        %sub3A_609 = arith.constant 4 : i32
        %sub3A_610 = arith.subi %add3A_312, %sub3A_609 : i32
        %dma_wait3A_611 = arith.constant 1 : i32
        %dma_wait3A_612 = arith.constant 1 : i32
        %dma_wait3A_613 = arith.constant 0 : i32
        %dma_wait3A_614 = arith.constant 0 : i32
        %dma_wait3A_615 = arith.constant 0 : i32
        %dma_wait3A_616 = tpu.memref_slice %arg7[%dma_wait3A_611, %dma_wait3A_613, %dma_wait3A_614, %dma_wait3A_615] : memref<4x4x8x129xf32, #tpu.memory_space<vmem>> -> memref<1x4x8x128xf32, #tpu.memory_space<vmem>>
        %dma_wait3A_617 = tpu.memref_squeeze %dma_wait3A_616 : memref<1x4x8x128xf32, #tpu.memory_space<vmem>> -> memref<4x8x128xf32, #tpu.memory_space<vmem>>
        %dma_wait3A_618 = arith.constant 0 : i32
        %dma_wait3A_619 = arith.constant 0 : i32
        %dma_wait3A_620 = arith.constant 0 : i32
        %dma_wait3A_621 = tpu.memref_slice %arg4[%sub3A_610, %dma_wait3A_618, %add3A, %dma_wait3A_619, %dma_wait3A_620] : memref<200x4x32x8x128xf32, #tpu.memory_space<hbm>> -> memref<1x4x1x8x128xf32, #tpu.memory_space<hbm>>
        %dma_wait3A_622 = tpu.memref_squeeze %dma_wait3A_621 : memref<1x4x1x8x128xf32, #tpu.memory_space<hbm>> -> memref<4x8x128xf32, #tpu.memory_space<hbm>>
        %dma_wait3A_623 = tpu.memref_slice %arg9[%dma_wait3A_612] : memref<4x!tpu.dma_semaphore, #tpu.memory_space<semaphore_mem>> -> memref<1x!tpu.dma_semaphore, #tpu.memory_space<semaphore_mem>>
        %dma_wait3A_624 = tpu.memref_squeeze %dma_wait3A_623 : memref<1x!tpu.dma_semaphore, #tpu.memory_space<semaphore_mem>> -> memref<!tpu.dma_semaphore, #tpu.memory_space<semaphore_mem>>
        %dma_wait3A_625 = arith.constant 0 : i32
        %dma_wait3A_626 = arith.constant 0 : i32
        %dma_wait3A_627 = arith.constant 0 : i32
        %dma_wait3A_628 = tpu.memref_slice %arg4[%sub3A_610, %dma_wait3A_625, %add3A, %dma_wait3A_626, %dma_wait3A_627] : memref<200x4x32x8x128xf32, #tpu.memory_space<hbm>> -> memref<1x4x1x8x128xf32, #tpu.memory_space<hbm>>
        %dma_wait3A_629 = tpu.memref_squeeze %dma_wait3A_628 : memref<1x4x1x8x128xf32, #tpu.memory_space<hbm>> -> memref<4x8x128xf32, #tpu.memory_space<hbm>>
        %dma_wait3A_630 = arith.constant 0 : i32
        %dma_wait3A_631 = arith.constant 0 : i32
        %dma_wait3A_632 = arith.constant 0 : i32
        %dma_wait3A_633 = tpu.memref_slice %arg7[%dma_wait3A_611, %dma_wait3A_630, %dma_wait3A_631, %dma_wait3A_632] : memref<4x4x8x129xf32, #tpu.memory_space<vmem>> -> memref<1x4x8x128xf32, #tpu.memory_space<vmem>>
        %dma_wait3A_634 = tpu.memref_squeeze %dma_wait3A_633 : memref<1x4x8x128xf32, #tpu.memory_space<vmem>> -> memref<4x8x128xf32, #tpu.memory_space<vmem>>
        tpu.wait_dma2 semaphore(%dma_wait3A_624 : memref<!tpu.dma_semaphore, #tpu.memory_space<semaphore_mem>>) src(%dma_wait3A_634 : memref<4x8x128xf32, #tpu.memory_space<vmem>>) dst(%dma_wait3A_629 : memref<4x8x128xf32, #tpu.memory_space<hbm>>)
      } else {
      }
      %jit3A_318 = arith.constant 8 : i32
      %div3A_319 = arith.divsi %add3A_312, %jit3A_318 : i32
      %sign3A_320 = arith.constant 0 : i32
      %sign3A_321 = arith.cmpi sgt, %add3A_312, %sign3A_320 : i32
      %sign3A_322 = arith.extui %sign3A_321 : i1 to i32
      %sign3A_323 = arith.constant 0 : i32
      %sign3A_324 = arith.cmpi slt, %add3A_312, %sign3A_323 : i32
      %sign3A_325 = arith.extui %sign3A_324 : i1 to i32
      %sign3A_326 = arith.subi %sign3A_322, %sign3A_325 : i32
      %sign3A_327 = arith.constant 0 : i32
      %sign3A_328 = arith.cmpi sgt, %jit3A_318, %sign3A_327 : i32
      %sign3A_329 = arith.extui %sign3A_328 : i1 to i32
      %sign3A_330 = arith.constant 0 : i32
      %sign3A_331 = arith.cmpi slt, %jit3A_318, %sign3A_330 : i32
      %sign3A_332 = arith.extui %sign3A_331 : i1 to i32
      %sign3A_333 = arith.subi %sign3A_329, %sign3A_332 : i32
      %ne3A_334 = arith.cmpi ne, %sign3A_326, %sign3A_333 : i32
      %rem3A_335 = arith.remsi %add3A_312, %jit3A_318 : i32
      %ne3A_336 = arith.constant 0 : i32
      %ne3A_337 = arith.cmpi ne, %rem3A_335, %ne3A_336 : i32
      %and3A_338 = arith.andi %ne3A_334, %ne3A_337 : i1
      %sub3A_339 = arith.constant 1 : i32
      %sub3A_340 = arith.subi %div3A_319, %sub3A_339 : i32
      %select_n3A_341 = arith.select %and3A_338, %sub3A_340, %div3A_319 : i32
      %jit3A_342 = arith.constant 8 : i32
      %eq3A_343 = arith.constant 0 : i32
      %eq3A_344 = arith.cmpi eq, %jit3A_342, %eq3A_343 : i32
      %jit3A_345 = arith.constant 1 : i32
      %select_n3A_346 = arith.select %eq3A_344, %jit3A_345, %jit3A_342 : i32
      %rem3A_347 = arith.remsi %add3A_312, %select_n3A_346 : i32
      %ne3A_348 = arith.constant 0 : i32
      %ne3A_349 = arith.cmpi ne, %rem3A_347, %ne3A_348 : i32
      %lt3A_350 = arith.constant 0 : i32
      %lt3A_351 = arith.cmpi slt, %rem3A_347, %lt3A_350 : i32
      %lt3A_352 = arith.constant 0 : i32
      %lt3A_353 = arith.cmpi slt, %select_n3A_346, %lt3A_352 : i32
      %ne3A_354 = arith.xori %lt3A_351, %lt3A_353 : i1
      %and3A_355 = arith.andi %ne3A_354, %ne3A_349 : i1
      %add3A_356 = arith.addi %rem3A_347, %select_n3A_346 : i32
      %select_n3A_357 = arith.select %and3A_355, %add3A_356, %rem3A_347 : i32
      %dma_wait3A_358 = arith.constant 1 : i32
      %dma_wait3A_359 = arith.constant 1 : i32
      %dma_wait3A_360 = arith.constant 0 : i32
      %dma_wait3A_361 = arith.constant 0 : i32
      %dma_wait3A_362 = tpu.memref_slice %arg6[%dma_wait3A_358, %dma_wait3A_360, %dma_wait3A_361] : memref<4x128x32xf32, #tpu.memory_space<vmem>> -> memref<1x128x32xf32, #tpu.memory_space<vmem>>
      %dma_wait3A_363 = tpu.memref_squeeze %dma_wait3A_362 : memref<1x128x32xf32, #tpu.memory_space<vmem>> -> memref<128x32xf32, #tpu.memory_space<vmem>>
      %dma_wait3A_364 = arith.constant 0 : i32
      %dma_wait3A_365 = tpu.memref_slice %arg5[%select_n3A_341, %select_n3A_357, %dma_wait3A_364] : memref<25x8x128xi32, #tpu.memory_space<vmem>> -> memref<1x1x128xi32, #tpu.memory_space<vmem>>
      %dma_wait3A_366 = tpu.memref_squeeze %dma_wait3A_365 : memref<1x1x128xi32, #tpu.memory_space<vmem>> -> memref<128xi32, #tpu.memory_space<vmem>>
      %dma_wait3A_367 = arith.constant 0 : i32
      %dma_wait3A_368 = arith.constant 0 : i32
      %dma_wait3A_369 = tpu.memref_slice %arg3[%dma_wait3A_367, %dma_wait3A_368] : memref<1000000x32xf32, #tpu.memory_space<hbm>> -> memref<1000000x32xf32, #tpu.memory_space<hbm>>
      %dma_wait3A_370 = tpu.memref_slice %arg8[%dma_wait3A_359] : memref<4x!tpu.dma_semaphore, #tpu.memory_space<semaphore_mem>> -> memref<1x!tpu.dma_semaphore, #tpu.memory_space<semaphore_mem>>
      %dma_wait3A_371 = tpu.memref_squeeze %dma_wait3A_370 : memref<1x!tpu.dma_semaphore, #tpu.memory_space<semaphore_mem>> -> memref<!tpu.dma_semaphore, #tpu.memory_space<semaphore_mem>>
      tpu.wait_indirect_dma semaphore(%dma_wait3A_371 : memref<!tpu.dma_semaphore, #tpu.memory_space<semaphore_mem>>) src(%dma_wait3A_369 : memref<1000000x32xf32, #tpu.memory_space<hbm>>) dst(%dma_wait3A_363 : memref<128x32xf32, #tpu.memory_space<vmem>>)
      %scan3A_372 = arith.constant 0 : i32
      %scan3A_373 = arith.constant 0 : i32
      %scan3A_374 = arith.constant 128 : i32
      %scan3A_375 = arith.addi %scan3A_373, %scan3A_374 : i32
      %scan3A_376 = arith.constant 8 : i32
      scf.for %scan3A_609 = %scan3A_373 to %scan3A_375 step %scan3A_376  : i32 {
        %broadcast_in_dim3A = arith.constant 0 : i32
        %broadcast_in_dim3A_610 = vector.broadcast %broadcast_in_dim3A : i32 to vector<16xi32>
        %add3A_611 = vector.broadcast %scan3A_609 : i32 to vector<16xi32>
        %add3A_612 = arith.addi %broadcast_in_dim3A_610, %add3A_611 : vector<16xi32>
        %get3A = arith.constant 1 : i32
        %get3A_613 = arith.index_cast %get3A : i32 to index
        %get3A_614 = arith.index_cast %scan3A_609 : i32 to index
        %get3A_615 = arith.constant 0 : index
        %get3A_616 = tpu.vector_load %arg6[%get3A_613, %get3A_614, %get3A_615] {strides = array<i32>} : memref<4x128x32xf32, #tpu.memory_space<vmem>>, vector<16xf32>,
        %mul3A_617 = arith.constant 5.65685415 : f32
        %mul3A_618 = vector.broadcast %mul3A_617 : f32 to vector<16xf32>
        %mul3A_619 = arith.mulf %get3A_616, %mul3A_618 : vector<16xf32>
        %get3A_620 = arith.constant 1 : i32
        %get3A_621 = arith.index_cast %get3A_620 : i32 to index
        %get3A_622 = arith.index_cast %scan3A_609 : i32 to index
        %get3A_623 = arith.constant 16 : index
        %get3A_624 = tpu.vector_load %arg6[%get3A_621, %get3A_622, %get3A_623] {strides = array<i32>} : memref<4x128x32xf32, #tpu.memory_space<vmem>>, vector<16xf32>,
        %mul3A_625 = arith.constant 5.65685415 : f32
        %mul3A_626 = vector.broadcast %mul3A_625 : f32 to vector<16xf32>
        %mul3A_627 = arith.mulf %get3A_624, %mul3A_626 : vector<16xf32>
        %scatter3A = arith.constant 1 : i32
        %scatter3A_628 = arith.constant 0 : i32
        %scatter3A_629 = arith.constant 0 : i32
        %scatter3A_630 = arith.constant 0 : i32
        %scatter3A_631 = tpu.memref_slice %arg7[%scatter3A, %scatter3A_628, %scatter3A_629, %scatter3A_630] : memref<4x4x8x129xf32, #tpu.memory_space<vmem>> -> memref<1x4x8x129xf32, #tpu.memory_space<vmem>>
        %scatter3A_632 = tpu.memref_squeeze %scatter3A_631 : memref<1x4x8x129xf32, #tpu.memory_space<vmem>> -> memref<4x8x129xf32, #tpu.memory_space<vmem>>
        tpu.vector_store_idx %scatter3A_632[%select_n3A, %select_n3A_43, %add3A_612], %mul3A_619 : memref<4x8x129xf32, #tpu.memory_space<vmem>>[vector<16xi32>, vector<16xi32>, vector<16xi32>], vector<16xf32>,
        %add3A_633 = arith.constant 2 : i32
        %add3A_634 = vector.broadcast %add3A_633 : i32 to vector<16xi32>
        %add3A_635 = arith.addi %select_n3A, %add3A_634 : vector<16xi32>
        %scatter3A_636 = arith.constant 1 : i32
        %scatter3A_637 = arith.constant 0 : i32
        %scatter3A_638 = arith.constant 0 : i32
        %scatter3A_639 = arith.constant 0 : i32
        %scatter3A_640 = tpu.memref_slice %arg7[%scatter3A_636, %scatter3A_637, %scatter3A_638, %scatter3A_639] : memref<4x4x8x129xf32, #tpu.memory_space<vmem>> -> memref<1x4x8x129xf32, #tpu.memory_space<vmem>>
        %scatter3A_641 = tpu.memref_squeeze %scatter3A_640 : memref<1x4x8x129xf32, #tpu.memory_space<vmem>> -> memref<4x8x129xf32, #tpu.memory_space<vmem>>
        tpu.vector_store_idx %scatter3A_641[%add3A_635, %select_n3A_43, %add3A_612], %mul3A_627 : memref<4x8x129xf32, #tpu.memory_space<vmem>>[vector<16xi32>, vector<16xi32>, vector<16xi32>], vector<16xf32>,
        %scan3A_642 = arith.constant 1 : i32
        %scan3A_643 = arith.addi %scan3A_609, %scan3A_642 : i32
        %broadcast_in_dim3A_644 = arith.constant 0 : i32
        %broadcast_in_dim3A_645 = vector.broadcast %broadcast_in_dim3A_644 : i32 to vector<16xi32>
        %add3A_646 = vector.broadcast %scan3A_643 : i32 to vector<16xi32>
        %add3A_647 = arith.addi %broadcast_in_dim3A_645, %add3A_646 : vector<16xi32>
        %get3A_648 = arith.constant 1 : i32
        %get3A_649 = arith.index_cast %get3A_648 : i32 to index
        %get3A_650 = arith.index_cast %scan3A_643 : i32 to index
        %get3A_651 = arith.constant 0 : index
        %get3A_652 = tpu.vector_load %arg6[%get3A_649, %get3A_650, %get3A_651] {strides = array<i32>} : memref<4x128x32xf32, #tpu.memory_space<vmem>>, vector<16xf32>,
        %mul3A_653 = arith.constant 5.65685415 : f32
        %mul3A_654 = vector.broadcast %mul3A_653 : f32 to vector<16xf32>
        %mul3A_655 = arith.mulf %get3A_652, %mul3A_654 : vector<16xf32>
        %get3A_656 = arith.constant 1 : i32
        %get3A_657 = arith.index_cast %get3A_656 : i32 to index
        %get3A_658 = arith.index_cast %scan3A_643 : i32 to index
        %get3A_659 = arith.constant 16 : index
        %get3A_660 = tpu.vector_load %arg6[%get3A_657, %get3A_658, %get3A_659] {strides = array<i32>} : memref<4x128x32xf32, #tpu.memory_space<vmem>>, vector<16xf32>,
        %mul3A_661 = arith.constant 5.65685415 : f32
        %mul3A_662 = vector.broadcast %mul3A_661 : f32 to vector<16xf32>
        %mul3A_663 = arith.mulf %get3A_660, %mul3A_662 : vector<16xf32>
        %scatter3A_664 = arith.constant 1 : i32
        %scatter3A_665 = arith.constant 0 : i32
        %scatter3A_666 = arith.constant 0 : i32
        %scatter3A_667 = arith.constant 0 : i32
        %scatter3A_668 = tpu.memref_slice %arg7[%scatter3A_664, %scatter3A_665, %scatter3A_666, %scatter3A_667] : memref<4x4x8x129xf32, #tpu.memory_space<vmem>> -> memref<1x4x8x129xf32, #tpu.memory_space<vmem>>
        %scatter3A_669 = tpu.memref_squeeze %scatter3A_668 : memref<1x4x8x129xf32, #tpu.memory_space<vmem>> -> memref<4x8x129xf32, #tpu.memory_space<vmem>>
        tpu.vector_store_idx %scatter3A_669[%select_n3A, %select_n3A_43, %add3A_647], %mul3A_655 : memref<4x8x129xf32, #tpu.memory_space<vmem>>[vector<16xi32>, vector<16xi32>, vector<16xi32>], vector<16xf32>,
        %add3A_670 = arith.constant 2 : i32
        %add3A_671 = vector.broadcast %add3A_670 : i32 to vector<16xi32>
        %add3A_672 = arith.addi %select_n3A, %add3A_671 : vector<16xi32>
        %scatter3A_673 = arith.constant 1 : i32
        %scatter3A_674 = arith.constant 0 : i32
        %scatter3A_675 = arith.constant 0 : i32
        %scatter3A_676 = arith.constant 0 : i32
        %scatter3A_677 = tpu.memref_slice %arg7[%scatter3A_673, %scatter3A_674, %scatter3A_675, %scatter3A_676] : memref<4x4x8x129xf32, #tpu.memory_space<vmem>> -> memref<1x4x8x129xf32, #tpu.memory_space<vmem>>
        %scatter3A_678 = tpu.memref_squeeze %scatter3A_677 : memref<1x4x8x129xf32, #tpu.memory_space<vmem>> -> memref<4x8x129xf32, #tpu.memory_space<vmem>>
        tpu.vector_store_idx %scatter3A_678[%add3A_672, %select_n3A_43, %add3A_647], %mul3A_663 : memref<4x8x129xf32, #tpu.memory_space<vmem>>[vector<16xi32>, vector<16xi32>, vector<16xi32>], vector<16xf32>,
        %scan3A_679 = arith.constant 2 : i32
        %scan3A_680 = arith.addi %scan3A_609, %scan3A_679 : i32
        %broadcast_in_dim3A_681 = arith.constant 0 : i32
        %broadcast_in_dim3A_682 = vector.broadcast %broadcast_in_dim3A_681 : i32 to vector<16xi32>
        %add3A_683 = vector.broadcast %scan3A_680 : i32 to vector<16xi32>
        %add3A_684 = arith.addi %broadcast_in_dim3A_682, %add3A_683 : vector<16xi32>
        %get3A_685 = arith.constant 1 : i32
        %get3A_686 = arith.index_cast %get3A_685 : i32 to index
        %get3A_687 = arith.index_cast %scan3A_680 : i32 to index
        %get3A_688 = arith.constant 0 : index
        %get3A_689 = tpu.vector_load %arg6[%get3A_686, %get3A_687, %get3A_688] {strides = array<i32>} : memref<4x128x32xf32, #tpu.memory_space<vmem>>, vector<16xf32>,
        %mul3A_690 = arith.constant 5.65685415 : f32
        %mul3A_691 = vector.broadcast %mul3A_690 : f32 to vector<16xf32>
        %mul3A_692 = arith.mulf %get3A_689, %mul3A_691 : vector<16xf32>
        %get3A_693 = arith.constant 1 : i32
        %get3A_694 = arith.index_cast %get3A_693 : i32 to index
        %get3A_695 = arith.index_cast %scan3A_680 : i32 to index
        %get3A_696 = arith.constant 16 : index
        %get3A_697 = tpu.vector_load %arg6[%get3A_694, %get3A_695, %get3A_696] {strides = array<i32>} : memref<4x128x32xf32, #tpu.memory_space<vmem>>, vector<16xf32>,
        %mul3A_698 = arith.constant 5.65685415 : f32
        %mul3A_699 = vector.broadcast %mul3A_698 : f32 to vector<16xf32>
        %mul3A_700 = arith.mulf %get3A_697, %mul3A_699 : vector<16xf32>
        %scatter3A_701 = arith.constant 1 : i32
        %scatter3A_702 = arith.constant 0 : i32
        %scatter3A_703 = arith.constant 0 : i32
        %scatter3A_704 = arith.constant 0 : i32
        %scatter3A_705 = tpu.memref_slice %arg7[%scatter3A_701, %scatter3A_702, %scatter3A_703, %scatter3A_704] : memref<4x4x8x129xf32, #tpu.memory_space<vmem>> -> memref<1x4x8x129xf32, #tpu.memory_space<vmem>>
        %scatter3A_706 = tpu.memref_squeeze %scatter3A_705 : memref<1x4x8x129xf32, #tpu.memory_space<vmem>> -> memref<4x8x129xf32, #tpu.memory_space<vmem>>
        tpu.vector_store_idx %scatter3A_706[%select_n3A, %select_n3A_43, %add3A_684], %mul3A_692 : memref<4x8x129xf32, #tpu.memory_space<vmem>>[vector<16xi32>, vector<16xi32>, vector<16xi32>], vector<16xf32>,
        %add3A_707 = arith.constant 2 : i32
        %add3A_708 = vector.broadcast %add3A_707 : i32 to vector<16xi32>
        %add3A_709 = arith.addi %select_n3A, %add3A_708 : vector<16xi32>
        %scatter3A_710 = arith.constant 1 : i32
        %scatter3A_711 = arith.constant 0 : i32
        %scatter3A_712 = arith.constant 0 : i32
        %scatter3A_713 = arith.constant 0 : i32
        %scatter3A_714 = tpu.memref_slice %arg7[%scatter3A_710, %scatter3A_711, %scatter3A_712, %scatter3A_713] : memref<4x4x8x129xf32, #tpu.memory_space<vmem>> -> memref<1x4x8x129xf32, #tpu.memory_space<vmem>>
        %scatter3A_715 = tpu.memref_squeeze %scatter3A_714 : memref<1x4x8x129xf32, #tpu.memory_space<vmem>> -> memref<4x8x129xf32, #tpu.memory_space<vmem>>
        tpu.vector_store_idx %scatter3A_715[%add3A_709, %select_n3A_43, %add3A_684], %mul3A_700 : memref<4x8x129xf32, #tpu.memory_space<vmem>>[vector<16xi32>, vector<16xi32>, vector<16xi32>], vector<16xf32>,
        %scan3A_716 = arith.constant 3 : i32
        %scan3A_717 = arith.addi %scan3A_609, %scan3A_716 : i32
        %broadcast_in_dim3A_718 = arith.constant 0 : i32
        %broadcast_in_dim3A_719 = vector.broadcast %broadcast_in_dim3A_718 : i32 to vector<16xi32>
        %add3A_720 = vector.broadcast %scan3A_717 : i32 to vector<16xi32>
        %add3A_721 = arith.addi %broadcast_in_dim3A_719, %add3A_720 : vector<16xi32>
        %get3A_722 = arith.constant 1 : i32
        %get3A_723 = arith.index_cast %get3A_722 : i32 to index
        %get3A_724 = arith.index_cast %scan3A_717 : i32 to index
        %get3A_725 = arith.constant 0 : index
        %get3A_726 = tpu.vector_load %arg6[%get3A_723, %get3A_724, %get3A_725] {strides = array<i32>} : memref<4x128x32xf32, #tpu.memory_space<vmem>>, vector<16xf32>,
        %mul3A_727 = arith.constant 5.65685415 : f32
        %mul3A_728 = vector.broadcast %mul3A_727 : f32 to vector<16xf32>
        %mul3A_729 = arith.mulf %get3A_726, %mul3A_728 : vector<16xf32>
        %get3A_730 = arith.constant 1 : i32
        %get3A_731 = arith.index_cast %get3A_730 : i32 to index
        %get3A_732 = arith.index_cast %scan3A_717 : i32 to index
        %get3A_733 = arith.constant 16 : index
        %get3A_734 = tpu.vector_load %arg6[%get3A_731, %get3A_732, %get3A_733] {strides = array<i32>} : memref<4x128x32xf32, #tpu.memory_space<vmem>>, vector<16xf32>,
        %mul3A_735 = arith.constant 5.65685415 : f32
        %mul3A_736 = vector.broadcast %mul3A_735 : f32 to vector<16xf32>
        %mul3A_737 = arith.mulf %get3A_734, %mul3A_736 : vector<16xf32>
        %scatter3A_738 = arith.constant 1 : i32
        %scatter3A_739 = arith.constant 0 : i32
        %scatter3A_740 = arith.constant 0 : i32
        %scatter3A_741 = arith.constant 0 : i32
        %scatter3A_742 = tpu.memref_slice %arg7[%scatter3A_738, %scatter3A_739, %scatter3A_740, %scatter3A_741] : memref<4x4x8x129xf32, #tpu.memory_space<vmem>> -> memref<1x4x8x129xf32, #tpu.memory_space<vmem>>
        %scatter3A_743 = tpu.memref_squeeze %scatter3A_742 : memref<1x4x8x129xf32, #tpu.memory_space<vmem>> -> memref<4x8x129xf32, #tpu.memory_space<vmem>>
        tpu.vector_store_idx %scatter3A_743[%select_n3A, %select_n3A_43, %add3A_721], %mul3A_729 : memref<4x8x129xf32, #tpu.memory_space<vmem>>[vector<16xi32>, vector<16xi32>, vector<16xi32>], vector<16xf32>,
        %add3A_744 = arith.constant 2 : i32
        %add3A_745 = vector.broadcast %add3A_744 : i32 to vector<16xi32>
        %add3A_746 = arith.addi %select_n3A, %add3A_745 : vector<16xi32>
        %scatter3A_747 = arith.constant 1 : i32
        %scatter3A_748 = arith.constant 0 : i32
        %scatter3A_749 = arith.constant 0 : i32
        %scatter3A_750 = arith.constant 0 : i32
        %scatter3A_751 = tpu.memref_slice %arg7[%scatter3A_747, %scatter3A_748, %scatter3A_749, %scatter3A_750] : memref<4x4x8x129xf32, #tpu.memory_space<vmem>> -> memref<1x4x8x129xf32, #tpu.memory_space<vmem>>
        %scatter3A_752 = tpu.memref_squeeze %scatter3A_751 : memref<1x4x8x129xf32, #tpu.memory_space<vmem>> -> memref<4x8x129xf32, #tpu.memory_space<vmem>>
        tpu.vector_store_idx %scatter3A_752[%add3A_746, %select_n3A_43, %add3A_721], %mul3A_737 : memref<4x8x129xf32, #tpu.memory_space<vmem>>[vector<16xi32>, vector<16xi32>, vector<16xi32>], vector<16xf32>,
        %scan3A_753 = arith.constant 4 : i32
        %scan3A_754 = arith.addi %scan3A_609, %scan3A_753 : i32
        %broadcast_in_dim3A_755 = arith.constant 0 : i32
        %broadcast_in_dim3A_756 = vector.broadcast %broadcast_in_dim3A_755 : i32 to vector<16xi32>
        %add3A_757 = vector.broadcast %scan3A_754 : i32 to vector<16xi32>
        %add3A_758 = arith.addi %broadcast_in_dim3A_756, %add3A_757 : vector<16xi32>
        %get3A_759 = arith.constant 1 : i32
        %get3A_760 = arith.index_cast %get3A_759 : i32 to index
        %get3A_761 = arith.index_cast %scan3A_754 : i32 to index
        %get3A_762 = arith.constant 0 : index
        %get3A_763 = tpu.vector_load %arg6[%get3A_760, %get3A_761, %get3A_762] {strides = array<i32>} : memref<4x128x32xf32, #tpu.memory_space<vmem>>, vector<16xf32>,
        %mul3A_764 = arith.constant 5.65685415 : f32
        %mul3A_765 = vector.broadcast %mul3A_764 : f32 to vector<16xf32>
        %mul3A_766 = arith.mulf %get3A_763, %mul3A_765 : vector<16xf32>
        %get3A_767 = arith.constant 1 : i32
        %get3A_768 = arith.index_cast %get3A_767 : i32 to index
        %get3A_769 = arith.index_cast %scan3A_754 : i32 to index
        %get3A_770 = arith.constant 16 : index
        %get3A_771 = tpu.vector_load %arg6[%get3A_768, %get3A_769, %get3A_770] {strides = array<i32>} : memref<4x128x32xf32, #tpu.memory_space<vmem>>, vector<16xf32>,
        %mul3A_772 = arith.constant 5.65685415 : f32
        %mul3A_773 = vector.broadcast %mul3A_772 : f32 to vector<16xf32>
        %mul3A_774 = arith.mulf %get3A_771, %mul3A_773 : vector<16xf32>
        %scatter3A_775 = arith.constant 1 : i32
        %scatter3A_776 = arith.constant 0 : i32
        %scatter3A_777 = arith.constant 0 : i32
        %scatter3A_778 = arith.constant 0 : i32
        %scatter3A_779 = tpu.memref_slice %arg7[%scatter3A_775, %scatter3A_776, %scatter3A_777, %scatter3A_778] : memref<4x4x8x129xf32, #tpu.memory_space<vmem>> -> memref<1x4x8x129xf32, #tpu.memory_space<vmem>>
        %scatter3A_780 = tpu.memref_squeeze %scatter3A_779 : memref<1x4x8x129xf32, #tpu.memory_space<vmem>> -> memref<4x8x129xf32, #tpu.memory_space<vmem>>
        tpu.vector_store_idx %scatter3A_780[%select_n3A, %select_n3A_43, %add3A_758], %mul3A_766 : memref<4x8x129xf32, #tpu.memory_space<vmem>>[vector<16xi32>, vector<16xi32>, vector<16xi32>], vector<16xf32>,
        %add3A_781 = arith.constant 2 : i32
        %add3A_782 = vector.broadcast %add3A_781 : i32 to vector<16xi32>
        %add3A_783 = arith.addi %select_n3A, %add3A_782 : vector<16xi32>
        %scatter3A_784 = arith.constant 1 : i32
        %scatter3A_785 = arith.constant 0 : i32
        %scatter3A_786 = arith.constant 0 : i32
        %scatter3A_787 = arith.constant 0 : i32
        %scatter3A_788 = tpu.memref_slice %arg7[%scatter3A_784, %scatter3A_785, %scatter3A_786, %scatter3A_787] : memref<4x4x8x129xf32, #tpu.memory_space<vmem>> -> memref<1x4x8x129xf32, #tpu.memory_space<vmem>>
        %scatter3A_789 = tpu.memref_squeeze %scatter3A_788 : memref<1x4x8x129xf32, #tpu.memory_space<vmem>> -> memref<4x8x129xf32, #tpu.memory_space<vmem>>
        tpu.vector_store_idx %scatter3A_789[%add3A_783, %select_n3A_43, %add3A_758], %mul3A_774 : memref<4x8x129xf32, #tpu.memory_space<vmem>>[vector<16xi32>, vector<16xi32>, vector<16xi32>], vector<16xf32>,
        %scan3A_790 = arith.constant 5 : i32
        %scan3A_791 = arith.addi %scan3A_609, %scan3A_790 : i32
        %broadcast_in_dim3A_792 = arith.constant 0 : i32
        %broadcast_in_dim3A_793 = vector.broadcast %broadcast_in_dim3A_792 : i32 to vector<16xi32>
        %add3A_794 = vector.broadcast %scan3A_791 : i32 to vector<16xi32>
        %add3A_795 = arith.addi %broadcast_in_dim3A_793, %add3A_794 : vector<16xi32>
        %get3A_796 = arith.constant 1 : i32
        %get3A_797 = arith.index_cast %get3A_796 : i32 to index
        %get3A_798 = arith.index_cast %scan3A_791 : i32 to index
        %get3A_799 = arith.constant 0 : index
        %get3A_800 = tpu.vector_load %arg6[%get3A_797, %get3A_798, %get3A_799] {strides = array<i32>} : memref<4x128x32xf32, #tpu.memory_space<vmem>>, vector<16xf32>,
        %mul3A_801 = arith.constant 5.65685415 : f32
        %mul3A_802 = vector.broadcast %mul3A_801 : f32 to vector<16xf32>
        %mul3A_803 = arith.mulf %get3A_800, %mul3A_802 : vector<16xf32>
        %get3A_804 = arith.constant 1 : i32
        %get3A_805 = arith.index_cast %get3A_804 : i32 to index
        %get3A_806 = arith.index_cast %scan3A_791 : i32 to index
        %get3A_807 = arith.constant 16 : index
        %get3A_808 = tpu.vector_load %arg6[%get3A_805, %get3A_806, %get3A_807] {strides = array<i32>} : memref<4x128x32xf32, #tpu.memory_space<vmem>>, vector<16xf32>,
        %mul3A_809 = arith.constant 5.65685415 : f32
        %mul3A_810 = vector.broadcast %mul3A_809 : f32 to vector<16xf32>
        %mul3A_811 = arith.mulf %get3A_808, %mul3A_810 : vector<16xf32>
        %scatter3A_812 = arith.constant 1 : i32
        %scatter3A_813 = arith.constant 0 : i32
        %scatter3A_814 = arith.constant 0 : i32
        %scatter3A_815 = arith.constant 0 : i32
        %scatter3A_816 = tpu.memref_slice %arg7[%scatter3A_812, %scatter3A_813, %scatter3A_814, %scatter3A_815] : memref<4x4x8x129xf32, #tpu.memory_space<vmem>> -> memref<1x4x8x129xf32, #tpu.memory_space<vmem>>
        %scatter3A_817 = tpu.memref_squeeze %scatter3A_816 : memref<1x4x8x129xf32, #tpu.memory_space<vmem>> -> memref<4x8x129xf32, #tpu.memory_space<vmem>>
        tpu.vector_store_idx %scatter3A_817[%select_n3A, %select_n3A_43, %add3A_795], %mul3A_803 : memref<4x8x129xf32, #tpu.memory_space<vmem>>[vector<16xi32>, vector<16xi32>, vector<16xi32>], vector<16xf32>,
        %add3A_818 = arith.constant 2 : i32
        %add3A_819 = vector.broadcast %add3A_818 : i32 to vector<16xi32>
        %add3A_820 = arith.addi %select_n3A, %add3A_819 : vector<16xi32>
        %scatter3A_821 = arith.constant 1 : i32
        %scatter3A_822 = arith.constant 0 : i32
        %scatter3A_823 = arith.constant 0 : i32
        %scatter3A_824 = arith.constant 0 : i32
        %scatter3A_825 = tpu.memref_slice %arg7[%scatter3A_821, %scatter3A_822, %scatter3A_823, %scatter3A_824] : memref<4x4x8x129xf32, #tpu.memory_space<vmem>> -> memref<1x4x8x129xf32, #tpu.memory_space<vmem>>
        %scatter3A_826 = tpu.memref_squeeze %scatter3A_825 : memref<1x4x8x129xf32, #tpu.memory_space<vmem>> -> memref<4x8x129xf32, #tpu.memory_space<vmem>>
        tpu.vector_store_idx %scatter3A_826[%add3A_820, %select_n3A_43, %add3A_795], %mul3A_811 : memref<4x8x129xf32, #tpu.memory_space<vmem>>[vector<16xi32>, vector<16xi32>, vector<16xi32>], vector<16xf32>,
        %scan3A_827 = arith.constant 6 : i32
        %scan3A_828 = arith.addi %scan3A_609, %scan3A_827 : i32
        %broadcast_in_dim3A_829 = arith.constant 0 : i32
        %broadcast_in_dim3A_830 = vector.broadcast %broadcast_in_dim3A_829 : i32 to vector<16xi32>
        %add3A_831 = vector.broadcast %scan3A_828 : i32 to vector<16xi32>
        %add3A_832 = arith.addi %broadcast_in_dim3A_830, %add3A_831 : vector<16xi32>
        %get3A_833 = arith.constant 1 : i32
        %get3A_834 = arith.index_cast %get3A_833 : i32 to index
        %get3A_835 = arith.index_cast %scan3A_828 : i32 to index
        %get3A_836 = arith.constant 0 : index
        %get3A_837 = tpu.vector_load %arg6[%get3A_834, %get3A_835, %get3A_836] {strides = array<i32>} : memref<4x128x32xf32, #tpu.memory_space<vmem>>, vector<16xf32>,
        %mul3A_838 = arith.constant 5.65685415 : f32
        %mul3A_839 = vector.broadcast %mul3A_838 : f32 to vector<16xf32>
        %mul3A_840 = arith.mulf %get3A_837, %mul3A_839 : vector<16xf32>
        %get3A_841 = arith.constant 1 : i32
        %get3A_842 = arith.index_cast %get3A_841 : i32 to index
        %get3A_843 = arith.index_cast %scan3A_828 : i32 to index
        %get3A_844 = arith.constant 16 : index
        %get3A_845 = tpu.vector_load %arg6[%get3A_842, %get3A_843, %get3A_844] {strides = array<i32>} : memref<4x128x32xf32, #tpu.memory_space<vmem>>, vector<16xf32>,
        %mul3A_846 = arith.constant 5.65685415 : f32
        %mul3A_847 = vector.broadcast %mul3A_846 : f32 to vector<16xf32>
        %mul3A_848 = arith.mulf %get3A_845, %mul3A_847 : vector<16xf32>
        %scatter3A_849 = arith.constant 1 : i32
        %scatter3A_850 = arith.constant 0 : i32
        %scatter3A_851 = arith.constant 0 : i32
        %scatter3A_852 = arith.constant 0 : i32
        %scatter3A_853 = tpu.memref_slice %arg7[%scatter3A_849, %scatter3A_850, %scatter3A_851, %scatter3A_852] : memref<4x4x8x129xf32, #tpu.memory_space<vmem>> -> memref<1x4x8x129xf32, #tpu.memory_space<vmem>>
        %scatter3A_854 = tpu.memref_squeeze %scatter3A_853 : memref<1x4x8x129xf32, #tpu.memory_space<vmem>> -> memref<4x8x129xf32, #tpu.memory_space<vmem>>
        tpu.vector_store_idx %scatter3A_854[%select_n3A, %select_n3A_43, %add3A_832], %mul3A_840 : memref<4x8x129xf32, #tpu.memory_space<vmem>>[vector<16xi32>, vector<16xi32>, vector<16xi32>], vector<16xf32>,
        %add3A_855 = arith.constant 2 : i32
        %add3A_856 = vector.broadcast %add3A_855 : i32 to vector<16xi32>
        %add3A_857 = arith.addi %select_n3A, %add3A_856 : vector<16xi32>
        %scatter3A_858 = arith.constant 1 : i32
        %scatter3A_859 = arith.constant 0 : i32
        %scatter3A_860 = arith.constant 0 : i32
        %scatter3A_861 = arith.constant 0 : i32
        %scatter3A_862 = tpu.memref_slice %arg7[%scatter3A_858, %scatter3A_859, %scatter3A_860, %scatter3A_861] : memref<4x4x8x129xf32, #tpu.memory_space<vmem>> -> memref<1x4x8x129xf32, #tpu.memory_space<vmem>>
        %scatter3A_863 = tpu.memref_squeeze %scatter3A_862 : memref<1x4x8x129xf32, #tpu.memory_space<vmem>> -> memref<4x8x129xf32, #tpu.memory_space<vmem>>
        tpu.vector_store_idx %scatter3A_863[%add3A_857, %select_n3A_43, %add3A_832], %mul3A_848 : memref<4x8x129xf32, #tpu.memory_space<vmem>>[vector<16xi32>, vector<16xi32>, vector<16xi32>], vector<16xf32>,
        %scan3A_864 = arith.constant 7 : i32
        %scan3A_865 = arith.addi %scan3A_609, %scan3A_864 : i32
        %broadcast_in_dim3A_866 = arith.constant 0 : i32
        %broadcast_in_dim3A_867 = vector.broadcast %broadcast_in_dim3A_866 : i32 to vector<16xi32>
        %add3A_868 = vector.broadcast %scan3A_865 : i32 to vector<16xi32>
        %add3A_869 = arith.addi %broadcast_in_dim3A_867, %add3A_868 : vector<16xi32>
        %get3A_870 = arith.constant 1 : i32
        %get3A_871 = arith.index_cast %get3A_870 : i32 to index
        %get3A_872 = arith.index_cast %scan3A_865 : i32 to index
        %get3A_873 = arith.constant 0 : index
        %get3A_874 = tpu.vector_load %arg6[%get3A_871, %get3A_872, %get3A_873] {strides = array<i32>} : memref<4x128x32xf32, #tpu.memory_space<vmem>>, vector<16xf32>,
        %mul3A_875 = arith.constant 5.65685415 : f32
        %mul3A_876 = vector.broadcast %mul3A_875 : f32 to vector<16xf32>
        %mul3A_877 = arith.mulf %get3A_874, %mul3A_876 : vector<16xf32>
        %get3A_878 = arith.constant 1 : i32
        %get3A_879 = arith.index_cast %get3A_878 : i32 to index
        %get3A_880 = arith.index_cast %scan3A_865 : i32 to index
        %get3A_881 = arith.constant 16 : index
        %get3A_882 = tpu.vector_load %arg6[%get3A_879, %get3A_880, %get3A_881] {strides = array<i32>} : memref<4x128x32xf32, #tpu.memory_space<vmem>>, vector<16xf32>,
        %mul3A_883 = arith.constant 5.65685415 : f32
        %mul3A_884 = vector.broadcast %mul3A_883 : f32 to vector<16xf32>
        %mul3A_885 = arith.mulf %get3A_882, %mul3A_884 : vector<16xf32>
        %scatter3A_886 = arith.constant 1 : i32
        %scatter3A_887 = arith.constant 0 : i32
        %scatter3A_888 = arith.constant 0 : i32
        %scatter3A_889 = arith.constant 0 : i32
        %scatter3A_890 = tpu.memref_slice %arg7[%scatter3A_886, %scatter3A_887, %scatter3A_888, %scatter3A_889] : memref<4x4x8x129xf32, #tpu.memory_space<vmem>> -> memref<1x4x8x129xf32, #tpu.memory_space<vmem>>
        %scatter3A_891 = tpu.memref_squeeze %scatter3A_890 : memref<1x4x8x129xf32, #tpu.memory_space<vmem>> -> memref<4x8x129xf32, #tpu.memory_space<vmem>>
        tpu.vector_store_idx %scatter3A_891[%select_n3A, %select_n3A_43, %add3A_869], %mul3A_877 : memref<4x8x129xf32, #tpu.memory_space<vmem>>[vector<16xi32>, vector<16xi32>, vector<16xi32>], vector<16xf32>,
        %add3A_892 = arith.constant 2 : i32
        %add3A_893 = vector.broadcast %add3A_892 : i32 to vector<16xi32>
        %add3A_894 = arith.addi %select_n3A, %add3A_893 : vector<16xi32>
        %scatter3A_895 = arith.constant 1 : i32
        %scatter3A_896 = arith.constant 0 : i32
        %scatter3A_897 = arith.constant 0 : i32
        %scatter3A_898 = arith.constant 0 : i32
        %scatter3A_899 = tpu.memref_slice %arg7[%scatter3A_895, %scatter3A_896, %scatter3A_897, %scatter3A_898] : memref<4x4x8x129xf32, #tpu.memory_space<vmem>> -> memref<1x4x8x129xf32, #tpu.memory_space<vmem>>
        %scatter3A_900 = tpu.memref_squeeze %scatter3A_899 : memref<1x4x8x129xf32, #tpu.memory_space<vmem>> -> memref<4x8x129xf32, #tpu.memory_space<vmem>>
        tpu.vector_store_idx %scatter3A_900[%add3A_894, %select_n3A_43, %add3A_869], %mul3A_885 : memref<4x8x129xf32, #tpu.memory_space<vmem>>[vector<16xi32>, vector<16xi32>, vector<16xi32>], vector<16xf32>,
      }
      %scan3A_377 = arith.constant 128 : i32
      %dma_start3A_378 = arith.constant 1 : i32
      %dma_start3A_379 = arith.constant 1 : i32
      %dma_start3A_380 = arith.constant 0 : i32
      %dma_start3A_381 = arith.constant 0 : i32
      %dma_start3A_382 = arith.constant 0 : i32
      %dma_start3A_383 = tpu.memref_slice %arg7[%dma_start3A_378, %dma_start3A_380, %dma_start3A_381, %dma_start3A_382] : memref<4x4x8x129xf32, #tpu.memory_space<vmem>> -> memref<1x4x8x128xf32, #tpu.memory_space<vmem>>
      %dma_start3A_384 = tpu.memref_squeeze %dma_start3A_383 : memref<1x4x8x128xf32, #tpu.memory_space<vmem>> -> memref<4x8x128xf32, #tpu.memory_space<vmem>>
      %dma_start3A_385 = arith.constant 0 : i32
      %dma_start3A_386 = arith.constant 0 : i32
      %dma_start3A_387 = arith.constant 0 : i32
      %dma_start3A_388 = tpu.memref_slice %arg4[%add3A_312, %dma_start3A_385, %add3A, %dma_start3A_386, %dma_start3A_387] : memref<200x4x32x8x128xf32, #tpu.memory_space<hbm>> -> memref<1x4x1x8x128xf32, #tpu.memory_space<hbm>>
      %dma_start3A_389 = tpu.memref_squeeze %dma_start3A_388 : memref<1x4x1x8x128xf32, #tpu.memory_space<hbm>> -> memref<4x8x128xf32, #tpu.memory_space<hbm>>
      %dma_start3A_390 = tpu.memref_slice %arg9[%dma_start3A_379] : memref<4x!tpu.dma_semaphore, #tpu.memory_space<semaphore_mem>> -> memref<1x!tpu.dma_semaphore, #tpu.memory_space<semaphore_mem>>
      %dma_start3A_391 = tpu.memref_squeeze %dma_start3A_390 : memref<1x!tpu.dma_semaphore, #tpu.memory_space<semaphore_mem>> -> memref<!tpu.dma_semaphore, #tpu.memory_space<semaphore_mem>>
      %dma_start3A_392 = arith.constant 0 : i32
      %dma_start3A_393 = arith.constant 0 : i32
      %dma_start3A_394 = arith.constant 0 : i32
      %dma_start3A_395 = tpu.memref_slice %arg4[%add3A_312, %dma_start3A_392, %add3A, %dma_start3A_393, %dma_start3A_394] : memref<200x4x32x8x128xf32, #tpu.memory_space<hbm>> -> memref<1x4x1x8x128xf32, #tpu.memory_space<hbm>>
      %dma_start3A_396 = tpu.memref_squeeze %dma_start3A_395 : memref<1x4x1x8x128xf32, #tpu.memory_space<hbm>> -> memref<4x8x128xf32, #tpu.memory_space<hbm>>
      %dma_start3A_397 = arith.constant 0 : i32
      %dma_start3A_398 = arith.constant 0 : i32
      %dma_start3A_399 = arith.constant 0 : i32
      %dma_start3A_400 = tpu.memref_slice %arg7[%dma_start3A_378, %dma_start3A_397, %dma_start3A_398, %dma_start3A_399] : memref<4x4x8x129xf32, #tpu.memory_space<vmem>> -> memref<1x4x8x128xf32, #tpu.memory_space<vmem>>
      %dma_start3A_401 = tpu.memref_squeeze %dma_start3A_400 : memref<1x4x8x128xf32, #tpu.memory_space<vmem>> -> memref<4x8x128xf32, #tpu.memory_space<vmem>>
      tpu.enqueue_dma source(%dma_start3A_401 : memref<4x8x128xf32, #tpu.memory_space<vmem>>) target(%dma_start3A_396 : memref<4x8x128xf32, #tpu.memory_space<hbm>>) target_semaphore(%dma_start3A_391 : memref<!tpu.dma_semaphore, #tpu.memory_space<semaphore_mem>>)
      %add3A_402 = arith.constant 4 : i32
      %add3A_403 = arith.addi %add3A_312, %add3A_402 : i32
      %lt3A_404 = arith.constant 200 : i32
      %lt3A_405 = arith.cmpi slt, %add3A_403, %lt3A_404 : i32
      %convert_element_type3A_406 = arith.extui %lt3A_405 : i1 to i32
      %cond3A_407 = arith.constant 0 : i32
      %cond3A_408 = arith.cmpi ne, %convert_element_type3A_406, %cond3A_407 : i32
      scf.if %cond3A_408 {
        %add3A_609 = arith.constant 4 : i32
        %add3A_610 = arith.addi %add3A_312, %add3A_609 : i32
        %jit3A_611 = arith.constant 8 : i32
        %div3A_612 = arith.divsi %add3A_610, %jit3A_611 : i32
        %sign3A_613 = arith.constant 0 : i32
        %sign3A_614 = arith.cmpi sgt, %add3A_610, %sign3A_613 : i32
        %sign3A_615 = arith.extui %sign3A_614 : i1 to i32
        %sign3A_616 = arith.constant 0 : i32
        %sign3A_617 = arith.cmpi slt, %add3A_610, %sign3A_616 : i32
        %sign3A_618 = arith.extui %sign3A_617 : i1 to i32
        %sign3A_619 = arith.subi %sign3A_615, %sign3A_618 : i32
        %sign3A_620 = arith.constant 0 : i32
        %sign3A_621 = arith.cmpi sgt, %jit3A_611, %sign3A_620 : i32
        %sign3A_622 = arith.extui %sign3A_621 : i1 to i32
        %sign3A_623 = arith.constant 0 : i32
        %sign3A_624 = arith.cmpi slt, %jit3A_611, %sign3A_623 : i32
        %sign3A_625 = arith.extui %sign3A_624 : i1 to i32
        %sign3A_626 = arith.subi %sign3A_622, %sign3A_625 : i32
        %ne3A_627 = arith.cmpi ne, %sign3A_619, %sign3A_626 : i32
        %rem3A_628 = arith.remsi %add3A_610, %jit3A_611 : i32
        %ne3A_629 = arith.constant 0 : i32
        %ne3A_630 = arith.cmpi ne, %rem3A_628, %ne3A_629 : i32
        %and3A_631 = arith.andi %ne3A_627, %ne3A_630 : i1
        %sub3A_632 = arith.constant 1 : i32
        %sub3A_633 = arith.subi %div3A_612, %sub3A_632 : i32
        %select_n3A_634 = arith.select %and3A_631, %sub3A_633, %div3A_612 : i32
        %jit3A_635 = arith.constant 8 : i32
        %eq3A_636 = arith.constant 0 : i32
        %eq3A_637 = arith.cmpi eq, %jit3A_635, %eq3A_636 : i32
        %jit3A_638 = arith.constant 1 : i32
        %select_n3A_639 = arith.select %eq3A_637, %jit3A_638, %jit3A_635 : i32
        %rem3A_640 = arith.remsi %add3A_610, %select_n3A_639 : i32
        %ne3A_641 = arith.constant 0 : i32
        %ne3A_642 = arith.cmpi ne, %rem3A_640, %ne3A_641 : i32
        %lt3A_643 = arith.constant 0 : i32
        %lt3A_644 = arith.cmpi slt, %rem3A_640, %lt3A_643 : i32
        %lt3A_645 = arith.constant 0 : i32
        %lt3A_646 = arith.cmpi slt, %select_n3A_639, %lt3A_645 : i32
        %ne3A_647 = arith.xori %lt3A_644, %lt3A_646 : i1
        %and3A_648 = arith.andi %ne3A_647, %ne3A_642 : i1
        %add3A_649 = arith.addi %rem3A_640, %select_n3A_639 : i32
        %select_n3A_650 = arith.select %and3A_648, %add3A_649, %rem3A_640 : i32
        %dma_start3A_651 = arith.constant 1 : i32
        %dma_start3A_652 = arith.constant 1 : i32
        %dma_start3A_653 = arith.constant 0 : i32
        %dma_start3A_654 = arith.constant 0 : i32
        %dma_start3A_655 = tpu.memref_slice %arg6[%dma_start3A_651, %dma_start3A_653, %dma_start3A_654] : memref<4x128x32xf32, #tpu.memory_space<vmem>> -> memref<1x128x32xf32, #tpu.memory_space<vmem>>
        %dma_start3A_656 = tpu.memref_squeeze %dma_start3A_655 : memref<1x128x32xf32, #tpu.memory_space<vmem>> -> memref<128x32xf32, #tpu.memory_space<vmem>>
        %dma_start3A_657 = arith.constant 0 : i32
        %dma_start3A_658 = tpu.memref_slice %arg5[%select_n3A_634, %select_n3A_650, %dma_start3A_657] : memref<25x8x128xi32, #tpu.memory_space<vmem>> -> memref<1x1x128xi32, #tpu.memory_space<vmem>>
        %dma_start3A_659 = tpu.memref_squeeze %dma_start3A_658 : memref<1x1x128xi32, #tpu.memory_space<vmem>> -> memref<128xi32, #tpu.memory_space<vmem>>
        %dma_start3A_660 = arith.constant 0 : i32
        %dma_start3A_661 = arith.constant 0 : i32
        %dma_start3A_662 = tpu.memref_slice %arg3[%dma_start3A_660, %dma_start3A_661] : memref<1000000x32xf32, #tpu.memory_space<hbm>> -> memref<1000000x32xf32, #tpu.memory_space<hbm>>
        %dma_start3A_663 = tpu.memref_slice %arg8[%dma_start3A_652] : memref<4x!tpu.dma_semaphore, #tpu.memory_space<semaphore_mem>> -> memref<1x!tpu.dma_semaphore, #tpu.memory_space<semaphore_mem>>
        %dma_start3A_664 = tpu.memref_squeeze %dma_start3A_663 : memref<1x!tpu.dma_semaphore, #tpu.memory_space<semaphore_mem>> -> memref<!tpu.dma_semaphore, #tpu.memory_space<semaphore_mem>>
        tpu.enqueue_indirect_dma source(%dma_start3A_662 : memref<1000000x32xf32, #tpu.memory_space<hbm>>) target(%dma_start3A_656 : memref<128x32xf32, #tpu.memory_space<vmem>>) offsets(%dma_start3A_659 : memref<128xi32, #tpu.memory_space<vmem>>) semaphore(%dma_start3A_664 : memref<!tpu.dma_semaphore, #tpu.memory_space<semaphore_mem>>)
      } else {
      }
      %mul3A_409 = arith.constant 4 : i32
      %mul3A_410 = arith.muli %mul3A_409, %scan3A_211 : i32
      %add3A_411 = arith.constant 2 : i32
      %add3A_412 = arith.addi %mul3A_410, %add3A_411 : i32
      %gt3A_413 = arith.constant 0 : i32
      %gt3A_414 = arith.cmpi sgt, %scan3A_211, %gt3A_413 : i32
      %convert_element_type3A_415 = arith.extui %gt3A_414 : i1 to i32
      %cond3A_416 = arith.constant 0 : i32
      %cond3A_417 = arith.cmpi ne, %convert_element_type3A_415, %cond3A_416 : i32
      scf.if %cond3A_417 {
        %sub3A_609 = arith.constant 4 : i32
        %sub3A_610 = arith.subi %add3A_412, %sub3A_609 : i32
        %dma_wait3A_611 = arith.constant 2 : i32
        %dma_wait3A_612 = arith.constant 2 : i32
        %dma_wait3A_613 = arith.constant 0 : i32
        %dma_wait3A_614 = arith.constant 0 : i32
        %dma_wait3A_615 = arith.constant 0 : i32
        %dma_wait3A_616 = tpu.memref_slice %arg7[%dma_wait3A_611, %dma_wait3A_613, %dma_wait3A_614, %dma_wait3A_615] : memref<4x4x8x129xf32, #tpu.memory_space<vmem>> -> memref<1x4x8x128xf32, #tpu.memory_space<vmem>>
        %dma_wait3A_617 = tpu.memref_squeeze %dma_wait3A_616 : memref<1x4x8x128xf32, #tpu.memory_space<vmem>> -> memref<4x8x128xf32, #tpu.memory_space<vmem>>
        %dma_wait3A_618 = arith.constant 0 : i32
        %dma_wait3A_619 = arith.constant 0 : i32
        %dma_wait3A_620 = arith.constant 0 : i32
        %dma_wait3A_621 = tpu.memref_slice %arg4[%sub3A_610, %dma_wait3A_618, %add3A, %dma_wait3A_619, %dma_wait3A_620] : memref<200x4x32x8x128xf32, #tpu.memory_space<hbm>> -> memref<1x4x1x8x128xf32, #tpu.memory_space<hbm>>
        %dma_wait3A_622 = tpu.memref_squeeze %dma_wait3A_621 : memref<1x4x1x8x128xf32, #tpu.memory_space<hbm>> -> memref<4x8x128xf32, #tpu.memory_space<hbm>>
        %dma_wait3A_623 = tpu.memref_slice %arg9[%dma_wait3A_612] : memref<4x!tpu.dma_semaphore, #tpu.memory_space<semaphore_mem>> -> memref<1x!tpu.dma_semaphore, #tpu.memory_space<semaphore_mem>>
        %dma_wait3A_624 = tpu.memref_squeeze %dma_wait3A_623 : memref<1x!tpu.dma_semaphore, #tpu.memory_space<semaphore_mem>> -> memref<!tpu.dma_semaphore, #tpu.memory_space<semaphore_mem>>
        %dma_wait3A_625 = arith.constant 0 : i32
        %dma_wait3A_626 = arith.constant 0 : i32
        %dma_wait3A_627 = arith.constant 0 : i32
        %dma_wait3A_628 = tpu.memref_slice %arg4[%sub3A_610, %dma_wait3A_625, %add3A, %dma_wait3A_626, %dma_wait3A_627] : memref<200x4x32x8x128xf32, #tpu.memory_space<hbm>> -> memref<1x4x1x8x128xf32, #tpu.memory_space<hbm>>
        %dma_wait3A_629 = tpu.memref_squeeze %dma_wait3A_628 : memref<1x4x1x8x128xf32, #tpu.memory_space<hbm>> -> memref<4x8x128xf32, #tpu.memory_space<hbm>>
        %dma_wait3A_630 = arith.constant 0 : i32
        %dma_wait3A_631 = arith.constant 0 : i32
        %dma_wait3A_632 = arith.constant 0 : i32
        %dma_wait3A_633 = tpu.memref_slice %arg7[%dma_wait3A_611, %dma_wait3A_630, %dma_wait3A_631, %dma_wait3A_632] : memref<4x4x8x129xf32, #tpu.memory_space<vmem>> -> memref<1x4x8x128xf32, #tpu.memory_space<vmem>>
        %dma_wait3A_634 = tpu.memref_squeeze %dma_wait3A_633 : memref<1x4x8x128xf32, #tpu.memory_space<vmem>> -> memref<4x8x128xf32, #tpu.memory_space<vmem>>
        tpu.wait_dma2 semaphore(%dma_wait3A_624 : memref<!tpu.dma_semaphore, #tpu.memory_space<semaphore_mem>>) src(%dma_wait3A_634 : memref<4x8x128xf32, #tpu.memory_space<vmem>>) dst(%dma_wait3A_629 : memref<4x8x128xf32, #tpu.memory_space<hbm>>)
      } else {
      }
      %jit3A_418 = arith.constant 8 : i32
      %div3A_419 = arith.divsi %add3A_412, %jit3A_418 : i32
      %sign3A_420 = arith.constant 0 : i32
      %sign3A_421 = arith.cmpi sgt, %add3A_412, %sign3A_420 : i32
      %sign3A_422 = arith.extui %sign3A_421 : i1 to i32
      %sign3A_423 = arith.constant 0 : i32
      %sign3A_424 = arith.cmpi slt, %add3A_412, %sign3A_423 : i32
      %sign3A_425 = arith.extui %sign3A_424 : i1 to i32
      %sign3A_426 = arith.subi %sign3A_422, %sign3A_425 : i32
      %sign3A_427 = arith.constant 0 : i32
      %sign3A_428 = arith.cmpi sgt, %jit3A_418, %sign3A_427 : i32
      %sign3A_429 = arith.extui %sign3A_428 : i1 to i32
      %sign3A_430 = arith.constant 0 : i32
      %sign3A_431 = arith.cmpi slt, %jit3A_418, %sign3A_430 : i32
      %sign3A_432 = arith.extui %sign3A_431 : i1 to i32
      %sign3A_433 = arith.subi %sign3A_429, %sign3A_432 : i32
      %ne3A_434 = arith.cmpi ne, %sign3A_426, %sign3A_433 : i32
      %rem3A_435 = arith.remsi %add3A_412, %jit3A_418 : i32
      %ne3A_436 = arith.constant 0 : i32
      %ne3A_437 = arith.cmpi ne, %rem3A_435, %ne3A_436 : i32
      %and3A_438 = arith.andi %ne3A_434, %ne3A_437 : i1
      %sub3A_439 = arith.constant 1 : i32
      %sub3A_440 = arith.subi %div3A_419, %sub3A_439 : i32
      %select_n3A_441 = arith.select %and3A_438, %sub3A_440, %div3A_419 : i32
      %jit3A_442 = arith.constant 8 : i32
      %eq3A_443 = arith.constant 0 : i32
      %eq3A_444 = arith.cmpi eq, %jit3A_442, %eq3A_443 : i32
      %jit3A_445 = arith.constant 1 : i32
      %select_n3A_446 = arith.select %eq3A_444, %jit3A_445, %jit3A_442 : i32
      %rem3A_447 = arith.remsi %add3A_412, %select_n3A_446 : i32
      %ne3A_448 = arith.constant 0 : i32
      %ne3A_449 = arith.cmpi ne, %rem3A_447, %ne3A_448 : i32
      %lt3A_450 = arith.constant 0 : i32
      %lt3A_451 = arith.cmpi slt, %rem3A_447, %lt3A_450 : i32
      %lt3A_452 = arith.constant 0 : i32
      %lt3A_453 = arith.cmpi slt, %select_n3A_446, %lt3A_452 : i32
      %ne3A_454 = arith.xori %lt3A_451, %lt3A_453 : i1
      %and3A_455 = arith.andi %ne3A_454, %ne3A_449 : i1
      %add3A_456 = arith.addi %rem3A_447, %select_n3A_446 : i32
      %select_n3A_457 = arith.select %and3A_455, %add3A_456, %rem3A_447 : i32
      %dma_wait3A_458 = arith.constant 2 : i32
      %dma_wait3A_459 = arith.constant 2 : i32
      %dma_wait3A_460 = arith.constant 0 : i32
      %dma_wait3A_461 = arith.constant 0 : i32
      %dma_wait3A_462 = tpu.memref_slice %arg6[%dma_wait3A_458, %dma_wait3A_460, %dma_wait3A_461] : memref<4x128x32xf32, #tpu.memory_space<vmem>> -> memref<1x128x32xf32, #tpu.memory_space<vmem>>
      %dma_wait3A_463 = tpu.memref_squeeze %dma_wait3A_462 : memref<1x128x32xf32, #tpu.memory_space<vmem>> -> memref<128x32xf32, #tpu.memory_space<vmem>>
      %dma_wait3A_464 = arith.constant 0 : i32
      %dma_wait3A_465 = tpu.memref_slice %arg5[%select_n3A_441, %select_n3A_457, %dma_wait3A_464] : memref<25x8x128xi32, #tpu.memory_space<vmem>> -> memref<1x1x128xi32, #tpu.memory_space<vmem>>
      %dma_wait3A_466 = tpu.memref_squeeze %dma_wait3A_465 : memref<1x1x128xi32, #tpu.memory_space<vmem>> -> memref<128xi32, #tpu.memory_space<vmem>>
      %dma_wait3A_467 = arith.constant 0 : i32
      %dma_wait3A_468 = arith.constant 0 : i32
      %dma_wait3A_469 = tpu.memref_slice %arg3[%dma_wait3A_467, %dma_wait3A_468] : memref<1000000x32xf32, #tpu.memory_space<hbm>> -> memref<1000000x32xf32, #tpu.memory_space<hbm>>
      %dma_wait3A_470 = tpu.memref_slice %arg8[%dma_wait3A_459] : memref<4x!tpu.dma_semaphore, #tpu.memory_space<semaphore_mem>> -> memref<1x!tpu.dma_semaphore, #tpu.memory_space<semaphore_mem>>
      %dma_wait3A_471 = tpu.memref_squeeze %dma_wait3A_470 : memref<1x!tpu.dma_semaphore, #tpu.memory_space<semaphore_mem>> -> memref<!tpu.dma_semaphore, #tpu.memory_space<semaphore_mem>>
      tpu.wait_indirect_dma semaphore(%dma_wait3A_471 : memref<!tpu.dma_semaphore, #tpu.memory_space<semaphore_mem>>) src(%dma_wait3A_469 : memref<1000000x32xf32, #tpu.memory_space<hbm>>) dst(%dma_wait3A_463 : memref<128x32xf32, #tpu.memory_space<vmem>>)
      %scan3A_472 = arith.constant 0 : i32
      %scan3A_473 = arith.constant 0 : i32
      %scan3A_474 = arith.constant 128 : i32
      %scan3A_475 = arith.addi %scan3A_473, %scan3A_474 : i32
      %scan3A_476 = arith.constant 8 : i32
      scf.for %scan3A_609 = %scan3A_473 to %scan3A_475 step %scan3A_476  : i32 {
        %broadcast_in_dim3A = arith.constant 0 : i32
        %broadcast_in_dim3A_610 = vector.broadcast %broadcast_in_dim3A : i32 to vector<16xi32>
        %add3A_611 = vector.broadcast %scan3A_609 : i32 to vector<16xi32>
        %add3A_612 = arith.addi %broadcast_in_dim3A_610, %add3A_611 : vector<16xi32>
        %get3A = arith.constant 2 : i32
        %get3A_613 = arith.index_cast %get3A : i32 to index
        %get3A_614 = arith.index_cast %scan3A_609 : i32 to index
        %get3A_615 = arith.constant 0 : index
        %get3A_616 = tpu.vector_load %arg6[%get3A_613, %get3A_614, %get3A_615] {strides = array<i32>} : memref<4x128x32xf32, #tpu.memory_space<vmem>>, vector<16xf32>,
        %mul3A_617 = arith.constant 5.65685415 : f32
        %mul3A_618 = vector.broadcast %mul3A_617 : f32 to vector<16xf32>
        %mul3A_619 = arith.mulf %get3A_616, %mul3A_618 : vector<16xf32>
        %get3A_620 = arith.constant 2 : i32
        %get3A_621 = arith.index_cast %get3A_620 : i32 to index
        %get3A_622 = arith.index_cast %scan3A_609 : i32 to index
        %get3A_623 = arith.constant 16 : index
        %get3A_624 = tpu.vector_load %arg6[%get3A_621, %get3A_622, %get3A_623] {strides = array<i32>} : memref<4x128x32xf32, #tpu.memory_space<vmem>>, vector<16xf32>,
        %mul3A_625 = arith.constant 5.65685415 : f32
        %mul3A_626 = vector.broadcast %mul3A_625 : f32 to vector<16xf32>
        %mul3A_627 = arith.mulf %get3A_624, %mul3A_626 : vector<16xf32>
        %scatter3A = arith.constant 2 : i32
        %scatter3A_628 = arith.constant 0 : i32
        %scatter3A_629 = arith.constant 0 : i32
        %scatter3A_630 = arith.constant 0 : i32
        %scatter3A_631 = tpu.memref_slice %arg7[%scatter3A, %scatter3A_628, %scatter3A_629, %scatter3A_630] : memref<4x4x8x129xf32, #tpu.memory_space<vmem>> -> memref<1x4x8x129xf32, #tpu.memory_space<vmem>>
        %scatter3A_632 = tpu.memref_squeeze %scatter3A_631 : memref<1x4x8x129xf32, #tpu.memory_space<vmem>> -> memref<4x8x129xf32, #tpu.memory_space<vmem>>
        tpu.vector_store_idx %scatter3A_632[%select_n3A, %select_n3A_43, %add3A_612], %mul3A_619 : memref<4x8x129xf32, #tpu.memory_space<vmem>>[vector<16xi32>, vector<16xi32>, vector<16xi32>], vector<16xf32>,
        %add3A_633 = arith.constant 2 : i32
        %add3A_634 = vector.broadcast %add3A_633 : i32 to vector<16xi32>
        %add3A_635 = arith.addi %select_n3A, %add3A_634 : vector<16xi32>
        %scatter3A_636 = arith.constant 2 : i32
        %scatter3A_637 = arith.constant 0 : i32
        %scatter3A_638 = arith.constant 0 : i32
        %scatter3A_639 = arith.constant 0 : i32
        %scatter3A_640 = tpu.memref_slice %arg7[%scatter3A_636, %scatter3A_637, %scatter3A_638, %scatter3A_639] : memref<4x4x8x129xf32, #tpu.memory_space<vmem>> -> memref<1x4x8x129xf32, #tpu.memory_space<vmem>>
        %scatter3A_641 = tpu.memref_squeeze %scatter3A_640 : memref<1x4x8x129xf32, #tpu.memory_space<vmem>> -> memref<4x8x129xf32, #tpu.memory_space<vmem>>
        tpu.vector_store_idx %scatter3A_641[%add3A_635, %select_n3A_43, %add3A_612], %mul3A_627 : memref<4x8x129xf32, #tpu.memory_space<vmem>>[vector<16xi32>, vector<16xi32>, vector<16xi32>], vector<16xf32>,
        %scan3A_642 = arith.constant 1 : i32
        %scan3A_643 = arith.addi %scan3A_609, %scan3A_642 : i32
        %broadcast_in_dim3A_644 = arith.constant 0 : i32
        %broadcast_in_dim3A_645 = vector.broadcast %broadcast_in_dim3A_644 : i32 to vector<16xi32>
        %add3A_646 = vector.broadcast %scan3A_643 : i32 to vector<16xi32>
        %add3A_647 = arith.addi %broadcast_in_dim3A_645, %add3A_646 : vector<16xi32>
        %get3A_648 = arith.constant 2 : i32
        %get3A_649 = arith.index_cast %get3A_648 : i32 to index
        %get3A_650 = arith.index_cast %scan3A_643 : i32 to index
        %get3A_651 = arith.constant 0 : index
        %get3A_652 = tpu.vector_load %arg6[%get3A_649, %get3A_650, %get3A_651] {strides = array<i32>} : memref<4x128x32xf32, #tpu.memory_space<vmem>>, vector<16xf32>,
        %mul3A_653 = arith.constant 5.65685415 : f32
        %mul3A_654 = vector.broadcast %mul3A_653 : f32 to vector<16xf32>
        %mul3A_655 = arith.mulf %get3A_652, %mul3A_654 : vector<16xf32>
        %get3A_656 = arith.constant 2 : i32
        %get3A_657 = arith.index_cast %get3A_656 : i32 to index
        %get3A_658 = arith.index_cast %scan3A_643 : i32 to index
        %get3A_659 = arith.constant 16 : index
        %get3A_660 = tpu.vector_load %arg6[%get3A_657, %get3A_658, %get3A_659] {strides = array<i32>} : memref<4x128x32xf32, #tpu.memory_space<vmem>>, vector<16xf32>,
        %mul3A_661 = arith.constant 5.65685415 : f32
        %mul3A_662 = vector.broadcast %mul3A_661 : f32 to vector<16xf32>
        %mul3A_663 = arith.mulf %get3A_660, %mul3A_662 : vector<16xf32>
        %scatter3A_664 = arith.constant 2 : i32
        %scatter3A_665 = arith.constant 0 : i32
        %scatter3A_666 = arith.constant 0 : i32
        %scatter3A_667 = arith.constant 0 : i32
        %scatter3A_668 = tpu.memref_slice %arg7[%scatter3A_664, %scatter3A_665, %scatter3A_666, %scatter3A_667] : memref<4x4x8x129xf32, #tpu.memory_space<vmem>> -> memref<1x4x8x129xf32, #tpu.memory_space<vmem>>
        %scatter3A_669 = tpu.memref_squeeze %scatter3A_668 : memref<1x4x8x129xf32, #tpu.memory_space<vmem>> -> memref<4x8x129xf32, #tpu.memory_space<vmem>>
        tpu.vector_store_idx %scatter3A_669[%select_n3A, %select_n3A_43, %add3A_647], %mul3A_655 : memref<4x8x129xf32, #tpu.memory_space<vmem>>[vector<16xi32>, vector<16xi32>, vector<16xi32>], vector<16xf32>,
        %add3A_670 = arith.constant 2 : i32
        %add3A_671 = vector.broadcast %add3A_670 : i32 to vector<16xi32>
        %add3A_672 = arith.addi %select_n3A, %add3A_671 : vector<16xi32>
        %scatter3A_673 = arith.constant 2 : i32
        %scatter3A_674 = arith.constant 0 : i32
        %scatter3A_675 = arith.constant 0 : i32
        %scatter3A_676 = arith.constant 0 : i32
        %scatter3A_677 = tpu.memref_slice %arg7[%scatter3A_673, %scatter3A_674, %scatter3A_675, %scatter3A_676] : memref<4x4x8x129xf32, #tpu.memory_space<vmem>> -> memref<1x4x8x129xf32, #tpu.memory_space<vmem>>
        %scatter3A_678 = tpu.memref_squeeze %scatter3A_677 : memref<1x4x8x129xf32, #tpu.memory_space<vmem>> -> memref<4x8x129xf32, #tpu.memory_space<vmem>>
        tpu.vector_store_idx %scatter3A_678[%add3A_672, %select_n3A_43, %add3A_647], %mul3A_663 : memref<4x8x129xf32, #tpu.memory_space<vmem>>[vector<16xi32>, vector<16xi32>, vector<16xi32>], vector<16xf32>,
        %scan3A_679 = arith.constant 2 : i32
        %scan3A_680 = arith.addi %scan3A_609, %scan3A_679 : i32
        %broadcast_in_dim3A_681 = arith.constant 0 : i32
        %broadcast_in_dim3A_682 = vector.broadcast %broadcast_in_dim3A_681 : i32 to vector<16xi32>
        %add3A_683 = vector.broadcast %scan3A_680 : i32 to vector<16xi32>
        %add3A_684 = arith.addi %broadcast_in_dim3A_682, %add3A_683 : vector<16xi32>
        %get3A_685 = arith.constant 2 : i32
        %get3A_686 = arith.index_cast %get3A_685 : i32 to index
        %get3A_687 = arith.index_cast %scan3A_680 : i32 to index
        %get3A_688 = arith.constant 0 : index
        %get3A_689 = tpu.vector_load %arg6[%get3A_686, %get3A_687, %get3A_688] {strides = array<i32>} : memref<4x128x32xf32, #tpu.memory_space<vmem>>, vector<16xf32>,
        %mul3A_690 = arith.constant 5.65685415 : f32
        %mul3A_691 = vector.broadcast %mul3A_690 : f32 to vector<16xf32>
        %mul3A_692 = arith.mulf %get3A_689, %mul3A_691 : vector<16xf32>
        %get3A_693 = arith.constant 2 : i32
        %get3A_694 = arith.index_cast %get3A_693 : i32 to index
        %get3A_695 = arith.index_cast %scan3A_680 : i32 to index
        %get3A_696 = arith.constant 16 : index
        %get3A_697 = tpu.vector_load %arg6[%get3A_694, %get3A_695, %get3A_696] {strides = array<i32>} : memref<4x128x32xf32, #tpu.memory_space<vmem>>, vector<16xf32>,
        %mul3A_698 = arith.constant 5.65685415 : f32
        %mul3A_699 = vector.broadcast %mul3A_698 : f32 to vector<16xf32>
        %mul3A_700 = arith.mulf %get3A_697, %mul3A_699 : vector<16xf32>
        %scatter3A_701 = arith.constant 2 : i32
        %scatter3A_702 = arith.constant 0 : i32
        %scatter3A_703 = arith.constant 0 : i32
        %scatter3A_704 = arith.constant 0 : i32
        %scatter3A_705 = tpu.memref_slice %arg7[%scatter3A_701, %scatter3A_702, %scatter3A_703, %scatter3A_704] : memref<4x4x8x129xf32, #tpu.memory_space<vmem>> -> memref<1x4x8x129xf32, #tpu.memory_space<vmem>>
        %scatter3A_706 = tpu.memref_squeeze %scatter3A_705 : memref<1x4x8x129xf32, #tpu.memory_space<vmem>> -> memref<4x8x129xf32, #tpu.memory_space<vmem>>
        tpu.vector_store_idx %scatter3A_706[%select_n3A, %select_n3A_43, %add3A_684], %mul3A_692 : memref<4x8x129xf32, #tpu.memory_space<vmem>>[vector<16xi32>, vector<16xi32>, vector<16xi32>], vector<16xf32>,
        %add3A_707 = arith.constant 2 : i32
        %add3A_708 = vector.broadcast %add3A_707 : i32 to vector<16xi32>
        %add3A_709 = arith.addi %select_n3A, %add3A_708 : vector<16xi32>
        %scatter3A_710 = arith.constant 2 : i32
        %scatter3A_711 = arith.constant 0 : i32
        %scatter3A_712 = arith.constant 0 : i32
        %scatter3A_713 = arith.constant 0 : i32
        %scatter3A_714 = tpu.memref_slice %arg7[%scatter3A_710, %scatter3A_711, %scatter3A_712, %scatter3A_713] : memref<4x4x8x129xf32, #tpu.memory_space<vmem>> -> memref<1x4x8x129xf32, #tpu.memory_space<vmem>>
        %scatter3A_715 = tpu.memref_squeeze %scatter3A_714 : memref<1x4x8x129xf32, #tpu.memory_space<vmem>> -> memref<4x8x129xf32, #tpu.memory_space<vmem>>
        tpu.vector_store_idx %scatter3A_715[%add3A_709, %select_n3A_43, %add3A_684], %mul3A_700 : memref<4x8x129xf32, #tpu.memory_space<vmem>>[vector<16xi32>, vector<16xi32>, vector<16xi32>], vector<16xf32>,
        %scan3A_716 = arith.constant 3 : i32
        %scan3A_717 = arith.addi %scan3A_609, %scan3A_716 : i32
        %broadcast_in_dim3A_718 = arith.constant 0 : i32
        %broadcast_in_dim3A_719 = vector.broadcast %broadcast_in_dim3A_718 : i32 to vector<16xi32>
        %add3A_720 = vector.broadcast %scan3A_717 : i32 to vector<16xi32>
        %add3A_721 = arith.addi %broadcast_in_dim3A_719, %add3A_720 : vector<16xi32>
        %get3A_722 = arith.constant 2 : i32
        %get3A_723 = arith.index_cast %get3A_722 : i32 to index
        %get3A_724 = arith.index_cast %scan3A_717 : i32 to index
        %get3A_725 = arith.constant 0 : index
        %get3A_726 = tpu.vector_load %arg6[%get3A_723, %get3A_724, %get3A_725] {strides = array<i32>} : memref<4x128x32xf32, #tpu.memory_space<vmem>>, vector<16xf32>,
        %mul3A_727 = arith.constant 5.65685415 : f32
        %mul3A_728 = vector.broadcast %mul3A_727 : f32 to vector<16xf32>
        %mul3A_729 = arith.mulf %get3A_726, %mul3A_728 : vector<16xf32>
        %get3A_730 = arith.constant 2 : i32
        %get3A_731 = arith.index_cast %get3A_730 : i32 to index
        %get3A_732 = arith.index_cast %scan3A_717 : i32 to index
        %get3A_733 = arith.constant 16 : index
        %get3A_734 = tpu.vector_load %arg6[%get3A_731, %get3A_732, %get3A_733] {strides = array<i32>} : memref<4x128x32xf32, #tpu.memory_space<vmem>>, vector<16xf32>,
        %mul3A_735 = arith.constant 5.65685415 : f32
        %mul3A_736 = vector.broadcast %mul3A_735 : f32 to vector<16xf32>
        %mul3A_737 = arith.mulf %get3A_734, %mul3A_736 : vector<16xf32>
        %scatter3A_738 = arith.constant 2 : i32
        %scatter3A_739 = arith.constant 0 : i32
        %scatter3A_740 = arith.constant 0 : i32
        %scatter3A_741 = arith.constant 0 : i32
        %scatter3A_742 = tpu.memref_slice %arg7[%scatter3A_738, %scatter3A_739, %scatter3A_740, %scatter3A_741] : memref<4x4x8x129xf32, #tpu.memory_space<vmem>> -> memref<1x4x8x129xf32, #tpu.memory_space<vmem>>
        %scatter3A_743 = tpu.memref_squeeze %scatter3A_742 : memref<1x4x8x129xf32, #tpu.memory_space<vmem>> -> memref<4x8x129xf32, #tpu.memory_space<vmem>>
        tpu.vector_store_idx %scatter3A_743[%select_n3A, %select_n3A_43, %add3A_721], %mul3A_729 : memref<4x8x129xf32, #tpu.memory_space<vmem>>[vector<16xi32>, vector<16xi32>, vector<16xi32>], vector<16xf32>,
        %add3A_744 = arith.constant 2 : i32
        %add3A_745 = vector.broadcast %add3A_744 : i32 to vector<16xi32>
        %add3A_746 = arith.addi %select_n3A, %add3A_745 : vector<16xi32>
        %scatter3A_747 = arith.constant 2 : i32
        %scatter3A_748 = arith.constant 0 : i32
        %scatter3A_749 = arith.constant 0 : i32
        %scatter3A_750 = arith.constant 0 : i32
        %scatter3A_751 = tpu.memref_slice %arg7[%scatter3A_747, %scatter3A_748, %scatter3A_749, %scatter3A_750] : memref<4x4x8x129xf32, #tpu.memory_space<vmem>> -> memref<1x4x8x129xf32, #tpu.memory_space<vmem>>
        %scatter3A_752 = tpu.memref_squeeze %scatter3A_751 : memref<1x4x8x129xf32, #tpu.memory_space<vmem>> -> memref<4x8x129xf32, #tpu.memory_space<vmem>>
        tpu.vector_store_idx %scatter3A_752[%add3A_746, %select_n3A_43, %add3A_721], %mul3A_737 : memref<4x8x129xf32, #tpu.memory_space<vmem>>[vector<16xi32>, vector<16xi32>, vector<16xi32>], vector<16xf32>,
        %scan3A_753 = arith.constant 4 : i32
        %scan3A_754 = arith.addi %scan3A_609, %scan3A_753 : i32
        %broadcast_in_dim3A_755 = arith.constant 0 : i32
        %broadcast_in_dim3A_756 = vector.broadcast %broadcast_in_dim3A_755 : i32 to vector<16xi32>
        %add3A_757 = vector.broadcast %scan3A_754 : i32 to vector<16xi32>
        %add3A_758 = arith.addi %broadcast_in_dim3A_756, %add3A_757 : vector<16xi32>
        %get3A_759 = arith.constant 2 : i32
        %get3A_760 = arith.index_cast %get3A_759 : i32 to index
        %get3A_761 = arith.index_cast %scan3A_754 : i32 to index
        %get3A_762 = arith.constant 0 : index
        %get3A_763 = tpu.vector_load %arg6[%get3A_760, %get3A_761, %get3A_762] {strides = array<i32>} : memref<4x128x32xf32, #tpu.memory_space<vmem>>, vector<16xf32>,
        %mul3A_764 = arith.constant 5.65685415 : f32
        %mul3A_765 = vector.broadcast %mul3A_764 : f32 to vector<16xf32>
        %mul3A_766 = arith.mulf %get3A_763, %mul3A_765 : vector<16xf32>
        %get3A_767 = arith.constant 2 : i32
        %get3A_768 = arith.index_cast %get3A_767 : i32 to index
        %get3A_769 = arith.index_cast %scan3A_754 : i32 to index
        %get3A_770 = arith.constant 16 : index
        %get3A_771 = tpu.vector_load %arg6[%get3A_768, %get3A_769, %get3A_770] {strides = array<i32>} : memref<4x128x32xf32, #tpu.memory_space<vmem>>, vector<16xf32>,
        %mul3A_772 = arith.constant 5.65685415 : f32
        %mul3A_773 = vector.broadcast %mul3A_772 : f32 to vector<16xf32>
        %mul3A_774 = arith.mulf %get3A_771, %mul3A_773 : vector<16xf32>
        %scatter3A_775 = arith.constant 2 : i32
        %scatter3A_776 = arith.constant 0 : i32
        %scatter3A_777 = arith.constant 0 : i32
        %scatter3A_778 = arith.constant 0 : i32
        %scatter3A_779 = tpu.memref_slice %arg7[%scatter3A_775, %scatter3A_776, %scatter3A_777, %scatter3A_778] : memref<4x4x8x129xf32, #tpu.memory_space<vmem>> -> memref<1x4x8x129xf32, #tpu.memory_space<vmem>>
        %scatter3A_780 = tpu.memref_squeeze %scatter3A_779 : memref<1x4x8x129xf32, #tpu.memory_space<vmem>> -> memref<4x8x129xf32, #tpu.memory_space<vmem>>
        tpu.vector_store_idx %scatter3A_780[%select_n3A, %select_n3A_43, %add3A_758], %mul3A_766 : memref<4x8x129xf32, #tpu.memory_space<vmem>>[vector<16xi32>, vector<16xi32>, vector<16xi32>], vector<16xf32>,
        %add3A_781 = arith.constant 2 : i32
        %add3A_782 = vector.broadcast %add3A_781 : i32 to vector<16xi32>
        %add3A_783 = arith.addi %select_n3A, %add3A_782 : vector<16xi32>
        %scatter3A_784 = arith.constant 2 : i32
        %scatter3A_785 = arith.constant 0 : i32
        %scatter3A_786 = arith.constant 0 : i32
        %scatter3A_787 = arith.constant 0 : i32
        %scatter3A_788 = tpu.memref_slice %arg7[%scatter3A_784, %scatter3A_785, %scatter3A_786, %scatter3A_787] : memref<4x4x8x129xf32, #tpu.memory_space<vmem>> -> memref<1x4x8x129xf32, #tpu.memory_space<vmem>>
        %scatter3A_789 = tpu.memref_squeeze %scatter3A_788 : memref<1x4x8x129xf32, #tpu.memory_space<vmem>> -> memref<4x8x129xf32, #tpu.memory_space<vmem>>
        tpu.vector_store_idx %scatter3A_789[%add3A_783, %select_n3A_43, %add3A_758], %mul3A_774 : memref<4x8x129xf32, #tpu.memory_space<vmem>>[vector<16xi32>, vector<16xi32>, vector<16xi32>], vector<16xf32>,
        %scan3A_790 = arith.constant 5 : i32
        %scan3A_791 = arith.addi %scan3A_609, %scan3A_790 : i32
        %broadcast_in_dim3A_792 = arith.constant 0 : i32
        %broadcast_in_dim3A_793 = vector.broadcast %broadcast_in_dim3A_792 : i32 to vector<16xi32>
        %add3A_794 = vector.broadcast %scan3A_791 : i32 to vector<16xi32>
        %add3A_795 = arith.addi %broadcast_in_dim3A_793, %add3A_794 : vector<16xi32>
        %get3A_796 = arith.constant 2 : i32
        %get3A_797 = arith.index_cast %get3A_796 : i32 to index
        %get3A_798 = arith.index_cast %scan3A_791 : i32 to index
        %get3A_799 = arith.constant 0 : index
        %get3A_800 = tpu.vector_load %arg6[%get3A_797, %get3A_798, %get3A_799] {strides = array<i32>} : memref<4x128x32xf32, #tpu.memory_space<vmem>>, vector<16xf32>,
        %mul3A_801 = arith.constant 5.65685415 : f32
        %mul3A_802 = vector.broadcast %mul3A_801 : f32 to vector<16xf32>
        %mul3A_803 = arith.mulf %get3A_800, %mul3A_802 : vector<16xf32>
        %get3A_804 = arith.constant 2 : i32
        %get3A_805 = arith.index_cast %get3A_804 : i32 to index
        %get3A_806 = arith.index_cast %scan3A_791 : i32 to index
        %get3A_807 = arith.constant 16 : index
        %get3A_808 = tpu.vector_load %arg6[%get3A_805, %get3A_806, %get3A_807] {strides = array<i32>} : memref<4x128x32xf32, #tpu.memory_space<vmem>>, vector<16xf32>,
        %mul3A_809 = arith.constant 5.65685415 : f32
        %mul3A_810 = vector.broadcast %mul3A_809 : f32 to vector<16xf32>
        %mul3A_811 = arith.mulf %get3A_808, %mul3A_810 : vector<16xf32>
        %scatter3A_812 = arith.constant 2 : i32
        %scatter3A_813 = arith.constant 0 : i32
        %scatter3A_814 = arith.constant 0 : i32
        %scatter3A_815 = arith.constant 0 : i32
        %scatter3A_816 = tpu.memref_slice %arg7[%scatter3A_812, %scatter3A_813, %scatter3A_814, %scatter3A_815] : memref<4x4x8x129xf32, #tpu.memory_space<vmem>> -> memref<1x4x8x129xf32, #tpu.memory_space<vmem>>
        %scatter3A_817 = tpu.memref_squeeze %scatter3A_816 : memref<1x4x8x129xf32, #tpu.memory_space<vmem>> -> memref<4x8x129xf32, #tpu.memory_space<vmem>>
        tpu.vector_store_idx %scatter3A_817[%select_n3A, %select_n3A_43, %add3A_795], %mul3A_803 : memref<4x8x129xf32, #tpu.memory_space<vmem>>[vector<16xi32>, vector<16xi32>, vector<16xi32>], vector<16xf32>,
        %add3A_818 = arith.constant 2 : i32
        %add3A_819 = vector.broadcast %add3A_818 : i32 to vector<16xi32>
        %add3A_820 = arith.addi %select_n3A, %add3A_819 : vector<16xi32>
        %scatter3A_821 = arith.constant 2 : i32
        %scatter3A_822 = arith.constant 0 : i32
        %scatter3A_823 = arith.constant 0 : i32
        %scatter3A_824 = arith.constant 0 : i32
        %scatter3A_825 = tpu.memref_slice %arg7[%scatter3A_821, %scatter3A_822, %scatter3A_823, %scatter3A_824] : memref<4x4x8x129xf32, #tpu.memory_space<vmem>> -> memref<1x4x8x129xf32, #tpu.memory_space<vmem>>
        %scatter3A_826 = tpu.memref_squeeze %scatter3A_825 : memref<1x4x8x129xf32, #tpu.memory_space<vmem>> -> memref<4x8x129xf32, #tpu.memory_space<vmem>>
        tpu.vector_store_idx %scatter3A_826[%add3A_820, %select_n3A_43, %add3A_795], %mul3A_811 : memref<4x8x129xf32, #tpu.memory_space<vmem>>[vector<16xi32>, vector<16xi32>, vector<16xi32>], vector<16xf32>,
        %scan3A_827 = arith.constant 6 : i32
        %scan3A_828 = arith.addi %scan3A_609, %scan3A_827 : i32
        %broadcast_in_dim3A_829 = arith.constant 0 : i32
        %broadcast_in_dim3A_830 = vector.broadcast %broadcast_in_dim3A_829 : i32 to vector<16xi32>
        %add3A_831 = vector.broadcast %scan3A_828 : i32 to vector<16xi32>
        %add3A_832 = arith.addi %broadcast_in_dim3A_830, %add3A_831 : vector<16xi32>
        %get3A_833 = arith.constant 2 : i32
        %get3A_834 = arith.index_cast %get3A_833 : i32 to index
        %get3A_835 = arith.index_cast %scan3A_828 : i32 to index
        %get3A_836 = arith.constant 0 : index
        %get3A_837 = tpu.vector_load %arg6[%get3A_834, %get3A_835, %get3A_836] {strides = array<i32>} : memref<4x128x32xf32, #tpu.memory_space<vmem>>, vector<16xf32>,
        %mul3A_838 = arith.constant 5.65685415 : f32
        %mul3A_839 = vector.broadcast %mul3A_838 : f32 to vector<16xf32>
        %mul3A_840 = arith.mulf %get3A_837, %mul3A_839 : vector<16xf32>
        %get3A_841 = arith.constant 2 : i32
        %get3A_842 = arith.index_cast %get3A_841 : i32 to index
        %get3A_843 = arith.index_cast %scan3A_828 : i32 to index
        %get3A_844 = arith.constant 16 : index
        %get3A_845 = tpu.vector_load %arg6[%get3A_842, %get3A_843, %get3A_844] {strides = array<i32>} : memref<4x128x32xf32, #tpu.memory_space<vmem>>, vector<16xf32>,
        %mul3A_846 = arith.constant 5.65685415 : f32
        %mul3A_847 = vector.broadcast %mul3A_846 : f32 to vector<16xf32>
        %mul3A_848 = arith.mulf %get3A_845, %mul3A_847 : vector<16xf32>
        %scatter3A_849 = arith.constant 2 : i32
        %scatter3A_850 = arith.constant 0 : i32
        %scatter3A_851 = arith.constant 0 : i32
        %scatter3A_852 = arith.constant 0 : i32
        %scatter3A_853 = tpu.memref_slice %arg7[%scatter3A_849, %scatter3A_850, %scatter3A_851, %scatter3A_852] : memref<4x4x8x129xf32, #tpu.memory_space<vmem>> -> memref<1x4x8x129xf32, #tpu.memory_space<vmem>>
        %scatter3A_854 = tpu.memref_squeeze %scatter3A_853 : memref<1x4x8x129xf32, #tpu.memory_space<vmem>> -> memref<4x8x129xf32, #tpu.memory_space<vmem>>
        tpu.vector_store_idx %scatter3A_854[%select_n3A, %select_n3A_43, %add3A_832], %mul3A_840 : memref<4x8x129xf32, #tpu.memory_space<vmem>>[vector<16xi32>, vector<16xi32>, vector<16xi32>], vector<16xf32>,
        %add3A_855 = arith.constant 2 : i32
        %add3A_856 = vector.broadcast %add3A_855 : i32 to vector<16xi32>
        %add3A_857 = arith.addi %select_n3A, %add3A_856 : vector<16xi32>
        %scatter3A_858 = arith.constant 2 : i32
        %scatter3A_859 = arith.constant 0 : i32
        %scatter3A_860 = arith.constant 0 : i32
        %scatter3A_861 = arith.constant 0 : i32
        %scatter3A_862 = tpu.memref_slice %arg7[%scatter3A_858, %scatter3A_859, %scatter3A_860, %scatter3A_861] : memref<4x4x8x129xf32, #tpu.memory_space<vmem>> -> memref<1x4x8x129xf32, #tpu.memory_space<vmem>>
        %scatter3A_863 = tpu.memref_squeeze %scatter3A_862 : memref<1x4x8x129xf32, #tpu.memory_space<vmem>> -> memref<4x8x129xf32, #tpu.memory_space<vmem>>
        tpu.vector_store_idx %scatter3A_863[%add3A_857, %select_n3A_43, %add3A_832], %mul3A_848 : memref<4x8x129xf32, #tpu.memory_space<vmem>>[vector<16xi32>, vector<16xi32>, vector<16xi32>], vector<16xf32>,
        %scan3A_864 = arith.constant 7 : i32
        %scan3A_865 = arith.addi %scan3A_609, %scan3A_864 : i32
        %broadcast_in_dim3A_866 = arith.constant 0 : i32
        %broadcast_in_dim3A_867 = vector.broadcast %broadcast_in_dim3A_866 : i32 to vector<16xi32>
        %add3A_868 = vector.broadcast %scan3A_865 : i32 to vector<16xi32>
        %add3A_869 = arith.addi %broadcast_in_dim3A_867, %add3A_868 : vector<16xi32>
        %get3A_870 = arith.constant 2 : i32
        %get3A_871 = arith.index_cast %get3A_870 : i32 to index
        %get3A_872 = arith.index_cast %scan3A_865 : i32 to index
        %get3A_873 = arith.constant 0 : index
        %get3A_874 = tpu.vector_load %arg6[%get3A_871, %get3A_872, %get3A_873] {strides = array<i32>} : memref<4x128x32xf32, #tpu.memory_space<vmem>>, vector<16xf32>,
        %mul3A_875 = arith.constant 5.65685415 : f32
        %mul3A_876 = vector.broadcast %mul3A_875 : f32 to vector<16xf32>
        %mul3A_877 = arith.mulf %get3A_874, %mul3A_876 : vector<16xf32>
        %get3A_878 = arith.constant 2 : i32
        %get3A_879 = arith.index_cast %get3A_878 : i32 to index
        %get3A_880 = arith.index_cast %scan3A_865 : i32 to index
        %get3A_881 = arith.constant 16 : index
        %get3A_882 = tpu.vector_load %arg6[%get3A_879, %get3A_880, %get3A_881] {strides = array<i32>} : memref<4x128x32xf32, #tpu.memory_space<vmem>>, vector<16xf32>,
        %mul3A_883 = arith.constant 5.65685415 : f32
        %mul3A_884 = vector.broadcast %mul3A_883 : f32 to vector<16xf32>
        %mul3A_885 = arith.mulf %get3A_882, %mul3A_884 : vector<16xf32>
        %scatter3A_886 = arith.constant 2 : i32
        %scatter3A_887 = arith.constant 0 : i32
        %scatter3A_888 = arith.constant 0 : i32
        %scatter3A_889 = arith.constant 0 : i32
        %scatter3A_890 = tpu.memref_slice %arg7[%scatter3A_886, %scatter3A_887, %scatter3A_888, %scatter3A_889] : memref<4x4x8x129xf32, #tpu.memory_space<vmem>> -> memref<1x4x8x129xf32, #tpu.memory_space<vmem>>
        %scatter3A_891 = tpu.memref_squeeze %scatter3A_890 : memref<1x4x8x129xf32, #tpu.memory_space<vmem>> -> memref<4x8x129xf32, #tpu.memory_space<vmem>>
        tpu.vector_store_idx %scatter3A_891[%select_n3A, %select_n3A_43, %add3A_869], %mul3A_877 : memref<4x8x129xf32, #tpu.memory_space<vmem>>[vector<16xi32>, vector<16xi32>, vector<16xi32>], vector<16xf32>,
        %add3A_892 = arith.constant 2 : i32
        %add3A_893 = vector.broadcast %add3A_892 : i32 to vector<16xi32>
        %add3A_894 = arith.addi %select_n3A, %add3A_893 : vector<16xi32>
        %scatter3A_895 = arith.constant 2 : i32
        %scatter3A_896 = arith.constant 0 : i32
        %scatter3A_897 = arith.constant 0 : i32
        %scatter3A_898 = arith.constant 0 : i32
        %scatter3A_899 = tpu.memref_slice %arg7[%scatter3A_895, %scatter3A_896, %scatter3A_897, %scatter3A_898] : memref<4x4x8x129xf32, #tpu.memory_space<vmem>> -> memref<1x4x8x129xf32, #tpu.memory_space<vmem>>
        %scatter3A_900 = tpu.memref_squeeze %scatter3A_899 : memref<1x4x8x129xf32, #tpu.memory_space<vmem>> -> memref<4x8x129xf32, #tpu.memory_space<vmem>>
        tpu.vector_store_idx %scatter3A_900[%add3A_894, %select_n3A_43, %add3A_869], %mul3A_885 : memref<4x8x129xf32, #tpu.memory_space<vmem>>[vector<16xi32>, vector<16xi32>, vector<16xi32>], vector<16xf32>,
      }
      %scan3A_477 = arith.constant 128 : i32
      %dma_start3A_478 = arith.constant 2 : i32
      %dma_start3A_479 = arith.constant 2 : i32
      %dma_start3A_480 = arith.constant 0 : i32
      %dma_start3A_481 = arith.constant 0 : i32
      %dma_start3A_482 = arith.constant 0 : i32
      %dma_start3A_483 = tpu.memref_slice %arg7[%dma_start3A_478, %dma_start3A_480, %dma_start3A_481, %dma_start3A_482] : memref<4x4x8x129xf32, #tpu.memory_space<vmem>> -> memref<1x4x8x128xf32, #tpu.memory_space<vmem>>
      %dma_start3A_484 = tpu.memref_squeeze %dma_start3A_483 : memref<1x4x8x128xf32, #tpu.memory_space<vmem>> -> memref<4x8x128xf32, #tpu.memory_space<vmem>>
      %dma_start3A_485 = arith.constant 0 : i32
      %dma_start3A_486 = arith.constant 0 : i32
      %dma_start3A_487 = arith.constant 0 : i32
      %dma_start3A_488 = tpu.memref_slice %arg4[%add3A_412, %dma_start3A_485, %add3A, %dma_start3A_486, %dma_start3A_487] : memref<200x4x32x8x128xf32, #tpu.memory_space<hbm>> -> memref<1x4x1x8x128xf32, #tpu.memory_space<hbm>>
      %dma_start3A_489 = tpu.memref_squeeze %dma_start3A_488 : memref<1x4x1x8x128xf32, #tpu.memory_space<hbm>> -> memref<4x8x128xf32, #tpu.memory_space<hbm>>
      %dma_start3A_490 = tpu.memref_slice %arg9[%dma_start3A_479] : memref<4x!tpu.dma_semaphore, #tpu.memory_space<semaphore_mem>> -> memref<1x!tpu.dma_semaphore, #tpu.memory_space<semaphore_mem>>
      %dma_start3A_491 = tpu.memref_squeeze %dma_start3A_490 : memref<1x!tpu.dma_semaphore, #tpu.memory_space<semaphore_mem>> -> memref<!tpu.dma_semaphore, #tpu.memory_space<semaphore_mem>>
      %dma_start3A_492 = arith.constant 0 : i32
      %dma_start3A_493 = arith.constant 0 : i32
      %dma_start3A_494 = arith.constant 0 : i32
      %dma_start3A_495 = tpu.memref_slice %arg4[%add3A_412, %dma_start3A_492, %add3A, %dma_start3A_493, %dma_start3A_494] : memref<200x4x32x8x128xf32, #tpu.memory_space<hbm>> -> memref<1x4x1x8x128xf32, #tpu.memory_space<hbm>>
      %dma_start3A_496 = tpu.memref_squeeze %dma_start3A_495 : memref<1x4x1x8x128xf32, #tpu.memory_space<hbm>> -> memref<4x8x128xf32, #tpu.memory_space<hbm>>
      %dma_start3A_497 = arith.constant 0 : i32
      %dma_start3A_498 = arith.constant 0 : i32
      %dma_start3A_499 = arith.constant 0 : i32
      %dma_start3A_500 = tpu.memref_slice %arg7[%dma_start3A_478, %dma_start3A_497, %dma_start3A_498, %dma_start3A_499] : memref<4x4x8x129xf32, #tpu.memory_space<vmem>> -> memref<1x4x8x128xf32, #tpu.memory_space<vmem>>
      %dma_start3A_501 = tpu.memref_squeeze %dma_start3A_500 : memref<1x4x8x128xf32, #tpu.memory_space<vmem>> -> memref<4x8x128xf32, #tpu.memory_space<vmem>>
      tpu.enqueue_dma source(%dma_start3A_501 : memref<4x8x128xf32, #tpu.memory_space<vmem>>) target(%dma_start3A_496 : memref<4x8x128xf32, #tpu.memory_space<hbm>>) target_semaphore(%dma_start3A_491 : memref<!tpu.dma_semaphore, #tpu.memory_space<semaphore_mem>>)
      %add3A_502 = arith.constant 4 : i32
      %add3A_503 = arith.addi %add3A_412, %add3A_502 : i32
      %lt3A_504 = arith.constant 200 : i32
      %lt3A_505 = arith.cmpi slt, %add3A_503, %lt3A_504 : i32
      %convert_element_type3A_506 = arith.extui %lt3A_505 : i1 to i32
      %cond3A_507 = arith.constant 0 : i32
      %cond3A_508 = arith.cmpi ne, %convert_element_type3A_506, %cond3A_507 : i32
      scf.if %cond3A_508 {
        %add3A_609 = arith.constant 4 : i32
        %add3A_610 = arith.addi %add3A_412, %add3A_609 : i32
        %jit3A_611 = arith.constant 8 : i32
        %div3A_612 = arith.divsi %add3A_610, %jit3A_611 : i32
        %sign3A_613 = arith.constant 0 : i32
        %sign3A_614 = arith.cmpi sgt, %add3A_610, %sign3A_613 : i32
        %sign3A_615 = arith.extui %sign3A_614 : i1 to i32
        %sign3A_616 = arith.constant 0 : i32
        %sign3A_617 = arith.cmpi slt, %add3A_610, %sign3A_616 : i32
        %sign3A_618 = arith.extui %sign3A_617 : i1 to i32
        %sign3A_619 = arith.subi %sign3A_615, %sign3A_618 : i32
        %sign3A_620 = arith.constant 0 : i32
        %sign3A_621 = arith.cmpi sgt, %jit3A_611, %sign3A_620 : i32
        %sign3A_622 = arith.extui %sign3A_621 : i1 to i32
        %sign3A_623 = arith.constant 0 : i32
        %sign3A_624 = arith.cmpi slt, %jit3A_611, %sign3A_623 : i32
        %sign3A_625 = arith.extui %sign3A_624 : i1 to i32
        %sign3A_626 = arith.subi %sign3A_622, %sign3A_625 : i32
        %ne3A_627 = arith.cmpi ne, %sign3A_619, %sign3A_626 : i32
        %rem3A_628 = arith.remsi %add3A_610, %jit3A_611 : i32
        %ne3A_629 = arith.constant 0 : i32
        %ne3A_630 = arith.cmpi ne, %rem3A_628, %ne3A_629 : i32
        %and3A_631 = arith.andi %ne3A_627, %ne3A_630 : i1
        %sub3A_632 = arith.constant 1 : i32
        %sub3A_633 = arith.subi %div3A_612, %sub3A_632 : i32
        %select_n3A_634 = arith.select %and3A_631, %sub3A_633, %div3A_612 : i32
        %jit3A_635 = arith.constant 8 : i32
        %eq3A_636 = arith.constant 0 : i32
        %eq3A_637 = arith.cmpi eq, %jit3A_635, %eq3A_636 : i32
        %jit3A_638 = arith.constant 1 : i32
        %select_n3A_639 = arith.select %eq3A_637, %jit3A_638, %jit3A_635 : i32
        %rem3A_640 = arith.remsi %add3A_610, %select_n3A_639 : i32
        %ne3A_641 = arith.constant 0 : i32
        %ne3A_642 = arith.cmpi ne, %rem3A_640, %ne3A_641 : i32
        %lt3A_643 = arith.constant 0 : i32
        %lt3A_644 = arith.cmpi slt, %rem3A_640, %lt3A_643 : i32
        %lt3A_645 = arith.constant 0 : i32
        %lt3A_646 = arith.cmpi slt, %select_n3A_639, %lt3A_645 : i32
        %ne3A_647 = arith.xori %lt3A_644, %lt3A_646 : i1
        %and3A_648 = arith.andi %ne3A_647, %ne3A_642 : i1
        %add3A_649 = arith.addi %rem3A_640, %select_n3A_639 : i32
        %select_n3A_650 = arith.select %and3A_648, %add3A_649, %rem3A_640 : i32
        %dma_start3A_651 = arith.constant 2 : i32
        %dma_start3A_652 = arith.constant 2 : i32
        %dma_start3A_653 = arith.constant 0 : i32
        %dma_start3A_654 = arith.constant 0 : i32
        %dma_start3A_655 = tpu.memref_slice %arg6[%dma_start3A_651, %dma_start3A_653, %dma_start3A_654] : memref<4x128x32xf32, #tpu.memory_space<vmem>> -> memref<1x128x32xf32, #tpu.memory_space<vmem>>
        %dma_start3A_656 = tpu.memref_squeeze %dma_start3A_655 : memref<1x128x32xf32, #tpu.memory_space<vmem>> -> memref<128x32xf32, #tpu.memory_space<vmem>>
        %dma_start3A_657 = arith.constant 0 : i32
        %dma_start3A_658 = tpu.memref_slice %arg5[%select_n3A_634, %select_n3A_650, %dma_start3A_657] : memref<25x8x128xi32, #tpu.memory_space<vmem>> -> memref<1x1x128xi32, #tpu.memory_space<vmem>>
        %dma_start3A_659 = tpu.memref_squeeze %dma_start3A_658 : memref<1x1x128xi32, #tpu.memory_space<vmem>> -> memref<128xi32, #tpu.memory_space<vmem>>
        %dma_start3A_660 = arith.constant 0 : i32
        %dma_start3A_661 = arith.constant 0 : i32
        %dma_start3A_662 = tpu.memref_slice %arg3[%dma_start3A_660, %dma_start3A_661] : memref<1000000x32xf32, #tpu.memory_space<hbm>> -> memref<1000000x32xf32, #tpu.memory_space<hbm>>
        %dma_start3A_663 = tpu.memref_slice %arg8[%dma_start3A_652] : memref<4x!tpu.dma_semaphore, #tpu.memory_space<semaphore_mem>> -> memref<1x!tpu.dma_semaphore, #tpu.memory_space<semaphore_mem>>
        %dma_start3A_664 = tpu.memref_squeeze %dma_start3A_663 : memref<1x!tpu.dma_semaphore, #tpu.memory_space<semaphore_mem>> -> memref<!tpu.dma_semaphore, #tpu.memory_space<semaphore_mem>>
        tpu.enqueue_indirect_dma source(%dma_start3A_662 : memref<1000000x32xf32, #tpu.memory_space<hbm>>) target(%dma_start3A_656 : memref<128x32xf32, #tpu.memory_space<vmem>>) offsets(%dma_start3A_659 : memref<128xi32, #tpu.memory_space<vmem>>) semaphore(%dma_start3A_664 : memref<!tpu.dma_semaphore, #tpu.memory_space<semaphore_mem>>)
      } else {
      }
      %mul3A_509 = arith.constant 4 : i32
      %mul3A_510 = arith.muli %mul3A_509, %scan3A_211 : i32
      %add3A_511 = arith.constant 3 : i32
      %add3A_512 = arith.addi %mul3A_510, %add3A_511 : i32
      %gt3A_513 = arith.constant 0 : i32
      %gt3A_514 = arith.cmpi sgt, %scan3A_211, %gt3A_513 : i32
      %convert_element_type3A_515 = arith.extui %gt3A_514 : i1 to i32
      %cond3A_516 = arith.constant 0 : i32
      %cond3A_517 = arith.cmpi ne, %convert_element_type3A_515, %cond3A_516 : i32
      scf.if %cond3A_517 {
        %sub3A_609 = arith.constant 4 : i32
        %sub3A_610 = arith.subi %add3A_512, %sub3A_609 : i32
        %dma_wait3A_611 = arith.constant 3 : i32
        %dma_wait3A_612 = arith.constant 3 : i32
        %dma_wait3A_613 = arith.constant 0 : i32
        %dma_wait3A_614 = arith.constant 0 : i32
        %dma_wait3A_615 = arith.constant 0 : i32
        %dma_wait3A_616 = tpu.memref_slice %arg7[%dma_wait3A_611, %dma_wait3A_613, %dma_wait3A_614, %dma_wait3A_615] : memref<4x4x8x129xf32, #tpu.memory_space<vmem>> -> memref<1x4x8x128xf32, #tpu.memory_space<vmem>>
        %dma_wait3A_617 = tpu.memref_squeeze %dma_wait3A_616 : memref<1x4x8x128xf32, #tpu.memory_space<vmem>> -> memref<4x8x128xf32, #tpu.memory_space<vmem>>
        %dma_wait3A_618 = arith.constant 0 : i32
        %dma_wait3A_619 = arith.constant 0 : i32
        %dma_wait3A_620 = arith.constant 0 : i32
        %dma_wait3A_621 = tpu.memref_slice %arg4[%sub3A_610, %dma_wait3A_618, %add3A, %dma_wait3A_619, %dma_wait3A_620] : memref<200x4x32x8x128xf32, #tpu.memory_space<hbm>> -> memref<1x4x1x8x128xf32, #tpu.memory_space<hbm>>
        %dma_wait3A_622 = tpu.memref_squeeze %dma_wait3A_621 : memref<1x4x1x8x128xf32, #tpu.memory_space<hbm>> -> memref<4x8x128xf32, #tpu.memory_space<hbm>>
        %dma_wait3A_623 = tpu.memref_slice %arg9[%dma_wait3A_612] : memref<4x!tpu.dma_semaphore, #tpu.memory_space<semaphore_mem>> -> memref<1x!tpu.dma_semaphore, #tpu.memory_space<semaphore_mem>>
        %dma_wait3A_624 = tpu.memref_squeeze %dma_wait3A_623 : memref<1x!tpu.dma_semaphore, #tpu.memory_space<semaphore_mem>> -> memref<!tpu.dma_semaphore, #tpu.memory_space<semaphore_mem>>
        %dma_wait3A_625 = arith.constant 0 : i32
        %dma_wait3A_626 = arith.constant 0 : i32
        %dma_wait3A_627 = arith.constant 0 : i32
        %dma_wait3A_628 = tpu.memref_slice %arg4[%sub3A_610, %dma_wait3A_625, %add3A, %dma_wait3A_626, %dma_wait3A_627] : memref<200x4x32x8x128xf32, #tpu.memory_space<hbm>> -> memref<1x4x1x8x128xf32, #tpu.memory_space<hbm>>
        %dma_wait3A_629 = tpu.memref_squeeze %dma_wait3A_628 : memref<1x4x1x8x128xf32, #tpu.memory_space<hbm>> -> memref<4x8x128xf32, #tpu.memory_space<hbm>>
        %dma_wait3A_630 = arith.constant 0 : i32
        %dma_wait3A_631 = arith.constant 0 : i32
        %dma_wait3A_632 = arith.constant 0 : i32
        %dma_wait3A_633 = tpu.memref_slice %arg7[%dma_wait3A_611, %dma_wait3A_630, %dma_wait3A_631, %dma_wait3A_632] : memref<4x4x8x129xf32, #tpu.memory_space<vmem>> -> memref<1x4x8x128xf32, #tpu.memory_space<vmem>>
        %dma_wait3A_634 = tpu.memref_squeeze %dma_wait3A_633 : memref<1x4x8x128xf32, #tpu.memory_space<vmem>> -> memref<4x8x128xf32, #tpu.memory_space<vmem>>
        tpu.wait_dma2 semaphore(%dma_wait3A_624 : memref<!tpu.dma_semaphore, #tpu.memory_space<semaphore_mem>>) src(%dma_wait3A_634 : memref<4x8x128xf32, #tpu.memory_space<vmem>>) dst(%dma_wait3A_629 : memref<4x8x128xf32, #tpu.memory_space<hbm>>)
      } else {
      }
      %jit3A_518 = arith.constant 8 : i32
      %div3A_519 = arith.divsi %add3A_512, %jit3A_518 : i32
      %sign3A_520 = arith.constant 0 : i32
      %sign3A_521 = arith.cmpi sgt, %add3A_512, %sign3A_520 : i32
      %sign3A_522 = arith.extui %sign3A_521 : i1 to i32
      %sign3A_523 = arith.constant 0 : i32
      %sign3A_524 = arith.cmpi slt, %add3A_512, %sign3A_523 : i32
      %sign3A_525 = arith.extui %sign3A_524 : i1 to i32
      %sign3A_526 = arith.subi %sign3A_522, %sign3A_525 : i32
      %sign3A_527 = arith.constant 0 : i32
      %sign3A_528 = arith.cmpi sgt, %jit3A_518, %sign3A_527 : i32
      %sign3A_529 = arith.extui %sign3A_528 : i1 to i32
      %sign3A_530 = arith.constant 0 : i32
      %sign3A_531 = arith.cmpi slt, %jit3A_518, %sign3A_530 : i32
      %sign3A_532 = arith.extui %sign3A_531 : i1 to i32
      %sign3A_533 = arith.subi %sign3A_529, %sign3A_532 : i32
      %ne3A_534 = arith.cmpi ne, %sign3A_526, %sign3A_533 : i32
      %rem3A_535 = arith.remsi %add3A_512, %jit3A_518 : i32
      %ne3A_536 = arith.constant 0 : i32
      %ne3A_537 = arith.cmpi ne, %rem3A_535, %ne3A_536 : i32
      %and3A_538 = arith.andi %ne3A_534, %ne3A_537 : i1
      %sub3A_539 = arith.constant 1 : i32
      %sub3A_540 = arith.subi %div3A_519, %sub3A_539 : i32
      %select_n3A_541 = arith.select %and3A_538, %sub3A_540, %div3A_519 : i32
      %jit3A_542 = arith.constant 8 : i32
      %eq3A_543 = arith.constant 0 : i32
      %eq3A_544 = arith.cmpi eq, %jit3A_542, %eq3A_543 : i32
      %jit3A_545 = arith.constant 1 : i32
      %select_n3A_546 = arith.select %eq3A_544, %jit3A_545, %jit3A_542 : i32
      %rem3A_547 = arith.remsi %add3A_512, %select_n3A_546 : i32
      %ne3A_548 = arith.constant 0 : i32
      %ne3A_549 = arith.cmpi ne, %rem3A_547, %ne3A_548 : i32
      %lt3A_550 = arith.constant 0 : i32
      %lt3A_551 = arith.cmpi slt, %rem3A_547, %lt3A_550 : i32
      %lt3A_552 = arith.constant 0 : i32
      %lt3A_553 = arith.cmpi slt, %select_n3A_546, %lt3A_552 : i32
      %ne3A_554 = arith.xori %lt3A_551, %lt3A_553 : i1
      %and3A_555 = arith.andi %ne3A_554, %ne3A_549 : i1
      %add3A_556 = arith.addi %rem3A_547, %select_n3A_546 : i32
      %select_n3A_557 = arith.select %and3A_555, %add3A_556, %rem3A_547 : i32
      %dma_wait3A_558 = arith.constant 3 : i32
      %dma_wait3A_559 = arith.constant 3 : i32
      %dma_wait3A_560 = arith.constant 0 : i32
      %dma_wait3A_561 = arith.constant 0 : i32
      %dma_wait3A_562 = tpu.memref_slice %arg6[%dma_wait3A_558, %dma_wait3A_560, %dma_wait3A_561] : memref<4x128x32xf32, #tpu.memory_space<vmem>> -> memref<1x128x32xf32, #tpu.memory_space<vmem>>
      %dma_wait3A_563 = tpu.memref_squeeze %dma_wait3A_562 : memref<1x128x32xf32, #tpu.memory_space<vmem>> -> memref<128x32xf32, #tpu.memory_space<vmem>>
      %dma_wait3A_564 = arith.constant 0 : i32
      %dma_wait3A_565 = tpu.memref_slice %arg5[%select_n3A_541, %select_n3A_557, %dma_wait3A_564] : memref<25x8x128xi32, #tpu.memory_space<vmem>> -> memref<1x1x128xi32, #tpu.memory_space<vmem>>
      %dma_wait3A_566 = tpu.memref_squeeze %dma_wait3A_565 : memref<1x1x128xi32, #tpu.memory_space<vmem>> -> memref<128xi32, #tpu.memory_space<vmem>>
      %dma_wait3A_567 = arith.constant 0 : i32
      %dma_wait3A_568 = arith.constant 0 : i32
      %dma_wait3A_569 = tpu.memref_slice %arg3[%dma_wait3A_567, %dma_wait3A_568] : memref<1000000x32xf32, #tpu.memory_space<hbm>> -> memref<1000000x32xf32, #tpu.memory_space<hbm>>
      %dma_wait3A_570 = tpu.memref_slice %arg8[%dma_wait3A_559] : memref<4x!tpu.dma_semaphore, #tpu.memory_space<semaphore_mem>> -> memref<1x!tpu.dma_semaphore, #tpu.memory_space<semaphore_mem>>
      %dma_wait3A_571 = tpu.memref_squeeze %dma_wait3A_570 : memref<1x!tpu.dma_semaphore, #tpu.memory_space<semaphore_mem>> -> memref<!tpu.dma_semaphore, #tpu.memory_space<semaphore_mem>>
      tpu.wait_indirect_dma semaphore(%dma_wait3A_571 : memref<!tpu.dma_semaphore, #tpu.memory_space<semaphore_mem>>) src(%dma_wait3A_569 : memref<1000000x32xf32, #tpu.memory_space<hbm>>) dst(%dma_wait3A_563 : memref<128x32xf32, #tpu.memory_space<vmem>>)
      %scan3A_572 = arith.constant 0 : i32
      %scan3A_573 = arith.constant 0 : i32
      %scan3A_574 = arith.constant 128 : i32
      %scan3A_575 = arith.addi %scan3A_573, %scan3A_574 : i32
      %scan3A_576 = arith.constant 8 : i32
      scf.for %scan3A_609 = %scan3A_573 to %scan3A_575 step %scan3A_576  : i32 {
        %broadcast_in_dim3A = arith.constant 0 : i32
        %broadcast_in_dim3A_610 = vector.broadcast %broadcast_in_dim3A : i32 to vector<16xi32>
        %add3A_611 = vector.broadcast %scan3A_609 : i32 to vector<16xi32>
        %add3A_612 = arith.addi %broadcast_in_dim3A_610, %add3A_611 : vector<16xi32>
        %get3A = arith.constant 3 : i32
        %get3A_613 = arith.index_cast %get3A : i32 to index
        %get3A_614 = arith.index_cast %scan3A_609 : i32 to index
        %get3A_615 = arith.constant 0 : index
        %get3A_616 = tpu.vector_load %arg6[%get3A_613, %get3A_614, %get3A_615] {strides = array<i32>} : memref<4x128x32xf32, #tpu.memory_space<vmem>>, vector<16xf32>,
        %mul3A_617 = arith.constant 5.65685415 : f32
        %mul3A_618 = vector.broadcast %mul3A_617 : f32 to vector<16xf32>
        %mul3A_619 = arith.mulf %get3A_616, %mul3A_618 : vector<16xf32>
        %get3A_620 = arith.constant 3 : i32
        %get3A_621 = arith.index_cast %get3A_620 : i32 to index
        %get3A_622 = arith.index_cast %scan3A_609 : i32 to index
        %get3A_623 = arith.constant 16 : index
        %get3A_624 = tpu.vector_load %arg6[%get3A_621, %get3A_622, %get3A_623] {strides = array<i32>} : memref<4x128x32xf32, #tpu.memory_space<vmem>>, vector<16xf32>,
        %mul3A_625 = arith.constant 5.65685415 : f32
        %mul3A_626 = vector.broadcast %mul3A_625 : f32 to vector<16xf32>
        %mul3A_627 = arith.mulf %get3A_624, %mul3A_626 : vector<16xf32>
        %scatter3A = arith.constant 3 : i32
        %scatter3A_628 = arith.constant 0 : i32
        %scatter3A_629 = arith.constant 0 : i32
        %scatter3A_630 = arith.constant 0 : i32
        %scatter3A_631 = tpu.memref_slice %arg7[%scatter3A, %scatter3A_628, %scatter3A_629, %scatter3A_630] : memref<4x4x8x129xf32, #tpu.memory_space<vmem>> -> memref<1x4x8x129xf32, #tpu.memory_space<vmem>>
        %scatter3A_632 = tpu.memref_squeeze %scatter3A_631 : memref<1x4x8x129xf32, #tpu.memory_space<vmem>> -> memref<4x8x129xf32, #tpu.memory_space<vmem>>
        tpu.vector_store_idx %scatter3A_632[%select_n3A, %select_n3A_43, %add3A_612], %mul3A_619 : memref<4x8x129xf32, #tpu.memory_space<vmem>>[vector<16xi32>, vector<16xi32>, vector<16xi32>], vector<16xf32>,
        %add3A_633 = arith.constant 2 : i32
        %add3A_634 = vector.broadcast %add3A_633 : i32 to vector<16xi32>
        %add3A_635 = arith.addi %select_n3A, %add3A_634 : vector<16xi32>
        %scatter3A_636 = arith.constant 3 : i32
        %scatter3A_637 = arith.constant 0 : i32
        %scatter3A_638 = arith.constant 0 : i32
        %scatter3A_639 = arith.constant 0 : i32
        %scatter3A_640 = tpu.memref_slice %arg7[%scatter3A_636, %scatter3A_637, %scatter3A_638, %scatter3A_639] : memref<4x4x8x129xf32, #tpu.memory_space<vmem>> -> memref<1x4x8x129xf32, #tpu.memory_space<vmem>>
        %scatter3A_641 = tpu.memref_squeeze %scatter3A_640 : memref<1x4x8x129xf32, #tpu.memory_space<vmem>> -> memref<4x8x129xf32, #tpu.memory_space<vmem>>
        tpu.vector_store_idx %scatter3A_641[%add3A_635, %select_n3A_43, %add3A_612], %mul3A_627 : memref<4x8x129xf32, #tpu.memory_space<vmem>>[vector<16xi32>, vector<16xi32>, vector<16xi32>], vector<16xf32>,
        %scan3A_642 = arith.constant 1 : i32
        %scan3A_643 = arith.addi %scan3A_609, %scan3A_642 : i32
        %broadcast_in_dim3A_644 = arith.constant 0 : i32
        %broadcast_in_dim3A_645 = vector.broadcast %broadcast_in_dim3A_644 : i32 to vector<16xi32>
        %add3A_646 = vector.broadcast %scan3A_643 : i32 to vector<16xi32>
        %add3A_647 = arith.addi %broadcast_in_dim3A_645, %add3A_646 : vector<16xi32>
        %get3A_648 = arith.constant 3 : i32
        %get3A_649 = arith.index_cast %get3A_648 : i32 to index
        %get3A_650 = arith.index_cast %scan3A_643 : i32 to index
        %get3A_651 = arith.constant 0 : index
        %get3A_652 = tpu.vector_load %arg6[%get3A_649, %get3A_650, %get3A_651] {strides = array<i32>} : memref<4x128x32xf32, #tpu.memory_space<vmem>>, vector<16xf32>,
        %mul3A_653 = arith.constant 5.65685415 : f32
        %mul3A_654 = vector.broadcast %mul3A_653 : f32 to vector<16xf32>
        %mul3A_655 = arith.mulf %get3A_652, %mul3A_654 : vector<16xf32>
        %get3A_656 = arith.constant 3 : i32
        %get3A_657 = arith.index_cast %get3A_656 : i32 to index
        %get3A_658 = arith.index_cast %scan3A_643 : i32 to index
        %get3A_659 = arith.constant 16 : index
        %get3A_660 = tpu.vector_load %arg6[%get3A_657, %get3A_658, %get3A_659] {strides = array<i32>} : memref<4x128x32xf32, #tpu.memory_space<vmem>>, vector<16xf32>,
        %mul3A_661 = arith.constant 5.65685415 : f32
        %mul3A_662 = vector.broadcast %mul3A_661 : f32 to vector<16xf32>
        %mul3A_663 = arith.mulf %get3A_660, %mul3A_662 : vector<16xf32>
        %scatter3A_664 = arith.constant 3 : i32
        %scatter3A_665 = arith.constant 0 : i32
        %scatter3A_666 = arith.constant 0 : i32
        %scatter3A_667 = arith.constant 0 : i32
        %scatter3A_668 = tpu.memref_slice %arg7[%scatter3A_664, %scatter3A_665, %scatter3A_666, %scatter3A_667] : memref<4x4x8x129xf32, #tpu.memory_space<vmem>> -> memref<1x4x8x129xf32, #tpu.memory_space<vmem>>
        %scatter3A_669 = tpu.memref_squeeze %scatter3A_668 : memref<1x4x8x129xf32, #tpu.memory_space<vmem>> -> memref<4x8x129xf32, #tpu.memory_space<vmem>>
        tpu.vector_store_idx %scatter3A_669[%select_n3A, %select_n3A_43, %add3A_647], %mul3A_655 : memref<4x8x129xf32, #tpu.memory_space<vmem>>[vector<16xi32>, vector<16xi32>, vector<16xi32>], vector<16xf32>,
        %add3A_670 = arith.constant 2 : i32
        %add3A_671 = vector.broadcast %add3A_670 : i32 to vector<16xi32>
        %add3A_672 = arith.addi %select_n3A, %add3A_671 : vector<16xi32>
        %scatter3A_673 = arith.constant 3 : i32
        %scatter3A_674 = arith.constant 0 : i32
        %scatter3A_675 = arith.constant 0 : i32
        %scatter3A_676 = arith.constant 0 : i32
        %scatter3A_677 = tpu.memref_slice %arg7[%scatter3A_673, %scatter3A_674, %scatter3A_675, %scatter3A_676] : memref<4x4x8x129xf32, #tpu.memory_space<vmem>> -> memref<1x4x8x129xf32, #tpu.memory_space<vmem>>
        %scatter3A_678 = tpu.memref_squeeze %scatter3A_677 : memref<1x4x8x129xf32, #tpu.memory_space<vmem>> -> memref<4x8x129xf32, #tpu.memory_space<vmem>>
        tpu.vector_store_idx %scatter3A_678[%add3A_672, %select_n3A_43, %add3A_647], %mul3A_663 : memref<4x8x129xf32, #tpu.memory_space<vmem>>[vector<16xi32>, vector<16xi32>, vector<16xi32>], vector<16xf32>,
        %scan3A_679 = arith.constant 2 : i32
        %scan3A_680 = arith.addi %scan3A_609, %scan3A_679 : i32
        %broadcast_in_dim3A_681 = arith.constant 0 : i32
        %broadcast_in_dim3A_682 = vector.broadcast %broadcast_in_dim3A_681 : i32 to vector<16xi32>
        %add3A_683 = vector.broadcast %scan3A_680 : i32 to vector<16xi32>
        %add3A_684 = arith.addi %broadcast_in_dim3A_682, %add3A_683 : vector<16xi32>
        %get3A_685 = arith.constant 3 : i32
        %get3A_686 = arith.index_cast %get3A_685 : i32 to index
        %get3A_687 = arith.index_cast %scan3A_680 : i32 to index
        %get3A_688 = arith.constant 0 : index
        %get3A_689 = tpu.vector_load %arg6[%get3A_686, %get3A_687, %get3A_688] {strides = array<i32>} : memref<4x128x32xf32, #tpu.memory_space<vmem>>, vector<16xf32>,
        %mul3A_690 = arith.constant 5.65685415 : f32
        %mul3A_691 = vector.broadcast %mul3A_690 : f32 to vector<16xf32>
        %mul3A_692 = arith.mulf %get3A_689, %mul3A_691 : vector<16xf32>
        %get3A_693 = arith.constant 3 : i32
        %get3A_694 = arith.index_cast %get3A_693 : i32 to index
        %get3A_695 = arith.index_cast %scan3A_680 : i32 to index
        %get3A_696 = arith.constant 16 : index
        %get3A_697 = tpu.vector_load %arg6[%get3A_694, %get3A_695, %get3A_696] {strides = array<i32>} : memref<4x128x32xf32, #tpu.memory_space<vmem>>, vector<16xf32>,
        %mul3A_698 = arith.constant 5.65685415 : f32
        %mul3A_699 = vector.broadcast %mul3A_698 : f32 to vector<16xf32>
        %mul3A_700 = arith.mulf %get3A_697, %mul3A_699 : vector<16xf32>
        %scatter3A_701 = arith.constant 3 : i32
        %scatter3A_702 = arith.constant 0 : i32
        %scatter3A_703 = arith.constant 0 : i32
        %scatter3A_704 = arith.constant 0 : i32
        %scatter3A_705 = tpu.memref_slice %arg7[%scatter3A_701, %scatter3A_702, %scatter3A_703, %scatter3A_704] : memref<4x4x8x129xf32, #tpu.memory_space<vmem>> -> memref<1x4x8x129xf32, #tpu.memory_space<vmem>>
        %scatter3A_706 = tpu.memref_squeeze %scatter3A_705 : memref<1x4x8x129xf32, #tpu.memory_space<vmem>> -> memref<4x8x129xf32, #tpu.memory_space<vmem>>
        tpu.vector_store_idx %scatter3A_706[%select_n3A, %select_n3A_43, %add3A_684], %mul3A_692 : memref<4x8x129xf32, #tpu.memory_space<vmem>>[vector<16xi32>, vector<16xi32>, vector<16xi32>], vector<16xf32>,
        %add3A_707 = arith.constant 2 : i32
        %add3A_708 = vector.broadcast %add3A_707 : i32 to vector<16xi32>
        %add3A_709 = arith.addi %select_n3A, %add3A_708 : vector<16xi32>
        %scatter3A_710 = arith.constant 3 : i32
        %scatter3A_711 = arith.constant 0 : i32
        %scatter3A_712 = arith.constant 0 : i32
        %scatter3A_713 = arith.constant 0 : i32
        %scatter3A_714 = tpu.memref_slice %arg7[%scatter3A_710, %scatter3A_711, %scatter3A_712, %scatter3A_713] : memref<4x4x8x129xf32, #tpu.memory_space<vmem>> -> memref<1x4x8x129xf32, #tpu.memory_space<vmem>>
        %scatter3A_715 = tpu.memref_squeeze %scatter3A_714 : memref<1x4x8x129xf32, #tpu.memory_space<vmem>> -> memref<4x8x129xf32, #tpu.memory_space<vmem>>
        tpu.vector_store_idx %scatter3A_715[%add3A_709, %select_n3A_43, %add3A_684], %mul3A_700 : memref<4x8x129xf32, #tpu.memory_space<vmem>>[vector<16xi32>, vector<16xi32>, vector<16xi32>], vector<16xf32>,
        %scan3A_716 = arith.constant 3 : i32
        %scan3A_717 = arith.addi %scan3A_609, %scan3A_716 : i32
        %broadcast_in_dim3A_718 = arith.constant 0 : i32
        %broadcast_in_dim3A_719 = vector.broadcast %broadcast_in_dim3A_718 : i32 to vector<16xi32>
        %add3A_720 = vector.broadcast %scan3A_717 : i32 to vector<16xi32>
        %add3A_721 = arith.addi %broadcast_in_dim3A_719, %add3A_720 : vector<16xi32>
        %get3A_722 = arith.constant 3 : i32
        %get3A_723 = arith.index_cast %get3A_722 : i32 to index
        %get3A_724 = arith.index_cast %scan3A_717 : i32 to index
        %get3A_725 = arith.constant 0 : index
        %get3A_726 = tpu.vector_load %arg6[%get3A_723, %get3A_724, %get3A_725] {strides = array<i32>} : memref<4x128x32xf32, #tpu.memory_space<vmem>>, vector<16xf32>,
        %mul3A_727 = arith.constant 5.65685415 : f32
        %mul3A_728 = vector.broadcast %mul3A_727 : f32 to vector<16xf32>
        %mul3A_729 = arith.mulf %get3A_726, %mul3A_728 : vector<16xf32>
        %get3A_730 = arith.constant 3 : i32
        %get3A_731 = arith.index_cast %get3A_730 : i32 to index
        %get3A_732 = arith.index_cast %scan3A_717 : i32 to index
        %get3A_733 = arith.constant 16 : index
        %get3A_734 = tpu.vector_load %arg6[%get3A_731, %get3A_732, %get3A_733] {strides = array<i32>} : memref<4x128x32xf32, #tpu.memory_space<vmem>>, vector<16xf32>,
        %mul3A_735 = arith.constant 5.65685415 : f32
        %mul3A_736 = vector.broadcast %mul3A_735 : f32 to vector<16xf32>
        %mul3A_737 = arith.mulf %get3A_734, %mul3A_736 : vector<16xf32>
        %scatter3A_738 = arith.constant 3 : i32
        %scatter3A_739 = arith.constant 0 : i32
        %scatter3A_740 = arith.constant 0 : i32
        %scatter3A_741 = arith.constant 0 : i32
        %scatter3A_742 = tpu.memref_slice %arg7[%scatter3A_738, %scatter3A_739, %scatter3A_740, %scatter3A_741] : memref<4x4x8x129xf32, #tpu.memory_space<vmem>> -> memref<1x4x8x129xf32, #tpu.memory_space<vmem>>
        %scatter3A_743 = tpu.memref_squeeze %scatter3A_742 : memref<1x4x8x129xf32, #tpu.memory_space<vmem>> -> memref<4x8x129xf32, #tpu.memory_space<vmem>>
        tpu.vector_store_idx %scatter3A_743[%select_n3A, %select_n3A_43, %add3A_721], %mul3A_729 : memref<4x8x129xf32, #tpu.memory_space<vmem>>[vector<16xi32>, vector<16xi32>, vector<16xi32>], vector<16xf32>,
        %add3A_744 = arith.constant 2 : i32
        %add3A_745 = vector.broadcast %add3A_744 : i32 to vector<16xi32>
        %add3A_746 = arith.addi %select_n3A, %add3A_745 : vector<16xi32>
        %scatter3A_747 = arith.constant 3 : i32
        %scatter3A_748 = arith.constant 0 : i32
        %scatter3A_749 = arith.constant 0 : i32
        %scatter3A_750 = arith.constant 0 : i32
        %scatter3A_751 = tpu.memref_slice %arg7[%scatter3A_747, %scatter3A_748, %scatter3A_749, %scatter3A_750] : memref<4x4x8x129xf32, #tpu.memory_space<vmem>> -> memref<1x4x8x129xf32, #tpu.memory_space<vmem>>
        %scatter3A_752 = tpu.memref_squeeze %scatter3A_751 : memref<1x4x8x129xf32, #tpu.memory_space<vmem>> -> memref<4x8x129xf32, #tpu.memory_space<vmem>>
        tpu.vector_store_idx %scatter3A_752[%add3A_746, %select_n3A_43, %add3A_721], %mul3A_737 : memref<4x8x129xf32, #tpu.memory_space<vmem>>[vector<16xi32>, vector<16xi32>, vector<16xi32>], vector<16xf32>,
        %scan3A_753 = arith.constant 4 : i32
        %scan3A_754 = arith.addi %scan3A_609, %scan3A_753 : i32
        %broadcast_in_dim3A_755 = arith.constant 0 : i32
        %broadcast_in_dim3A_756 = vector.broadcast %broadcast_in_dim3A_755 : i32 to vector<16xi32>
        %add3A_757 = vector.broadcast %scan3A_754 : i32 to vector<16xi32>
        %add3A_758 = arith.addi %broadcast_in_dim3A_756, %add3A_757 : vector<16xi32>
        %get3A_759 = arith.constant 3 : i32
        %get3A_760 = arith.index_cast %get3A_759 : i32 to index
        %get3A_761 = arith.index_cast %scan3A_754 : i32 to index
        %get3A_762 = arith.constant 0 : index
        %get3A_763 = tpu.vector_load %arg6[%get3A_760, %get3A_761, %get3A_762] {strides = array<i32>} : memref<4x128x32xf32, #tpu.memory_space<vmem>>, vector<16xf32>,
        %mul3A_764 = arith.constant 5.65685415 : f32
        %mul3A_765 = vector.broadcast %mul3A_764 : f32 to vector<16xf32>
        %mul3A_766 = arith.mulf %get3A_763, %mul3A_765 : vector<16xf32>
        %get3A_767 = arith.constant 3 : i32
        %get3A_768 = arith.index_cast %get3A_767 : i32 to index
        %get3A_769 = arith.index_cast %scan3A_754 : i32 to index
        %get3A_770 = arith.constant 16 : index
        %get3A_771 = tpu.vector_load %arg6[%get3A_768, %get3A_769, %get3A_770] {strides = array<i32>} : memref<4x128x32xf32, #tpu.memory_space<vmem>>, vector<16xf32>,
        %mul3A_772 = arith.constant 5.65685415 : f32
        %mul3A_773 = vector.broadcast %mul3A_772 : f32 to vector<16xf32>
        %mul3A_774 = arith.mulf %get3A_771, %mul3A_773 : vector<16xf32>
        %scatter3A_775 = arith.constant 3 : i32
        %scatter3A_776 = arith.constant 0 : i32
        %scatter3A_777 = arith.constant 0 : i32
        %scatter3A_778 = arith.constant 0 : i32
        %scatter3A_779 = tpu.memref_slice %arg7[%scatter3A_775, %scatter3A_776, %scatter3A_777, %scatter3A_778] : memref<4x4x8x129xf32, #tpu.memory_space<vmem>> -> memref<1x4x8x129xf32, #tpu.memory_space<vmem>>
        %scatter3A_780 = tpu.memref_squeeze %scatter3A_779 : memref<1x4x8x129xf32, #tpu.memory_space<vmem>> -> memref<4x8x129xf32, #tpu.memory_space<vmem>>
        tpu.vector_store_idx %scatter3A_780[%select_n3A, %select_n3A_43, %add3A_758], %mul3A_766 : memref<4x8x129xf32, #tpu.memory_space<vmem>>[vector<16xi32>, vector<16xi32>, vector<16xi32>], vector<16xf32>,
        %add3A_781 = arith.constant 2 : i32
        %add3A_782 = vector.broadcast %add3A_781 : i32 to vector<16xi32>
        %add3A_783 = arith.addi %select_n3A, %add3A_782 : vector<16xi32>
        %scatter3A_784 = arith.constant 3 : i32
        %scatter3A_785 = arith.constant 0 : i32
        %scatter3A_786 = arith.constant 0 : i32
        %scatter3A_787 = arith.constant 0 : i32
        %scatter3A_788 = tpu.memref_slice %arg7[%scatter3A_784, %scatter3A_785, %scatter3A_786, %scatter3A_787] : memref<4x4x8x129xf32, #tpu.memory_space<vmem>> -> memref<1x4x8x129xf32, #tpu.memory_space<vmem>>
        %scatter3A_789 = tpu.memref_squeeze %scatter3A_788 : memref<1x4x8x129xf32, #tpu.memory_space<vmem>> -> memref<4x8x129xf32, #tpu.memory_space<vmem>>
        tpu.vector_store_idx %scatter3A_789[%add3A_783, %select_n3A_43, %add3A_758], %mul3A_774 : memref<4x8x129xf32, #tpu.memory_space<vmem>>[vector<16xi32>, vector<16xi32>, vector<16xi32>], vector<16xf32>,
        %scan3A_790 = arith.constant 5 : i32
        %scan3A_791 = arith.addi %scan3A_609, %scan3A_790 : i32
        %broadcast_in_dim3A_792 = arith.constant 0 : i32
        %broadcast_in_dim3A_793 = vector.broadcast %broadcast_in_dim3A_792 : i32 to vector<16xi32>
        %add3A_794 = vector.broadcast %scan3A_791 : i32 to vector<16xi32>
        %add3A_795 = arith.addi %broadcast_in_dim3A_793, %add3A_794 : vector<16xi32>
        %get3A_796 = arith.constant 3 : i32
        %get3A_797 = arith.index_cast %get3A_796 : i32 to index
        %get3A_798 = arith.index_cast %scan3A_791 : i32 to index
        %get3A_799 = arith.constant 0 : index
        %get3A_800 = tpu.vector_load %arg6[%get3A_797, %get3A_798, %get3A_799] {strides = array<i32>} : memref<4x128x32xf32, #tpu.memory_space<vmem>>, vector<16xf32>,
        %mul3A_801 = arith.constant 5.65685415 : f32
        %mul3A_802 = vector.broadcast %mul3A_801 : f32 to vector<16xf32>
        %mul3A_803 = arith.mulf %get3A_800, %mul3A_802 : vector<16xf32>
        %get3A_804 = arith.constant 3 : i32
        %get3A_805 = arith.index_cast %get3A_804 : i32 to index
        %get3A_806 = arith.index_cast %scan3A_791 : i32 to index
        %get3A_807 = arith.constant 16 : index
        %get3A_808 = tpu.vector_load %arg6[%get3A_805, %get3A_806, %get3A_807] {strides = array<i32>} : memref<4x128x32xf32, #tpu.memory_space<vmem>>, vector<16xf32>,
        %mul3A_809 = arith.constant 5.65685415 : f32
        %mul3A_810 = vector.broadcast %mul3A_809 : f32 to vector<16xf32>
        %mul3A_811 = arith.mulf %get3A_808, %mul3A_810 : vector<16xf32>
        %scatter3A_812 = arith.constant 3 : i32
        %scatter3A_813 = arith.constant 0 : i32
        %scatter3A_814 = arith.constant 0 : i32
        %scatter3A_815 = arith.constant 0 : i32
        %scatter3A_816 = tpu.memref_slice %arg7[%scatter3A_812, %scatter3A_813, %scatter3A_814, %scatter3A_815] : memref<4x4x8x129xf32, #tpu.memory_space<vmem>> -> memref<1x4x8x129xf32, #tpu.memory_space<vmem>>
        %scatter3A_817 = tpu.memref_squeeze %scatter3A_816 : memref<1x4x8x129xf32, #tpu.memory_space<vmem>> -> memref<4x8x129xf32, #tpu.memory_space<vmem>>
        tpu.vector_store_idx %scatter3A_817[%select_n3A, %select_n3A_43, %add3A_795], %mul3A_803 : memref<4x8x129xf32, #tpu.memory_space<vmem>>[vector<16xi32>, vector<16xi32>, vector<16xi32>], vector<16xf32>,
        %add3A_818 = arith.constant 2 : i32
        %add3A_819 = vector.broadcast %add3A_818 : i32 to vector<16xi32>
        %add3A_820 = arith.addi %select_n3A, %add3A_819 : vector<16xi32>
        %scatter3A_821 = arith.constant 3 : i32
        %scatter3A_822 = arith.constant 0 : i32
        %scatter3A_823 = arith.constant 0 : i32
        %scatter3A_824 = arith.constant 0 : i32
        %scatter3A_825 = tpu.memref_slice %arg7[%scatter3A_821, %scatter3A_822, %scatter3A_823, %scatter3A_824] : memref<4x4x8x129xf32, #tpu.memory_space<vmem>> -> memref<1x4x8x129xf32, #tpu.memory_space<vmem>>
        %scatter3A_826 = tpu.memref_squeeze %scatter3A_825 : memref<1x4x8x129xf32, #tpu.memory_space<vmem>> -> memref<4x8x129xf32, #tpu.memory_space<vmem>>
        tpu.vector_store_idx %scatter3A_826[%add3A_820, %select_n3A_43, %add3A_795], %mul3A_811 : memref<4x8x129xf32, #tpu.memory_space<vmem>>[vector<16xi32>, vector<16xi32>, vector<16xi32>], vector<16xf32>,
        %scan3A_827 = arith.constant 6 : i32
        %scan3A_828 = arith.addi %scan3A_609, %scan3A_827 : i32
        %broadcast_in_dim3A_829 = arith.constant 0 : i32
        %broadcast_in_dim3A_830 = vector.broadcast %broadcast_in_dim3A_829 : i32 to vector<16xi32>
        %add3A_831 = vector.broadcast %scan3A_828 : i32 to vector<16xi32>
        %add3A_832 = arith.addi %broadcast_in_dim3A_830, %add3A_831 : vector<16xi32>
        %get3A_833 = arith.constant 3 : i32
        %get3A_834 = arith.index_cast %get3A_833 : i32 to index
        %get3A_835 = arith.index_cast %scan3A_828 : i32 to index
        %get3A_836 = arith.constant 0 : index
        %get3A_837 = tpu.vector_load %arg6[%get3A_834, %get3A_835, %get3A_836] {strides = array<i32>} : memref<4x128x32xf32, #tpu.memory_space<vmem>>, vector<16xf32>,
        %mul3A_838 = arith.constant 5.65685415 : f32
        %mul3A_839 = vector.broadcast %mul3A_838 : f32 to vector<16xf32>
        %mul3A_840 = arith.mulf %get3A_837, %mul3A_839 : vector<16xf32>
        %get3A_841 = arith.constant 3 : i32
        %get3A_842 = arith.index_cast %get3A_841 : i32 to index
        %get3A_843 = arith.index_cast %scan3A_828 : i32 to index
        %get3A_844 = arith.constant 16 : index
        %get3A_845 = tpu.vector_load %arg6[%get3A_842, %get3A_843, %get3A_844] {strides = array<i32>} : memref<4x128x32xf32, #tpu.memory_space<vmem>>, vector<16xf32>,
        %mul3A_846 = arith.constant 5.65685415 : f32
        %mul3A_847 = vector.broadcast %mul3A_846 : f32 to vector<16xf32>
        %mul3A_848 = arith.mulf %get3A_845, %mul3A_847 : vector<16xf32>
        %scatter3A_849 = arith.constant 3 : i32
        %scatter3A_850 = arith.constant 0 : i32
        %scatter3A_851 = arith.constant 0 : i32
        %scatter3A_852 = arith.constant 0 : i32
        %scatter3A_853 = tpu.memref_slice %arg7[%scatter3A_849, %scatter3A_850, %scatter3A_851, %scatter3A_852] : memref<4x4x8x129xf32, #tpu.memory_space<vmem>> -> memref<1x4x8x129xf32, #tpu.memory_space<vmem>>
        %scatter3A_854 = tpu.memref_squeeze %scatter3A_853 : memref<1x4x8x129xf32, #tpu.memory_space<vmem>> -> memref<4x8x129xf32, #tpu.memory_space<vmem>>
        tpu.vector_store_idx %scatter3A_854[%select_n3A, %select_n3A_43, %add3A_832], %mul3A_840 : memref<4x8x129xf32, #tpu.memory_space<vmem>>[vector<16xi32>, vector<16xi32>, vector<16xi32>], vector<16xf32>,
        %add3A_855 = arith.constant 2 : i32
        %add3A_856 = vector.broadcast %add3A_855 : i32 to vector<16xi32>
        %add3A_857 = arith.addi %select_n3A, %add3A_856 : vector<16xi32>
        %scatter3A_858 = arith.constant 3 : i32
        %scatter3A_859 = arith.constant 0 : i32
        %scatter3A_860 = arith.constant 0 : i32
        %scatter3A_861 = arith.constant 0 : i32
        %scatter3A_862 = tpu.memref_slice %arg7[%scatter3A_858, %scatter3A_859, %scatter3A_860, %scatter3A_861] : memref<4x4x8x129xf32, #tpu.memory_space<vmem>> -> memref<1x4x8x129xf32, #tpu.memory_space<vmem>>
        %scatter3A_863 = tpu.memref_squeeze %scatter3A_862 : memref<1x4x8x129xf32, #tpu.memory_space<vmem>> -> memref<4x8x129xf32, #tpu.memory_space<vmem>>
        tpu.vector_store_idx %scatter3A_863[%add3A_857, %select_n3A_43, %add3A_832], %mul3A_848 : memref<4x8x129xf32, #tpu.memory_space<vmem>>[vector<16xi32>, vector<16xi32>, vector<16xi32>], vector<16xf32>,
        %scan3A_864 = arith.constant 7 : i32
        %scan3A_865 = arith.addi %scan3A_609, %scan3A_864 : i32
        %broadcast_in_dim3A_866 = arith.constant 0 : i32
        %broadcast_in_dim3A_867 = vector.broadcast %broadcast_in_dim3A_866 : i32 to vector<16xi32>
        %add3A_868 = vector.broadcast %scan3A_865 : i32 to vector<16xi32>
        %add3A_869 = arith.addi %broadcast_in_dim3A_867, %add3A_868 : vector<16xi32>
        %get3A_870 = arith.constant 3 : i32
        %get3A_871 = arith.index_cast %get3A_870 : i32 to index
        %get3A_872 = arith.index_cast %scan3A_865 : i32 to index
        %get3A_873 = arith.constant 0 : index
        %get3A_874 = tpu.vector_load %arg6[%get3A_871, %get3A_872, %get3A_873] {strides = array<i32>} : memref<4x128x32xf32, #tpu.memory_space<vmem>>, vector<16xf32>,
        %mul3A_875 = arith.constant 5.65685415 : f32
        %mul3A_876 = vector.broadcast %mul3A_875 : f32 to vector<16xf32>
        %mul3A_877 = arith.mulf %get3A_874, %mul3A_876 : vector<16xf32>
        %get3A_878 = arith.constant 3 : i32
        %get3A_879 = arith.index_cast %get3A_878 : i32 to index
        %get3A_880 = arith.index_cast %scan3A_865 : i32 to index
        %get3A_881 = arith.constant 16 : index
        %get3A_882 = tpu.vector_load %arg6[%get3A_879, %get3A_880, %get3A_881] {strides = array<i32>} : memref<4x128x32xf32, #tpu.memory_space<vmem>>, vector<16xf32>,
        %mul3A_883 = arith.constant 5.65685415 : f32
        %mul3A_884 = vector.broadcast %mul3A_883 : f32 to vector<16xf32>
        %mul3A_885 = arith.mulf %get3A_882, %mul3A_884 : vector<16xf32>
        %scatter3A_886 = arith.constant 3 : i32
        %scatter3A_887 = arith.constant 0 : i32
        %scatter3A_888 = arith.constant 0 : i32
        %scatter3A_889 = arith.constant 0 : i32
        %scatter3A_890 = tpu.memref_slice %arg7[%scatter3A_886, %scatter3A_887, %scatter3A_888, %scatter3A_889] : memref<4x4x8x129xf32, #tpu.memory_space<vmem>> -> memref<1x4x8x129xf32, #tpu.memory_space<vmem>>
        %scatter3A_891 = tpu.memref_squeeze %scatter3A_890 : memref<1x4x8x129xf32, #tpu.memory_space<vmem>> -> memref<4x8x129xf32, #tpu.memory_space<vmem>>
        tpu.vector_store_idx %scatter3A_891[%select_n3A, %select_n3A_43, %add3A_869], %mul3A_877 : memref<4x8x129xf32, #tpu.memory_space<vmem>>[vector<16xi32>, vector<16xi32>, vector<16xi32>], vector<16xf32>,
        %add3A_892 = arith.constant 2 : i32
        %add3A_893 = vector.broadcast %add3A_892 : i32 to vector<16xi32>
        %add3A_894 = arith.addi %select_n3A, %add3A_893 : vector<16xi32>
        %scatter3A_895 = arith.constant 3 : i32
        %scatter3A_896 = arith.constant 0 : i32
        %scatter3A_897 = arith.constant 0 : i32
        %scatter3A_898 = arith.constant 0 : i32
        %scatter3A_899 = tpu.memref_slice %arg7[%scatter3A_895, %scatter3A_896, %scatter3A_897, %scatter3A_898] : memref<4x4x8x129xf32, #tpu.memory_space<vmem>> -> memref<1x4x8x129xf32, #tpu.memory_space<vmem>>
        %scatter3A_900 = tpu.memref_squeeze %scatter3A_899 : memref<1x4x8x129xf32, #tpu.memory_space<vmem>> -> memref<4x8x129xf32, #tpu.memory_space<vmem>>
        tpu.vector_store_idx %scatter3A_900[%add3A_894, %select_n3A_43, %add3A_869], %mul3A_885 : memref<4x8x129xf32, #tpu.memory_space<vmem>>[vector<16xi32>, vector<16xi32>, vector<16xi32>], vector<16xf32>,
      }
      %scan3A_577 = arith.constant 128 : i32
      %dma_start3A_578 = arith.constant 3 : i32
      %dma_start3A_579 = arith.constant 3 : i32
      %dma_start3A_580 = arith.constant 0 : i32
      %dma_start3A_581 = arith.constant 0 : i32
      %dma_start3A_582 = arith.constant 0 : i32
      %dma_start3A_583 = tpu.memref_slice %arg7[%dma_start3A_578, %dma_start3A_580, %dma_start3A_581, %dma_start3A_582] : memref<4x4x8x129xf32, #tpu.memory_space<vmem>> -> memref<1x4x8x128xf32, #tpu.memory_space<vmem>>
      %dma_start3A_584 = tpu.memref_squeeze %dma_start3A_583 : memref<1x4x8x128xf32, #tpu.memory_space<vmem>> -> memref<4x8x128xf32, #tpu.memory_space<vmem>>
      %dma_start3A_585 = arith.constant 0 : i32
      %dma_start3A_586 = arith.constant 0 : i32
      %dma_start3A_587 = arith.constant 0 : i32
      %dma_start3A_588 = tpu.memref_slice %arg4[%add3A_512, %dma_start3A_585, %add3A, %dma_start3A_586, %dma_start3A_587] : memref<200x4x32x8x128xf32, #tpu.memory_space<hbm>> -> memref<1x4x1x8x128xf32, #tpu.memory_space<hbm>>
      %dma_start3A_589 = tpu.memref_squeeze %dma_start3A_588 : memref<1x4x1x8x128xf32, #tpu.memory_space<hbm>> -> memref<4x8x128xf32, #tpu.memory_space<hbm>>
      %dma_start3A_590 = tpu.memref_slice %arg9[%dma_start3A_579] : memref<4x!tpu.dma_semaphore, #tpu.memory_space<semaphore_mem>> -> memref<1x!tpu.dma_semaphore, #tpu.memory_space<semaphore_mem>>
      %dma_start3A_591 = tpu.memref_squeeze %dma_start3A_590 : memref<1x!tpu.dma_semaphore, #tpu.memory_space<semaphore_mem>> -> memref<!tpu.dma_semaphore, #tpu.memory_space<semaphore_mem>>
      %dma_start3A_592 = arith.constant 0 : i32
      %dma_start3A_593 = arith.constant 0 : i32
      %dma_start3A_594 = arith.constant 0 : i32
      %dma_start3A_595 = tpu.memref_slice %arg4[%add3A_512, %dma_start3A_592, %add3A, %dma_start3A_593, %dma_start3A_594] : memref<200x4x32x8x128xf32, #tpu.memory_space<hbm>> -> memref<1x4x1x8x128xf32, #tpu.memory_space<hbm>>
      %dma_start3A_596 = tpu.memref_squeeze %dma_start3A_595 : memref<1x4x1x8x128xf32, #tpu.memory_space<hbm>> -> memref<4x8x128xf32, #tpu.memory_space<hbm>>
      %dma_start3A_597 = arith.constant 0 : i32
      %dma_start3A_598 = arith.constant 0 : i32
      %dma_start3A_599 = arith.constant 0 : i32
      %dma_start3A_600 = tpu.memref_slice %arg7[%dma_start3A_578, %dma_start3A_597, %dma_start3A_598, %dma_start3A_599] : memref<4x4x8x129xf32, #tpu.memory_space<vmem>> -> memref<1x4x8x128xf32, #tpu.memory_space<vmem>>
      %dma_start3A_601 = tpu.memref_squeeze %dma_start3A_600 : memref<1x4x8x128xf32, #tpu.memory_space<vmem>> -> memref<4x8x128xf32, #tpu.memory_space<vmem>>
      tpu.enqueue_dma source(%dma_start3A_601 : memref<4x8x128xf32, #tpu.memory_space<vmem>>) target(%dma_start3A_596 : memref<4x8x128xf32, #tpu.memory_space<hbm>>) target_semaphore(%dma_start3A_591 : memref<!tpu.dma_semaphore, #tpu.memory_space<semaphore_mem>>)
      %add3A_602 = arith.constant 4 : i32
      %add3A_603 = arith.addi %add3A_512, %add3A_602 : i32
      %lt3A_604 = arith.constant 200 : i32
      %lt3A_605 = arith.cmpi slt, %add3A_603, %lt3A_604 : i32
      %convert_element_type3A_606 = arith.extui %lt3A_605 : i1 to i32
      %cond3A_607 = arith.constant 0 : i32
      %cond3A_608 = arith.cmpi ne, %convert_element_type3A_606, %cond3A_607 : i32
      scf.if %cond3A_608 {
        %add3A_609 = arith.constant 4 : i32
        %add3A_610 = arith.addi %add3A_512, %add3A_609 : i32
        %jit3A_611 = arith.constant 8 : i32
        %div3A_612 = arith.divsi %add3A_610, %jit3A_611 : i32
        %sign3A_613 = arith.constant 0 : i32
        %sign3A_614 = arith.cmpi sgt, %add3A_610, %sign3A_613 : i32
        %sign3A_615 = arith.extui %sign3A_614 : i1 to i32
        %sign3A_616 = arith.constant 0 : i32
        %sign3A_617 = arith.cmpi slt, %add3A_610, %sign3A_616 : i32
        %sign3A_618 = arith.extui %sign3A_617 : i1 to i32
        %sign3A_619 = arith.subi %sign3A_615, %sign3A_618 : i32
        %sign3A_620 = arith.constant 0 : i32
        %sign3A_621 = arith.cmpi sgt, %jit3A_611, %sign3A_620 : i32
        %sign3A_622 = arith.extui %sign3A_621 : i1 to i32
        %sign3A_623 = arith.constant 0 : i32
        %sign3A_624 = arith.cmpi slt, %jit3A_611, %sign3A_623 : i32
        %sign3A_625 = arith.extui %sign3A_624 : i1 to i32
        %sign3A_626 = arith.subi %sign3A_622, %sign3A_625 : i32
        %ne3A_627 = arith.cmpi ne, %sign3A_619, %sign3A_626 : i32
        %rem3A_628 = arith.remsi %add3A_610, %jit3A_611 : i32
        %ne3A_629 = arith.constant 0 : i32
        %ne3A_630 = arith.cmpi ne, %rem3A_628, %ne3A_629 : i32
        %and3A_631 = arith.andi %ne3A_627, %ne3A_630 : i1
        %sub3A_632 = arith.constant 1 : i32
        %sub3A_633 = arith.subi %div3A_612, %sub3A_632 : i32
        %select_n3A_634 = arith.select %and3A_631, %sub3A_633, %div3A_612 : i32
        %jit3A_635 = arith.constant 8 : i32
        %eq3A_636 = arith.constant 0 : i32
        %eq3A_637 = arith.cmpi eq, %jit3A_635, %eq3A_636 : i32
        %jit3A_638 = arith.constant 1 : i32
        %select_n3A_639 = arith.select %eq3A_637, %jit3A_638, %jit3A_635 : i32
        %rem3A_640 = arith.remsi %add3A_610, %select_n3A_639 : i32
        %ne3A_641 = arith.constant 0 : i32
        %ne3A_642 = arith.cmpi ne, %rem3A_640, %ne3A_641 : i32
        %lt3A_643 = arith.constant 0 : i32
        %lt3A_644 = arith.cmpi slt, %rem3A_640, %lt3A_643 : i32
        %lt3A_645 = arith.constant 0 : i32
        %lt3A_646 = arith.cmpi slt, %select_n3A_639, %lt3A_645 : i32
        %ne3A_647 = arith.xori %lt3A_644, %lt3A_646 : i1
        %and3A_648 = arith.andi %ne3A_647, %ne3A_642 : i1
        %add3A_649 = arith.addi %rem3A_640, %select_n3A_639 : i32
        %select_n3A_650 = arith.select %and3A_648, %add3A_649, %rem3A_640 : i32
        %dma_start3A_651 = arith.constant 3 : i32
        %dma_start3A_652 = arith.constant 3 : i32
        %dma_start3A_653 = arith.constant 0 : i32
        %dma_start3A_654 = arith.constant 0 : i32
        %dma_start3A_655 = tpu.memref_slice %arg6[%dma_start3A_651, %dma_start3A_653, %dma_start3A_654] : memref<4x128x32xf32, #tpu.memory_space<vmem>> -> memref<1x128x32xf32, #tpu.memory_space<vmem>>
        %dma_start3A_656 = tpu.memref_squeeze %dma_start3A_655 : memref<1x128x32xf32, #tpu.memory_space<vmem>> -> memref<128x32xf32, #tpu.memory_space<vmem>>
        %dma_start3A_657 = arith.constant 0 : i32
        %dma_start3A_658 = tpu.memref_slice %arg5[%select_n3A_634, %select_n3A_650, %dma_start3A_657] : memref<25x8x128xi32, #tpu.memory_space<vmem>> -> memref<1x1x128xi32, #tpu.memory_space<vmem>>
        %dma_start3A_659 = tpu.memref_squeeze %dma_start3A_658 : memref<1x1x128xi32, #tpu.memory_space<vmem>> -> memref<128xi32, #tpu.memory_space<vmem>>
        %dma_start3A_660 = arith.constant 0 : i32
        %dma_start3A_661 = arith.constant 0 : i32
        %dma_start3A_662 = tpu.memref_slice %arg3[%dma_start3A_660, %dma_start3A_661] : memref<1000000x32xf32, #tpu.memory_space<hbm>> -> memref<1000000x32xf32, #tpu.memory_space<hbm>>
        %dma_start3A_663 = tpu.memref_slice %arg8[%dma_start3A_652] : memref<4x!tpu.dma_semaphore, #tpu.memory_space<semaphore_mem>> -> memref<1x!tpu.dma_semaphore, #tpu.memory_space<semaphore_mem>>
        %dma_start3A_664 = tpu.memref_squeeze %dma_start3A_663 : memref<1x!tpu.dma_semaphore, #tpu.memory_space<semaphore_mem>> -> memref<!tpu.dma_semaphore, #tpu.memory_space<semaphore_mem>>
        tpu.enqueue_indirect_dma source(%dma_start3A_662 : memref<1000000x32xf32, #tpu.memory_space<hbm>>) target(%dma_start3A_656 : memref<128x32xf32, #tpu.memory_space<vmem>>) offsets(%dma_start3A_659 : memref<128xi32, #tpu.memory_space<vmem>>) semaphore(%dma_start3A_664 : memref<!tpu.dma_semaphore, #tpu.memory_space<semaphore_mem>>)
      } else {
      }
    }
    %scan3A_111 = arith.constant 50 : i32
    %dma_wait3A = arith.constant 0 : i32
    %dma_wait3A_112 = arith.constant 196 : i32
    %dma_wait3A_113 = arith.constant 0 : i32
    %dma_wait3A_114 = arith.constant 0 : i32
    %dma_wait3A_115 = arith.constant 0 : i32
    %dma_wait3A_116 = arith.constant 0 : i32
    %dma_wait3A_117 = tpu.memref_slice %arg7[%dma_wait3A, %dma_wait3A_114, %dma_wait3A_115, %dma_wait3A_116] : memref<4x4x8x129xf32, #tpu.memory_space<vmem>> -> memref<1x4x8x128xf32, #tpu.memory_space<vmem>>
    %dma_wait3A_118 = tpu.memref_squeeze %dma_wait3A_117 : memref<1x4x8x128xf32, #tpu.memory_space<vmem>> -> memref<4x8x128xf32, #tpu.memory_space<vmem>>
    %dma_wait3A_119 = arith.constant 0 : i32
    %dma_wait3A_120 = arith.constant 0 : i32
    %dma_wait3A_121 = arith.constant 0 : i32
    %dma_wait3A_122 = tpu.memref_slice %arg4[%dma_wait3A_112, %dma_wait3A_119, %add3A, %dma_wait3A_120, %dma_wait3A_121] : memref<200x4x32x8x128xf32, #tpu.memory_space<hbm>> -> memref<1x4x1x8x128xf32, #tpu.memory_space<hbm>>
    %dma_wait3A_123 = tpu.memref_squeeze %dma_wait3A_122 : memref<1x4x1x8x128xf32, #tpu.memory_space<hbm>> -> memref<4x8x128xf32, #tpu.memory_space<hbm>>
    %dma_wait3A_124 = tpu.memref_slice %arg9[%dma_wait3A_113] : memref<4x!tpu.dma_semaphore, #tpu.memory_space<semaphore_mem>> -> memref<1x!tpu.dma_semaphore, #tpu.memory_space<semaphore_mem>>
    %dma_wait3A_125 = tpu.memref_squeeze %dma_wait3A_124 : memref<1x!tpu.dma_semaphore, #tpu.memory_space<semaphore_mem>> -> memref<!tpu.dma_semaphore, #tpu.memory_space<semaphore_mem>>
    %dma_wait3A_126 = arith.constant 0 : i32
    %dma_wait3A_127 = arith.constant 0 : i32
    %dma_wait3A_128 = arith.constant 0 : i32
    %dma_wait3A_129 = tpu.memref_slice %arg4[%dma_wait3A_112, %dma_wait3A_126, %add3A, %dma_wait3A_127, %dma_wait3A_128] : memref<200x4x32x8x128xf32, #tpu.memory_space<hbm>> -> memref<1x4x1x8x128xf32, #tpu.memory_space<hbm>>
    %dma_wait3A_130 = tpu.memref_squeeze %dma_wait3A_129 : memref<1x4x1x8x128xf32, #tpu.memory_space<hbm>> -> memref<4x8x128xf32, #tpu.memory_space<hbm>>
    %dma_wait3A_131 = arith.constant 0 : i32
    %dma_wait3A_132 = arith.constant 0 : i32
    %dma_wait3A_133 = arith.constant 0 : i32
    %dma_wait3A_134 = tpu.memref_slice %arg7[%dma_wait3A, %dma_wait3A_131, %dma_wait3A_132, %dma_wait3A_133] : memref<4x4x8x129xf32, #tpu.memory_space<vmem>> -> memref<1x4x8x128xf32, #tpu.memory_space<vmem>>
    %dma_wait3A_135 = tpu.memref_squeeze %dma_wait3A_134 : memref<1x4x8x128xf32, #tpu.memory_space<vmem>> -> memref<4x8x128xf32, #tpu.memory_space<vmem>>
    tpu.wait_dma2 semaphore(%dma_wait3A_125 : memref<!tpu.dma_semaphore, #tpu.memory_space<semaphore_mem>>) src(%dma_wait3A_135 : memref<4x8x128xf32, #tpu.memory_space<vmem>>) dst(%dma_wait3A_130 : memref<4x8x128xf32, #tpu.memory_space<hbm>>)
    %dma_wait3A_136 = arith.constant 1 : i32
    %dma_wait3A_137 = arith.constant 197 : i32
    %dma_wait3A_138 = arith.constant 1 : i32
    %dma_wait3A_139 = arith.constant 0 : i32
    %dma_wait3A_140 = arith.constant 0 : i32
    %dma_wait3A_141 = arith.constant 0 : i32
    %dma_wait3A_142 = tpu.memref_slice %arg7[%dma_wait3A_136, %dma_wait3A_139, %dma_wait3A_140, %dma_wait3A_141] : memref<4x4x8x129xf32, #tpu.memory_space<vmem>> -> memref<1x4x8x128xf32, #tpu.memory_space<vmem>>
    %dma_wait3A_143 = tpu.memref_squeeze %dma_wait3A_142 : memref<1x4x8x128xf32, #tpu.memory_space<vmem>> -> memref<4x8x128xf32, #tpu.memory_space<vmem>>
    %dma_wait3A_144 = arith.constant 0 : i32
    %dma_wait3A_145 = arith.constant 0 : i32
    %dma_wait3A_146 = arith.constant 0 : i32
    %dma_wait3A_147 = tpu.memref_slice %arg4[%dma_wait3A_137, %dma_wait3A_144, %add3A, %dma_wait3A_145, %dma_wait3A_146] : memref<200x4x32x8x128xf32, #tpu.memory_space<hbm>> -> memref<1x4x1x8x128xf32, #tpu.memory_space<hbm>>
    %dma_wait3A_148 = tpu.memref_squeeze %dma_wait3A_147 : memref<1x4x1x8x128xf32, #tpu.memory_space<hbm>> -> memref<4x8x128xf32, #tpu.memory_space<hbm>>
    %dma_wait3A_149 = tpu.memref_slice %arg9[%dma_wait3A_138] : memref<4x!tpu.dma_semaphore, #tpu.memory_space<semaphore_mem>> -> memref<1x!tpu.dma_semaphore, #tpu.memory_space<semaphore_mem>>
    %dma_wait3A_150 = tpu.memref_squeeze %dma_wait3A_149 : memref<1x!tpu.dma_semaphore, #tpu.memory_space<semaphore_mem>> -> memref<!tpu.dma_semaphore, #tpu.memory_space<semaphore_mem>>
    %dma_wait3A_151 = arith.constant 0 : i32
    %dma_wait3A_152 = arith.constant 0 : i32
    %dma_wait3A_153 = arith.constant 0 : i32
    %dma_wait3A_154 = tpu.memref_slice %arg4[%dma_wait3A_137, %dma_wait3A_151, %add3A, %dma_wait3A_152, %dma_wait3A_153] : memref<200x4x32x8x128xf32, #tpu.memory_space<hbm>> -> memref<1x4x1x8x128xf32, #tpu.memory_space<hbm>>
    %dma_wait3A_155 = tpu.memref_squeeze %dma_wait3A_154 : memref<1x4x1x8x128xf32, #tpu.memory_space<hbm>> -> memref<4x8x128xf32, #tpu.memory_space<hbm>>
    %dma_wait3A_156 = arith.constant 0 : i32
    %dma_wait3A_157 = arith.constant 0 : i32
    %dma_wait3A_158 = arith.constant 0 : i32
    %dma_wait3A_159 = tpu.memref_slice %arg7[%dma_wait3A_136, %dma_wait3A_156, %dma_wait3A_157, %dma_wait3A_158] : memref<4x4x8x129xf32, #tpu.memory_space<vmem>> -> memref<1x4x8x128xf32, #tpu.memory_space<vmem>>
    %dma_wait3A_160 = tpu.memref_squeeze %dma_wait3A_159 : memref<1x4x8x128xf32, #tpu.memory_space<vmem>> -> memref<4x8x128xf32, #tpu.memory_space<vmem>>
    tpu.wait_dma2 semaphore(%dma_wait3A_150 : memref<!tpu.dma_semaphore, #tpu.memory_space<semaphore_mem>>) src(%dma_wait3A_160 : memref<4x8x128xf32, #tpu.memory_space<vmem>>) dst(%dma_wait3A_155 : memref<4x8x128xf32, #tpu.memory_space<hbm>>)
    %dma_wait3A_161 = arith.constant 2 : i32
    %dma_wait3A_162 = arith.constant 198 : i32
    %dma_wait3A_163 = arith.constant 2 : i32
    %dma_wait3A_164 = arith.constant 0 : i32
    %dma_wait3A_165 = arith.constant 0 : i32
    %dma_wait3A_166 = arith.constant 0 : i32
    %dma_wait3A_167 = tpu.memref_slice %arg7[%dma_wait3A_161, %dma_wait3A_164, %dma_wait3A_165, %dma_wait3A_166] : memref<4x4x8x129xf32, #tpu.memory_space<vmem>> -> memref<1x4x8x128xf32, #tpu.memory_space<vmem>>
    %dma_wait3A_168 = tpu.memref_squeeze %dma_wait3A_167 : memref<1x4x8x128xf32, #tpu.memory_space<vmem>> -> memref<4x8x128xf32, #tpu.memory_space<vmem>>
    %dma_wait3A_169 = arith.constant 0 : i32
    %dma_wait3A_170 = arith.constant 0 : i32
    %dma_wait3A_171 = arith.constant 0 : i32
    %dma_wait3A_172 = tpu.memref_slice %arg4[%dma_wait3A_162, %dma_wait3A_169, %add3A, %dma_wait3A_170, %dma_wait3A_171] : memref<200x4x32x8x128xf32, #tpu.memory_space<hbm>> -> memref<1x4x1x8x128xf32, #tpu.memory_space<hbm>>
    %dma_wait3A_173 = tpu.memref_squeeze %dma_wait3A_172 : memref<1x4x1x8x128xf32, #tpu.memory_space<hbm>> -> memref<4x8x128xf32, #tpu.memory_space<hbm>>
    %dma_wait3A_174 = tpu.memref_slice %arg9[%dma_wait3A_163] : memref<4x!tpu.dma_semaphore, #tpu.memory_space<semaphore_mem>> -> memref<1x!tpu.dma_semaphore, #tpu.memory_space<semaphore_mem>>
    %dma_wait3A_175 = tpu.memref_squeeze %dma_wait3A_174 : memref<1x!tpu.dma_semaphore, #tpu.memory_space<semaphore_mem>> -> memref<!tpu.dma_semaphore, #tpu.memory_space<semaphore_mem>>
    %dma_wait3A_176 = arith.constant 0 : i32
    %dma_wait3A_177 = arith.constant 0 : i32
    %dma_wait3A_178 = arith.constant 0 : i32
    %dma_wait3A_179 = tpu.memref_slice %arg4[%dma_wait3A_162, %dma_wait3A_176, %add3A, %dma_wait3A_177, %dma_wait3A_178] : memref<200x4x32x8x128xf32, #tpu.memory_space<hbm>> -> memref<1x4x1x8x128xf32, #tpu.memory_space<hbm>>
    %dma_wait3A_180 = tpu.memref_squeeze %dma_wait3A_179 : memref<1x4x1x8x128xf32, #tpu.memory_space<hbm>> -> memref<4x8x128xf32, #tpu.memory_space<hbm>>
    %dma_wait3A_181 = arith.constant 0 : i32
    %dma_wait3A_182 = arith.constant 0 : i32
    %dma_wait3A_183 = arith.constant 0 : i32
    %dma_wait3A_184 = tpu.memref_slice %arg7[%dma_wait3A_161, %dma_wait3A_181, %dma_wait3A_182, %dma_wait3A_183] : memref<4x4x8x129xf32, #tpu.memory_space<vmem>> -> memref<1x4x8x128xf32, #tpu.memory_space<vmem>>
    %dma_wait3A_185 = tpu.memref_squeeze %dma_wait3A_184 : memref<1x4x8x128xf32, #tpu.memory_space<vmem>> -> memref<4x8x128xf32, #tpu.memory_space<vmem>>
    tpu.wait_dma2 semaphore(%dma_wait3A_175 : memref<!tpu.dma_semaphore, #tpu.memory_space<semaphore_mem>>) src(%dma_wait3A_185 : memref<4x8x128xf32, #tpu.memory_space<vmem>>) dst(%dma_wait3A_180 : memref<4x8x128xf32, #tpu.memory_space<hbm>>)
    %dma_wait3A_186 = arith.constant 3 : i32
    %dma_wait3A_187 = arith.constant 199 : i32
    %dma_wait3A_188 = arith.constant 3 : i32
    %dma_wait3A_189 = arith.constant 0 : i32
    %dma_wait3A_190 = arith.constant 0 : i32
    %dma_wait3A_191 = arith.constant 0 : i32
    %dma_wait3A_192 = tpu.memref_slice %arg7[%dma_wait3A_186, %dma_wait3A_189, %dma_wait3A_190, %dma_wait3A_191] : memref<4x4x8x129xf32, #tpu.memory_space<vmem>> -> memref<1x4x8x128xf32, #tpu.memory_space<vmem>>
    %dma_wait3A_193 = tpu.memref_squeeze %dma_wait3A_192 : memref<1x4x8x128xf32, #tpu.memory_space<vmem>> -> memref<4x8x128xf32, #tpu.memory_space<vmem>>
    %dma_wait3A_194 = arith.constant 0 : i32
    %dma_wait3A_195 = arith.constant 0 : i32
    %dma_wait3A_196 = arith.constant 0 : i32
    %dma_wait3A_197 = tpu.memref_slice %arg4[%dma_wait3A_187, %dma_wait3A_194, %add3A, %dma_wait3A_195, %dma_wait3A_196] : memref<200x4x32x8x128xf32, #tpu.memory_space<hbm>> -> memref<1x4x1x8x128xf32, #tpu.memory_space<hbm>>
    %dma_wait3A_198 = tpu.memref_squeeze %dma_wait3A_197 : memref<1x4x1x8x128xf32, #tpu.memory_space<hbm>> -> memref<4x8x128xf32, #tpu.memory_space<hbm>>
    %dma_wait3A_199 = tpu.memref_slice %arg9[%dma_wait3A_188] : memref<4x!tpu.dma_semaphore, #tpu.memory_space<semaphore_mem>> -> memref<1x!tpu.dma_semaphore, #tpu.memory_space<semaphore_mem>>
    %dma_wait3A_200 = tpu.memref_squeeze %dma_wait3A_199 : memref<1x!tpu.dma_semaphore, #tpu.memory_space<semaphore_mem>> -> memref<!tpu.dma_semaphore, #tpu.memory_space<semaphore_mem>>
    %dma_wait3A_201 = arith.constant 0 : i32
    %dma_wait3A_202 = arith.constant 0 : i32
    %dma_wait3A_203 = arith.constant 0 : i32
    %dma_wait3A_204 = tpu.memref_slice %arg4[%dma_wait3A_187, %dma_wait3A_201, %add3A, %dma_wait3A_202, %dma_wait3A_203] : memref<200x4x32x8x128xf32, #tpu.memory_space<hbm>> -> memref<1x4x1x8x128xf32, #tpu.memory_space<hbm>>
    %dma_wait3A_205 = tpu.memref_squeeze %dma_wait3A_204 : memref<1x4x1x8x128xf32, #tpu.memory_space<hbm>> -> memref<4x8x128xf32, #tpu.memory_space<hbm>>
    %dma_wait3A_206 = arith.constant 0 : i32
    %dma_wait3A_207 = arith.constant 0 : i32
    %dma_wait3A_208 = arith.constant 0 : i32
    %dma_wait3A_209 = tpu.memref_slice %arg7[%dma_wait3A_186, %dma_wait3A_206, %dma_wait3A_207, %dma_wait3A_208] : memref<4x4x8x129xf32, #tpu.memory_space<vmem>> -> memref<1x4x8x128xf32, #tpu.memory_space<vmem>>
    %dma_wait3A_210 = tpu.memref_squeeze %dma_wait3A_209 : memref<1x4x8x128xf32, #tpu.memory_space<vmem>> -> memref<4x8x128xf32, #tpu.memory_space<vmem>>
    tpu.wait_dma2 semaphore(%dma_wait3A_200 : memref<!tpu.dma_semaphore, #tpu.memory_space<semaphore_mem>>) src(%dma_wait3A_210 : memref<4x8x128xf32, #tpu.memory_space<vmem>>) dst(%dma_wait3A_205 : memref<4x8x128xf32, #tpu.memory_space<hbm>>)
    return
  }
}

</mosaic_0001>

<sc_bundles>
// kernel: kernel.3.cloned.1.call-start
scs
__scs_entry_jumppad:
0x0: {  	(pc) =	sbr.rel $0x88, $3  }
0x1: {  	(tag) =	ssettag $0x0;
	lr =	simm.s32 $0x1  }
0x2: {  	[smem:$0x3F9F] =	sst lr;
	_ =	strace $0xD0000000  }
0x3: {  	_ = 	snop  }
0x4: {  	_ = 	snop  }
0x5: {  	_ = 	snop  }
0x6: {  	_ = 	snop  }
0x7: {  	_ = 	snop  }
__scs_overlays_trampoline_lowered:
0x8: {  	[smem:$0x3FAE] =	sst s0  }
0x9: {  	[smem:$0x3FAF] =	sst s1  }
0xa: {  	[smem:$0x3FB0] =	sst s2  }
0xb: {  	[smem:$0x3FB1] =	sst s3  }
0xc: {  	[smem:$0x3FB2] =	sst s4  }
0xd: {  	[smem:$0x3FB3] =	sst s5  }
0xe: {  	[smem:$0x3FB4] =	sst s6  }
0xf: {  	[smem:$0x3FB5] =	sst s7  }
0x10: {  	[smem:$0x3FB6] =	sst s8  }
0x11: {  	[smem:$0x3FB7] =	sst s9;
	s0 =	simm.s32 @!p0 $0x0  }
0x12: {  	s1 =	sld [smem:$0x3F9D];
	s0 =	simm.s32 @p0 $0x1  }
0x13: {  	[smem:$0x3FB8] =	sst s0;
	s0 =	simm.s32 @!p1 $0x0  }
0x14: {  	s2 =	sld [smem:$0x3F9C];
	s0 =	simm.s32 @p1 $0x1  }
0x15: {  	[smem:$0x3FB9] =	sst s0;
	s0 =	simm.s32 @!p2 $0x0  }
0x16: {  	s3 =	sld [smem:$0x3FDB];
	s0 =	simm.s32 @p2 $0x1  }
0x17: {  	s4 =	simm.s32 $0x1BF5;
	[smem:$0x3FBB] =	sst s0  }
0x18: {  	s0 =	sld [smem:$0x3F9E];
	_ =	swait.ge [sflag:s4], $0x0  }
0x19: {  	s7 =	sld [smem:$0x3F9F]  }
0x1a: {  	s8 =	sadd.s32 $0xFFFFE003, lr  }
0x1b: {  	s9 =	sadd.s32 $0xFFFFFEF7, lr;
	s5 =	simm.s32 $0xFFFFFFFF;
	p2 =	slt.u32 s8, $0xFFFFF086  }
0x1c: {  	p1 =	slt.u32 s9, $0xF7A;
	s5 =	simm.s32 @!p2 $0x0  }
0x1d: {  	s5 =	simm.s32 @p1 $0x1;
	p0 =	seq.s32 s7, s2  }
0x1e: {  	s7 =	smul.u32 @!p0 $0xF7A, s2;
	p2 =	seq.s32 @!p0 s5, $0x0  }
0x1f: {  	s9 =	smul.u32 $0xF7A, s1;
	s8 =	simm.s32 @!p0 $0x1BF5;
	p2 =	por !p2, p0  }
0x20: {  	[sflag:s8] =	ssyncset.s32 @!p0 $0xFFFFF086;
	s6 =	sadd.s32 @!p0 s3, s7;
	s7 =	simm.s32 @!p0 $0x108  }
0x21: {  	s3 =	sadd.s32 s3, s9;
	s6 =	sadd.s32 @!p0 $0x88, s6;
	s7 =	simm.s32 @p2 $0x1082  }
0x22: {  	[simem:s7], [sflag:s8] =	dma.local @!p0 [hbm:s6], $0xF7A  }
0x23: {  	s9 =	sor.u32 $0xD0000000, s2;
	s6 =	simm.s32 $0x108;
	_ =	swait.ge @!p0 [sflag:s8], $0x0  }
0x24: {  	s3 =	sadd.s32 $0x88, s3;
	s6 =	simm.s32 @!p1 $0x1082;
	[sflag:s4] =	ssyncset.s32 $0xFFFFF086  }
0x25: {  	[simem:s6], [sflag:s4] =	dma.local [hbm:s3], $0xF7A  }
0x26: {  	[smem:$0x3F9F] =	sst s1;
	(tag) =	ssettag s2;
	_ =	strace s9  }
0x27: {  	s1 =	sld [smem:$0x3FAF]  }
0x28: {  	s2 =	sld [smem:$0x3FB0]  }
0x29: {  	s4 =	sld [smem:$0x3FB2]  }
0x2a: {  	p0 =	seq.s32 s5, $0x0;
	s5 =	sld [smem:$0x3FB3]  }
0x2b: {  	s6 =	sld [smem:$0x3FB4]  }
0x2c: {  	s7 =	sld [smem:$0x3FB5]  }
0x2d: {  	s3 =	simm.s32 $0x108;
	s8 =	sld [smem:$0x3FB6]  }
0x2e: {  	s3 =	simm.s32 @!p0 $0x1082;
	s9 =	sld [smem:$0x3FB7]  }
0x2f: {  	lr =	sadd.s32 s0, s3;
	s0 =	sld [smem:$0x3FAE]  }
0x30: {  	s3 =	sld [smem:$0x3FB1]  }
0x31: {  	[smem:$0x3FBA] =	sst s10  }
0x32: {  	s10 =	sld [smem:$0x3FB8];
	_ =	sdelay $0x3  }
0x33: {  	p0 =	seq.s32 s10, $0x1;
	s10 =	sld [smem:$0x3FBA];
	_ =	sdelay $0x3  }
0x34: {  	[smem:$0x3FBA] =	sst s10  }
0x35: {  	s10 =	sld [smem:$0x3FB9];
	_ =	sdelay $0x3  }
0x36: {  	p1 =	seq.s32 s10, $0x1;
	s10 =	sld [smem:$0x3FBA];
	_ =	sdelay $0x3  }
0x37: {  	[smem:$0x3FBA] =	sst s10  }
0x38: {  	s10 =	sld [smem:$0x3FBB]  }
0x39: {  	_ = 	snop;
	(pc) =	sbr.ind lr, $3  }
0x3a: {  	_ = 	snop  }
0x3b: {  	_ = 	snop  }
0x3c: {  	p2 =	seq.s32 s10, $0x1;
	s10 =	sld [smem:$0x3FBA]  }
0x3d: {  	_ =	shalt  }
0x3e: {  	_ =	shalt  }
0x3f: {  	_ =	shalt  }
0x40: {  	_ =	shalt  }
0x41: {  	_ =	shalt  }
0x42: {  	_ =	shalt  }
0x43: {  	_ =	shalt  }
0x44: {  	_ =	shalt  }
0x45: {  	_ =	shalt  }
0x46: {  	_ =	shalt  }
0x47: {  	_ =	shalt  }
0x48: {  	_ =	shalt  }
0x49: {  	_ =	shalt  }
0x4a: {  	_ =	shalt  }
0x4b: {  	_ =	shalt  }
0x4c: {  	_ =	shalt  }
0x4d: {  	_ =	shalt  }
0x4e: {  	_ =	shalt  }
0x4f: {  	_ =	shalt  }
0x50: {  	_ =	shalt  }
0x51: {  	_ =	shalt  }
0x52: {  	_ =	shalt  }
0x53: {  	_ =	shalt  }
0x54: {  	_ =	shalt  }
0x55: {  	_ =	shalt  }
0x56: {  	_ =	shalt  }
0x57: {  	_ =	shalt  }
0x58: {  	_ =	shalt  }
0x59: {  	_ =	shalt  }
0x5a: {  	_ =	shalt  }
0x5b: {  	_ =	shalt  }
0x5c: {  	_ =	shalt  }
0x5d: {  	_ =	shalt  }
0x5e: {  	_ =	shalt  }
0x5f: {  	_ =	shalt  }
0x60: {  	_ =	shalt  }
0x61: {  	_ =	shalt  }
0x62: {  	_ =	shalt  }
0x63: {  	_ =	shalt  }
0x64: {  	_ =	shalt  }
0x65: {  	_ =	shalt  }
0x66: {  	_ =	shalt  }
0x67: {  	_ =	shalt  }
0x68: {  	_ =	shalt  }
0x69: {  	_ =	shalt  }
0x6a: {  	_ =	shalt  }
0x6b: {  	_ =	shalt  }
0x6c: {  	_ =	shalt  }
0x6d: {  	_ =	shalt  }
0x6e: {  	_ =	shalt  }
0x6f: {  	_ =	shalt  }
0x70: {  	_ =	shalt  }
0x71: {  	_ =	shalt  }
0x72: {  	_ =	shalt  }
0x73: {  	_ =	shalt  }
0x74: {  	_ =	shalt  }
0x75: {  	_ =	shalt  }
0x76: {  	_ =	shalt  }
0x77: {  	_ =	shalt  }
0x78: {  	_ =	shalt  }
0x79: {  	_ =	shalt  }
0x7a: {  	_ =	shalt  }
0x7b: {  	_ =	shalt  }
0x7c: {  	_ =	shalt  }
0x7d: {  	_ =	shalt  }
0x7e: {  	_ =	shalt  }
0x7f: {  	_ =	shalt  }
0x80: {  	_ =	shalt  }
0x81: {  	_ =	shalt  }
0x82: {  	_ =	shalt  }
0x83: {  	_ =	shalt  }
0x84: {  	_ =	shalt  }
0x85: {  	_ =	shalt  }
0x86: {  	_ =	shalt  }
0x87: {  	_ =	shalt  }
.Lfunc_end0:
.L_simem_size_0:
called_computation_lowered:
.L_overlay_start_0:
0x88: {  	s2 =	sld [smem:$0x3FD9]  }
0x89: {  	s3 =	sld [smem:$0x3FFE];
	_ =	sdelay $0x1  }
0x8a: {  	s1 =	srdreg.scid  }
0x8b: {  	s0 =	sand.u32 $0x1, s1  }
0x8c: {  	s17 =	sshll.u32 s0, $0xA;
	s2 =	sadd.s32 s3, s2  }
0x8d: {  	s2 =	sadd.s32 s2, s17  }
0x8e: {  	[smem:$0x3FC6] =	sst s2  }
0x8f: {  	_ = 	snop  }
0x90: {  	s2 =	sld [smem:$0x3FC9]  }
0x91: {  	s18 =	sld [smem:$0x3FD0];
	(tm) =	ssettm $0x1  }
0x92: {  	s4 =	sld [smem:$0x3FFB];
	_ =	sdelay $0x3  }
0x93: {  	_ =	strace s4  }
0x94: {  	s4 =	sld [smem:$0x3FFC];
	_ =	sdelay $0x3  }
0x95: {  	_ =	strace s4  }
0x96: {  	s4 =	sld [smem:$0x3FFD];
	_ =	sdelay $0x3  }
0x97: {  	_ =	strace s4  }
0x98: {  	_ =	strace $0x8FFFFFFF  }
0x99: {  	s19 =	sld [smem:$0x3FDB];
	_ =	sdelay $0x1  }
0x9a: {  	s5 =	simm.s32 $_scs_section_size  }
0x9b: {  	s6 =	simm.s32 $_size__tile_overlayer_lowered;
	s7 =	simm.s32 $_tile_overlayer_lowered  }
0x9c: {  	s22 =	simm.s32 $0x1BFF;
	s21 =	sshll.u32 s7, $0x1;
	s4 =	sadd.s32 s5, s19  }
0x9d: {  	s8 =	simm.s32 $0x0;
	s20 =	sshll.u32 s6, $0x1;
	s6 =	sadd.s32 s21, s4  }
0x9e: {  	[timem:s8], [sflag:s22] =	dma.local [hbm:s6], s20  }
0x9f: {  	_ =	swait.ge [sflag:s22], s20  }
0xa0: {  	s5 =	ssub.s32 $0x0, s20;
	[sflag:s22] =	ssyncset.done $0x0  }
0xa1: {  	[sflag:s22] =	ssyncadd.s32 s5;
	_ =	sdelay $0x1  }
0xa2: {  	s23 =	simm.s32 $0x1B8B  }
0xa3: {  	_ =	swait.ge [sflag:s23], $0x1  }
0xa4: {  	[sflag:s23] =	ssyncset.done $0x0  }
0xa5: {  	s25 =	simm.s32 $0x1B8E;
	s24 =	sld [smem:$0x3FFE];
	[sflag:s23] =	ssyncadd.s32 $0xFFFFFFFF  }
0xa6: {  	s26 =	simm.s32 $execute0_lowered;
	[smem:$0x3FD2] =	sst s25  }
0xa7: {  	s6 =	sshll.u32 s26, $0x1;
	_ =	strace $0x80000046;
	[dreg:$0x1] =	wrdreg $0xFFFFFFFF  }
0xa8: {  	s28 =	simm.s32 $_size_execute0_lowered;
	s4 =	sadd.s32 s4, s6;
	[dreg:$0x0] =	wrdreg $0x0  }
0xa9: {  	s6 =	sshll.u32 s28, $0x1;
	[dreg:$0x2] =	wrdreg s4  }
0xaa: {  	[dreg:$0x3] =	wrdreg s6  }
0xab: {  	[dreg:$0x4] =	wrdreg $0xC0  }
0xac: {  	_ =	task [dreg:s8], $0x5FFFF  }
0xad: {  	[dreg:$0x1] =	wrdreg $0xFFFFFFFF  }
0xae: {  	[dreg:$0x0] =	wrdreg $0x60  }
0xaf: {  	[dreg:$0x2] =	wrdreg s2  }
0xb0: {  	[dreg:$0x3] =	wrdreg s24  }
0xb1: {  	[dreg:$0x4] =	wrdreg s18  }
0xb2: {  	[dreg:$0x5] =	wrdreg $0x9  }
0xb3: {  	_ =	task.clear_ibuf [dreg:s8], $0x6FFFF;
	_ =	strace $0x90000046  }
0xb4: {  	s29 =	simm.s32 $0x9;
	_ =	strace $0x80000048  }
0xb5: {  	_ =	swait.ge [sflag:s29], $0x1  }
0xb6: {  	[sflag:s29] =	ssyncadd.s32 $0xFFFFFFFF  }
0xb7: {  	_ =	strace $0x90000048  }
0xb8: {  	_ =	sfence  }
0xb9: {  	s30 =	sld [smem:$0x0];
	_ =	sdelay $0x2  }
0xba: {  	s31 =	sshll.u32 s1, $0xD;
	s1 =	sshrl.u32 s1, $0x2  }
0xbb: {  	s3 =	sand.u32 $0x4000, s31;
	s1 =	sadd.s32 s1, s30  }
0xbc: {  	s0 =	sor.u32 s3, s0;
	s1 =	sshll.u32 s1, $0x11  }
0xbd: {  	s0 =	sor.u32 s1, s0  }
0xbe: {  	s0 =	sadd.s32 $0x8F2B, s0  }
0xbf: {  	[sflag:s0] =	ssyncadd.remote.s32 $0x1  }
0xc0: {  	_ =	sfence.sel $0xFFFF  }
0xc1: {  	[dreg:$0x0] =	wrdreg $0xFFFFFFFF;
	(pc) =	sbr.abs _section_cstart, $3  }
0xc2: {  	[dreg:$0x1] =	wrdreg $0xFFFFFFFF  }
0xc3: {  	_ =	task.clear_ibuf [dreg:s8], $0x2FFFF;
	_ =	strace $0x9FFFFFFF  }
0xc4: {  	(tm) =	ssettm $0x7FFFFFFF  }
0xc5: {  	_ =	shalt  }
tec
execute0_lowered:
.L_overlay_start_1:
0x0: {  	(tag) =	ssettag $0x1  }
0x1: {  	s0 =	rddreg [dreg:$0x0]  }
0x2: {  	s1 =	rddreg [dreg:$0x1]  }
0x3: {  	s9 =	rddreg [dreg:$0x2]  }
0x4: {  	s2 =	srdreg.scid;
	s3 =	simm.s32 $0x0;
	s4 =	stileid.u32  }
0x5: {  	s14 =	simm.s32 $0x80;
	s21 =	simm.s32 $0x1;
	s22 =	simm.s32 $0xA400  }
0x6: {  	s11 =	simm.s32 $0xB500;
	s23 =	simm.s32 $0x3;
	s24 =	simm.s32 $0xC600  }
0x7: {  	s10 =	simm.s32 $0xD700;
	s15 =	simm.s32 $0xE5E0;
	s16 =	simm.s32 $0xE668  }
0x8: {  	s17 =	simm.s32 $0xE6F0;
	s18 =	simm.s32 $0xE778;
	s19 =	simm.s32 $0x6  }
0x9: {  	v0 =	vlaneseq.u32;
	s13 =	simm.s32 $0x7;
	s12 =	simm.s32 $0x0;
	s2 =	sand.u32 $0x1, s2  }
0xa: {  	v1 =	vimm.s32 $0x0;
	vm0 =	vcmask $0x300;
	[smem:$0x7FF] =	sst s3;
	s4 =	sshll.u32 s4, $0xB;
	s7 =	sadd.s32 $0x4000, s9;
	v0 =	vmul.u32 $0x88, v0  }
0xb: {  	s8 =	sadd.s32 $0x8000, s9;
	s9 =	sadd.s32 $0xC000, s9;
	v1 =	vsel vm0, $0x3, v1;
	s5 =	sshll.u32 s2, $0xA  }
.Ltmp0:
0xc: {  	s2 =	ssub.s32 $0x2, s2;
	s4 =	sor.u32 s5, s4;
	v2 =	vadd.s32 $0x880, v0;
	v3 =	vor.u32 $0x1, v0;
	v4 =	vadd.s32 $0x881, v0;
	(pc) =	sbr.rel .LBB2_1-.Ltmp0, $4  }
0xd: {  	_ =	strace $0x80000047;
	s30 =	sshrl.u32 s2, $0x1;
	v5 =	vor.u32 $0x2, v0;
	v6 =	vadd.s32 $0x882, v0;
	v7 =	vor.u32 $0x3, v0;
	s6 =	sshrl.u32 s4, $0x3  }
0xe: {  	s5 =	sadd.s32 $0xF42800, s1;
	v8 =	vadd.s32 $0x883, v0;
	v9 =	vor.u32 $0x4, v0;
	v10 =	vadd.s32 $0x884, v0;
	s1 =	ssub.s32 s2, s30;
	s0 =	sadd.s32 s0, s6  }
0xf: {  	v11 =	vor.u32 $0x5, v0;
	v12 =	vadd.s32 $0x885, v0;
	v13 =	vor.u32 $0x6, v0;
	s2 =	simm.s32 $0x8;
	s31 =	smax.u32 s1, $0x1;
	[dreg:$0x4] =	wrdreg s0  }
0x10: {  	v14 =	vadd.s32 $0x886, v0;
	v15 =	vor.u32 $0x7, v0;
	v16 =	vadd.s32 $0x887, v0;
	s1 =	simm.s32 $0x2;
	s6 =	simm.s32 $0x4;
	[dreg:$0x5] =	wrdreg s31  }
.LBB2_12:
0x11: {  	s0 =	simm.s32 $0x5  }
0x12: {  	_ =	swait.ge [sflag:s0], $0x1000  }
0x13: {  	[sflag:s0] =	ssyncset.done $0x0  }
0x14: {  	[sflag:s0] =	ssyncadd.s32 $0xFFFFF000  }
0x15: {  	_ =	swait.ge [sflag:s19], $0x1000  }
0x16: {  	[sflag:s19] =	ssyncset.done $0x0  }
0x17: {  	[sflag:s19] =	ssyncadd.s32 $0xFFFFF000  }
0x18: {  	_ =	swait.ge [sflag:s13], $0x1000  }
0x19: {  	[sflag:s13] =	ssyncset.done $0x0  }
0x1a: {  	[sflag:s13] =	ssyncadd.s32 $0xFFFFF000  }
0x1b: {  	_ =	swait.ge [sflag:s2], $0x1000  }
0x1c: {  	s12 =	rddreg [dreg:$0x6]  }
0x1d: {  	s31 =	rddreg [dreg:$0x5];
	s12 =	sadd.s32 $0x1, s12  }
0x1e: {  	p0 =	sne.s32 s12, s31  }
.Ltmp1:
0x1f: {  	_ = 	snop;
	(pc) =	sbr.rel @!p0 .LBB2_13-.Ltmp1, $3  }
0x20: {  	_ =	sdelay $0x1  }
0x21: {  	[sflag:s2] =	ssyncset.done $0x0  }
0x22: {  	[sflag:s2] =	ssyncadd.s32 $0xFFFFF000  }
.LBB2_1:
0x23: {  	s0 =	rddreg [dreg:$0x4];
	s31 =	simm.s32 $0x400;
	s20 =	simm.s32 $0x8000  }
0x24: {  	[tilespmem:s3], [sflag:$0x9] =	stream.strided.gather [hbm4b:s0+s31], $0x6400, s20, s31, $0x38;
	[tilespmem:$0xE800] =	vst v63  }
0x25: {  	[dreg:$0x6] =	wrdreg s12;
	s20 =	simm.s32 $0x9  }
0x26: {  	_ =	swait.ge [sflag:s20], $0x6400  }
0x27: {  	[sflag:s20] =	ssyncset.done $0x0  }
0x28: {  	s25 =	simm.s32 $0x6400;
	[sflag:s20] =	ssyncadd.s32 $0xFFFF9C00  }
0x29: {  	[tilespmem:s25], [sflag:$0x1] =	stream.indirect.gather [hbm4b:s5+s14], $0x20, s3, s14, $0xb8;
	[tilespmem:$0xE800] =	vst v63  }
0x2a: {  	s26 =	simm.s32 $0x7400  }
0x2b: {  	[tilespmem:s26], [sflag:$0x2] =	stream.indirect.gather [hbm4b:s5+s14], $0x20, s14, s14, $0xb8;
	[tilespmem:$0xE800] =	vst v63  }
0x2c: {  	s28 =	simm.s32 $0x100;
	s29 =	simm.s32 $0x8400  }
0x2d: {  	[tilespmem:s29], [sflag:$0x3] =	stream.indirect.gather [hbm4b:s5+s14], $0x20, s28, s14, $0xb8;
	[tilespmem:$0xE800] =	vst v63  }
0x2e: {  	s30 =	simm.s32 $0x180;
	s31 =	simm.s32 $0x9400;
	s20 =	simm.s32 $0x0  }
0x2f: {  	[tilespmem:s31], [sflag:$0x4] =	stream.indirect.gather [hbm4b:s5+s14], $0x20, s30, s14, $0xb8;
	[tilespmem:$0xE800] =	vst v63  }
.LBB2_2:
0x30: {  	p0 =	seq.s32 s20, $0x0  }
0x31: {  	s0 =	simm.s32 @!p0 $0x5  }
0x32: {  	_ =	swait.ge @!p0 [sflag:s0], $0x1000  }
0x33: {  	[sflag:s0] =	ssyncset.done @!p0 $0x0  }
0x34: {  	s12 =	simm.s32 $0x0;
	[sflag:s0] =	ssyncadd.s32 @!p0 $0xFFFFF000  }
0x35: {  	v17 =	vmov s12;
	_ =	swait.ge [sflag:s21], $0x1000  }
0x36: {  	v17 =	vshrl.u32 v17, $0x3;
	[sflag:s21] =	ssyncset.done $0x0  }
0x37: {  	s26 =	simm.s32 $0x6480;
	v17 =	vshll.u32 v17, v1;
	[sflag:s21] =	ssyncadd.s32 $0xFFFFF000  }
0x38: {  	v17 =	vbroadcast v17, $0x0;
	v18 =	vld [tilespmem:s26+$0xFFFFFF80]  }
0x39: {  	v19 =	vld [tilespmem:s26+$0xFFFFFF90]  }
0x3a: {  	v20 =	vadd.s32 v0, v17  }
0x3b: {  	v17 =	vadd.s32 v2, v17;
	_ =	sdelay $0x1  }
0x3c: {  	s25 =	simm.s32 $0x1;
	v18 =	vmul.f32 $5.656854150e+00, v18  }
0x3d: {  	v21 =	vmov s25;
	v19 =	vmul.f32 $5.656854150e+00, v19  }
0x3e: {  	[tilespmem:v20+s22+$0x0] =	vst.idx.msk $0xffff, v18;
	v18 =	vshrl.u32 v21, $0x3  }
0x3f: {  	[tilespmem:v17+s22+$0x0] =	vst.idx.msk $0xffff, v19;
	v17 =	vshll.u32 v18, v1  }
0x40: {  	v18 =	vld [tilespmem:s26+$0xFFFFFFA0];
	v17 =	vbroadcast v17, $0x0  }
0x41: {  	v19 =	vld [tilespmem:s26+$0xFFFFFFB0]  }
0x42: {  	v20 =	vadd.s32 v3, v17  }
0x43: {  	v17 =	vadd.s32 v4, v17;
	_ =	sdelay $0x1  }
0x44: {  	s30 =	simm.s32 $0x2;
	v18 =	vmul.f32 $5.656854150e+00, v18  }
0x45: {  	v57 =	vmov s30;
	v19 =	vmul.f32 $5.656854150e+00, v19  }
0x46: {  	[tilespmem:v20+s22+$0x0] =	vst.idx.msk $0xffff, v18;
	v18 =	vshrl.u32 v57, $0x3  }
0x47: {  	[tilespmem:v17+s22+$0x0] =	vst.idx.msk $0xffff, v19;
	v17 =	vshll.u32 v18, v1  }
0x48: {  	v18 =	vld [tilespmem:s26+$0xFFFFFFC0];
	v17 =	vbroadcast v17, $0x0  }
0x49: {  	v19 =	vld [tilespmem:s26+$0xFFFFFFD0]  }
0x4a: {  	v20 =	vadd.s32 v5, v17  }
0x4b: {  	v17 =	vadd.s32 v6, v17;
	_ =	sdelay $0x1  }
0x4c: {  	s31 =	simm.s32 $0x3;
	v18 =	vmul.f32 $5.656854150e+00, v18  }
0x4d: {  	v58 =	vmov s31;
	v19 =	vmul.f32 $5.656854150e+00, v19  }
0x4e: {  	[tilespmem:v20+s22+$0x0] =	vst.idx.msk $0xffff, v18;
	v18 =	vshrl.u32 v58, $0x3  }
0x4f: {  	[tilespmem:v17+s22+$0x0] =	vst.idx.msk $0xffff, v19;
	v17 =	vshll.u32 v18, v1  }
0x50: {  	v18 =	vld [tilespmem:s26+$0xFFFFFFE0];
	v17 =	vbroadcast v17, $0x0  }
0x51: {  	v19 =	vld [tilespmem:s26+$0xFFFFFFF0]  }
0x52: {  	v20 =	vadd.s32 v7, v17  }
0x53: {  	v17 =	vadd.s32 v8, v17;
	_ =	sdelay $0x1  }
0x54: {  	s12 =	simm.s32 $0x4;
	v18 =	vmul.f32 $5.656854150e+00, v18  }
0x55: {  	v59 =	vmov s12;
	v19 =	vmul.f32 $5.656854150e+00, v19  }
0x56: {  	[tilespmem:v20+s22+$0x0] =	vst.idx.msk $0xffff, v18;
	v18 =	vshrl.u32 v59, $0x3  }
0x57: {  	[tilespmem:v17+s22+$0x0] =	vst.idx.msk $0xffff, v19;
	v17 =	vshll.u32 v18, v1  }
0x58: {  	v18 =	vld [tilespmem:s26+$0x0];
	v17 =	vbroadcast v17, $0x0  }
0x59: {  	v19 =	vld [tilespmem:s26+$0x10]  }
0x5a: {  	v20 =	vadd.s32 v9, v17  }
0x5b: {  	v17 =	vadd.s32 v10, v17;
	_ =	sdelay $0x1  }
0x5c: {  	s25 =	simm.s32 $0x5;
	v18 =	vmul.f32 $5.656854150e+00, v18  }
0x5d: {  	v60 =	vmov s25;
	v19 =	vmul.f32 $5.656854150e+00, v19  }
0x5e: {  	[tilespmem:v20+s22+$0x0] =	vst.idx.msk $0xffff, v18;
	v18 =	vshrl.u32 v60, $0x3  }
0x5f: {  	[tilespmem:v17+s22+$0x0] =	vst.idx.msk $0xffff, v19;
	v17 =	vshll.u32 v18, v1  }
0x60: {  	v18 =	vld [tilespmem:s26+$0x20];
	v17 =	vbroadcast v17, $0x0  }
0x61: {  	v19 =	vld [tilespmem:s26+$0x30]  }
0x62: {  	v20 =	vadd.s32 v11, v17  }
0x63: {  	v17 =	vadd.s32 v12, v17;
	_ =	sdelay $0x1  }
0x64: {  	s30 =	simm.s32 $0x6;
	v18 =	vmul.f32 $5.656854150e+00, v18  }
0x65: {  	v61 =	vmov s30;
	v19 =	vmul.f32 $5.656854150e+00, v19  }
0x66: {  	[tilespmem:v20+s22+$0x0] =	vst.idx.msk $0xffff, v18;
	v18 =	vshrl.u32 v61, $0x3  }
0x67: {  	[tilespmem:v17+s22+$0x0] =	vst.idx.msk $0xffff, v19;
	v17 =	vshll.u32 v18, v1  }
0x68: {  	v18 =	vld [tilespmem:s26+$0x40];
	v17 =	vbroadcast v17, $0x0  }
0x69: {  	v19 =	vld [tilespmem:s26+$0x50]  }
0x6a: {  	v20 =	vadd.s32 v13, v17  }
0x6b: {  	v17 =	vadd.s32 v14, v17;
	_ =	sdelay $0x1  }
0x6c: {  	s31 =	simm.s32 $0x7;
	v18 =	vmul.f32 $5.656854150e+00, v18  }
0x6d: {  	v62 =	vmov s31;
	v19 =	vmul.f32 $5.656854150e+00, v19  }
0x6e: {  	[tilespmem:v20+s22+$0x0] =	vst.idx.msk $0xffff, v18;
	v18 =	vshrl.u32 v62, $0x3  }
0x6f: {  	[tilespmem:v17+s22+$0x0] =	vst.idx.msk $0xffff, v19;
	v17 =	vshll.u32 v18, v1  }
0x70: {  	v18 =	vld [tilespmem:s26+$0x60];
	v17 =	vbroadcast v17, $0x0;
	_ =	sdelay $0x1  }
0x71: {  	v19 =	vld [tilespmem:s26+$0x70];
	v20 =	vadd.s32 v15, v17;
	_ =	sdelay $0x1  }
0x72: {  	v17 =	vadd.s32 v16, v17  }
0x73: {  	s28 =	simm.s32 $0x8;
	v63 =	vmul.f32 $5.656854150e+00, v18  }
0x74: {  	v22 =	vmov s28  }
0x75: {  	s29 =	simm.s32 $0x10;
	s25 =	sshll.u32 s20, $0x2;
	v18 =	vmul.f32 $5.656854150e+00, v19;
	v19 =	vshrl.u32 v22, $0x3;
	[tilespmem:v20+s22+$0x0] =	vst.idx.msk $0xffff, v63  }
.LBB2_3:
0x76: {  	p0 =	slt.u32 s29, $0x78  }
0x77: {  	v19 =	vshll.u32 v19, v1;
	[tilespmem:v17+s22+$0x0] =	vst.idx.msk $0xffff, v18;
	s26 =	sadd.s32 $0x100, s26;
	s30 =	smov.u32 s29;
	s29 =	sadd.s32 $0x8, s29  }
0x78: {  	v17 =	vld [tilespmem:s26+$0xFFFFFF80];
	v18 =	vbroadcast v19, $0x0  }
0x79: {  	v19 =	vld [tilespmem:s26+$0xFFFFFF90]  }
0x7a: {  	v20 =	vadd.s32 v0, v18  }
0x7b: {  	v18 =	vadd.s32 v2, v18;
	_ =	sdelay $0x1  }
0x7c: {  	s0 =	sadd.s32 $0x1, s28;
	v17 =	vmul.f32 $5.656854150e+00, v17  }
0x7d: {  	v21 =	vmov s0;
	v19 =	vmul.f32 $5.656854150e+00, v19  }
0x7e: {  	[tilespmem:v20+s22+$0x0] =	vst.idx.msk $0xffff, v17;
	v17 =	vshrl.u32 v21, $0x3  }
0x7f: {  	[tilespmem:v18+s22+$0x0] =	vst.idx.msk $0xffff, v19;
	v17 =	vshll.u32 v17, v1  }
0x80: {  	v18 =	vld [tilespmem:s26+$0xFFFFFFA0];
	v17 =	vbroadcast v17, $0x0  }
0x81: {  	v19 =	vld [tilespmem:s26+$0xFFFFFFB0]  }
0x82: {  	v20 =	vadd.s32 v3, v17  }
0x83: {  	v17 =	vadd.s32 v4, v17;
	_ =	sdelay $0x1  }
0x84: {  	s0 =	sadd.s32 $0x2, s28;
	v18 =	vmul.f32 $5.656854150e+00, v18  }
0x85: {  	v21 =	vmov s0;
	v19 =	vmul.f32 $5.656854150e+00, v19  }
0x86: {  	[tilespmem:v20+s22+$0x0] =	vst.idx.msk $0xffff, v18;
	v18 =	vshrl.u32 v21, $0x3  }
0x87: {  	[tilespmem:v17+s22+$0x0] =	vst.idx.msk $0xffff, v19;
	v17 =	vshll.u32 v18, v1  }
0x88: {  	v18 =	vld [tilespmem:s26+$0xFFFFFFC0];
	v17 =	vbroadcast v17, $0x0  }
0x89: {  	v19 =	vld [tilespmem:s26+$0xFFFFFFD0]  }
0x8a: {  	v20 =	vadd.s32 v5, v17  }
0x8b: {  	v17 =	vadd.s32 v6, v17;
	_ =	sdelay $0x1  }
0x8c: {  	s0 =	sadd.s32 $0x3, s28;
	v18 =	vmul.f32 $5.656854150e+00, v18  }
0x8d: {  	v21 =	vmov s0;
	v19 =	vmul.f32 $5.656854150e+00, v19  }
0x8e: {  	[tilespmem:v20+s22+$0x0] =	vst.idx.msk $0xffff, v18;
	v18 =	vshrl.u32 v21, $0x3  }
0x8f: {  	[tilespmem:v17+s22+$0x0] =	vst.idx.msk $0xffff, v19;
	v17 =	vshll.u32 v18, v1  }
0x90: {  	v18 =	vld [tilespmem:s26+$0xFFFFFFE0];
	v17 =	vbroadcast v17, $0x0  }
0x91: {  	v19 =	vld [tilespmem:s26+$0xFFFFFFF0]  }
0x92: {  	v20 =	vadd.s32 v7, v17  }
0x93: {  	v17 =	vadd.s32 v8, v17;
	_ =	sdelay $0x1  }
0x94: {  	s0 =	sadd.s32 $0x4, s28;
	v18 =	vmul.f32 $5.656854150e+00, v18  }
0x95: {  	v21 =	vmov s0;
	v19 =	vmul.f32 $5.656854150e+00, v19  }
0x96: {  	[tilespmem:v20+s22+$0x0] =	vst.idx.msk $0xffff, v18;
	v18 =	vshrl.u32 v21, $0x3  }
0x97: {  	[tilespmem:v17+s22+$0x0] =	vst.idx.msk $0xffff, v19;
	v17 =	vshll.u32 v18, v1  }
0x98: {  	v18 =	vld [tilespmem:s26+$0x0];
	v17 =	vbroadcast v17, $0x0  }
0x99: {  	v19 =	vld [tilespmem:s26+$0x10]  }
0x9a: {  	v20 =	vadd.s32 v9, v17  }
0x9b: {  	v17 =	vadd.s32 v10, v17;
	_ =	sdelay $0x1  }
0x9c: {  	s0 =	sadd.s32 $0x5, s28;
	v18 =	vmul.f32 $5.656854150e+00, v18  }
0x9d: {  	v21 =	vmov s0;
	v19 =	vmul.f32 $5.656854150e+00, v19  }
0x9e: {  	[tilespmem:v20+s22+$0x0] =	vst.idx.msk $0xffff, v18;
	v18 =	vshrl.u32 v21, $0x3  }
0x9f: {  	[tilespmem:v17+s22+$0x0] =	vst.idx.msk $0xffff, v19;
	v17 =	vshll.u32 v18, v1  }
0xa0: {  	v18 =	vld [tilespmem:s26+$0x20];
	v17 =	vbroadcast v17, $0x0  }
0xa1: {  	v19 =	vld [tilespmem:s26+$0x30]  }
0xa2: {  	v20 =	vadd.s32 v11, v17  }
0xa3: {  	v17 =	vadd.s32 v12, v17;
	_ =	sdelay $0x1  }
0xa4: {  	s0 =	sadd.s32 $0x6, s28;
	v18 =	vmul.f32 $5.656854150e+00, v18  }
0xa5: {  	v21 =	vmov s0;
	v19 =	vmul.f32 $5.656854150e+00, v19  }
0xa6: {  	[tilespmem:v20+s22+$0x0] =	vst.idx.msk $0xffff, v18;
	v18 =	vshrl.u32 v21, $0x3  }
0xa7: {  	[tilespmem:v17+s22+$0x0] =	vst.idx.msk $0xffff, v19;
	v17 =	vshll.u32 v18, v1  }
0xa8: {  	v18 =	vld [tilespmem:s26+$0x40];
	v17 =	vbroadcast v17, $0x0  }
0xa9: {  	v19 =	vld [tilespmem:s26+$0x50]  }
0xaa: {  	v20 =	vadd.s32 v13, v17  }
0xab: {  	v17 =	vadd.s32 v14, v17;
	_ =	sdelay $0x1  }
0xac: {  	s0 =	sadd.s32 $0x7, s28;
	s28 =	smov.u32 s30;
	v18 =	vmul.f32 $5.656854150e+00, v18  }
0xad: {  	v21 =	vmov s0;
	v19 =	vmul.f32 $5.656854150e+00, v19  }
0xae: {  	[tilespmem:v20+s22+$0x0] =	vst.idx.msk $0xffff, v18;
	v18 =	vshrl.u32 v21, $0x3  }
0xaf: {  	[tilespmem:v17+s22+$0x0] =	vst.idx.msk $0xffff, v19;
	v17 =	vshll.u32 v18, v1  }
0xb0: {  	v18 =	vld [tilespmem:s26+$0x60];
	v17 =	vbroadcast v17, $0x0  }
0xb1: {  	v19 =	vld [tilespmem:s26+$0x70]  }
0xb2: {  	v20 =	vadd.s32 v15, v17  }
.Ltmp2:
0xb3: {  	v17 =	vadd.s32 v16, v17;
	(pc) =	sbr.rel @p0 .LBB2_3-.Ltmp2, $4  }
0xb4: {  	_ = 	snop  }
0xb5: {  	v21 =	vmul.f32 $5.656854150e+00, v18  }
0xb6: {  	v22 =	vmov s28;
	v18 =	vmul.f32 $5.656854150e+00, v19  }
0xb7: {  	v19 =	vshrl.u32 v22, $0x3;
	[tilespmem:v20+s22+$0x0] =	vst.idx.msk $0xffff, v21  }
0xb8: {  	_ =	sdelay $0x3  }
0xb9: {  	v19 =	vshll.u32 v19, v1;
	[tilespmem:v17+s22+$0x0] =	vst.idx.msk $0xffff, v18;
	s0 =	sadd.s32 $0x100, s26  }
0xba: {  	v17 =	vld [tilespmem:s0+$0xFFFFFF80];
	v18 =	vbroadcast v19, $0x0  }
0xbb: {  	v19 =	vld [tilespmem:s0+$0xFFFFFF90]  }
0xbc: {  	v20 =	vadd.s32 v0, v18  }
0xbd: {  	v18 =	vadd.s32 v2, v18;
	_ =	sdelay $0x1  }
0xbe: {  	s12 =	sadd.s32 $0x1, s28;
	v17 =	vmul.f32 $5.656854150e+00, v17  }
0xbf: {  	v21 =	vmov s12;
	v19 =	vmul.f32 $5.656854150e+00, v19  }
0xc0: {  	[tilespmem:v20+s22+$0x0] =	vst.idx.msk $0xffff, v17;
	v17 =	vshrl.u32 v21, $0x3  }
0xc1: {  	[tilespmem:v18+s22+$0x0] =	vst.idx.msk $0xffff, v19;
	v17 =	vshll.u32 v17, v1  }
0xc2: {  	v18 =	vld [tilespmem:s0+$0xFFFFFFA0];
	v17 =	vbroadcast v17, $0x0  }
0xc3: {  	v19 =	vld [tilespmem:s0+$0xFFFFFFB0]  }
0xc4: {  	v20 =	vadd.s32 v3, v17  }
0xc5: {  	v17 =	vadd.s32 v4, v17;
	_ =	sdelay $0x1  }
0xc6: {  	s12 =	sadd.s32 $0x2, s28;
	v18 =	vmul.f32 $5.656854150e+00, v18  }
0xc7: {  	v50 =	vmov s12;
	v19 =	vmul.f32 $5.656854150e+00, v19  }
0xc8: {  	[tilespmem:v20+s22+$0x0] =	vst.idx.msk $0xffff, v18;
	v18 =	vshrl.u32 v50, $0x3  }
0xc9: {  	[tilespmem:v17+s22+$0x0] =	vst.idx.msk $0xffff, v19;
	v17 =	vshll.u32 v18, v1  }
0xca: {  	v18 =	vld [tilespmem:s0+$0xFFFFFFC0];
	v17 =	vbroadcast v17, $0x0  }
0xcb: {  	v19 =	vld [tilespmem:s0+$0xFFFFFFD0]  }
0xcc: {  	v20 =	vadd.s32 v5, v17  }
0xcd: {  	v17 =	vadd.s32 v6, v17;
	_ =	sdelay $0x1  }
0xce: {  	s12 =	sadd.s32 $0x3, s28;
	v18 =	vmul.f32 $5.656854150e+00, v18  }
0xcf: {  	v51 =	vmov s12;
	v19 =	vmul.f32 $5.656854150e+00, v19  }
0xd0: {  	[tilespmem:v20+s22+$0x0] =	vst.idx.msk $0xffff, v18;
	v18 =	vshrl.u32 v51, $0x3  }
0xd1: {  	[tilespmem:v17+s22+$0x0] =	vst.idx.msk $0xffff, v19;
	v17 =	vshll.u32 v18, v1  }
0xd2: {  	v18 =	vld [tilespmem:s0+$0xFFFFFFE0];
	v17 =	vbroadcast v17, $0x0  }
0xd3: {  	v19 =	vld [tilespmem:s0+$0xFFFFFFF0]  }
0xd4: {  	v20 =	vadd.s32 v7, v17  }
0xd5: {  	v17 =	vadd.s32 v8, v17;
	_ =	sdelay $0x1  }
0xd6: {  	s12 =	sadd.s32 $0x4, s28;
	v18 =	vmul.f32 $5.656854150e+00, v18  }
0xd7: {  	v52 =	vmov s12;
	v19 =	vmul.f32 $5.656854150e+00, v19  }
0xd8: {  	[tilespmem:v20+s22+$0x0] =	vst.idx.msk $0xffff, v18;
	v18 =	vshrl.u32 v52, $0x3  }
0xd9: {  	[tilespmem:v17+s22+$0x0] =	vst.idx.msk $0xffff, v19;
	v17 =	vshll.u32 v18, v1  }
0xda: {  	v18 =	vld [tilespmem:s0+$0x0];
	v17 =	vbroadcast v17, $0x0  }
0xdb: {  	v19 =	vld [tilespmem:s0+$0x10]  }
0xdc: {  	v20 =	vadd.s32 v9, v17  }
0xdd: {  	v17 =	vadd.s32 v10, v17;
	_ =	sdelay $0x1  }
0xde: {  	s12 =	sadd.s32 $0x5, s28;
	v18 =	vmul.f32 $5.656854150e+00, v18  }
0xdf: {  	v53 =	vmov s12;
	v19 =	vmul.f32 $5.656854150e+00, v19  }
0xe0: {  	[tilespmem:v20+s22+$0x0] =	vst.idx.msk $0xffff, v18;
	v18 =	vshrl.u32 v53, $0x3  }
0xe1: {  	[tilespmem:v17+s22+$0x0] =	vst.idx.msk $0xffff, v19;
	v17 =	vshll.u32 v18, v1  }
0xe2: {  	v18 =	vld [tilespmem:s0+$0x20];
	v17 =	vbroadcast v17, $0x0  }
0xe3: {  	v19 =	vld [tilespmem:s0+$0x30]  }
0xe4: {  	v20 =	vadd.s32 v11, v17  }
0xe5: {  	v17 =	vadd.s32 v12, v17;
	_ =	sdelay $0x1  }
0xe6: {  	s12 =	sadd.s32 $0x6, s28;
	v18 =	vmul.f32 $5.656854150e+00, v18  }
0xe7: {  	v54 =	vmov s12;
	v19 =	vmul.f32 $5.656854150e+00, v19  }
0xe8: {  	[tilespmem:v20+s22+$0x0] =	vst.idx.msk $0xffff, v18;
	v18 =	vshrl.u32 v54, $0x3  }
0xe9: {  	[tilespmem:v17+s22+$0x0] =	vst.idx.msk $0xffff, v19;
	v17 =	vshll.u32 v18, v1  }
0xea: {  	v18 =	vld [tilespmem:s0+$0x40];
	v17 =	vbroadcast v17, $0x0  }
0xeb: {  	v19 =	vld [tilespmem:s0+$0x50]  }
0xec: {  	v20 =	vadd.s32 v13, v17  }
0xed: {  	v17 =	vadd.s32 v14, v17;
	_ =	sdelay $0x1  }
0xee: {  	s12 =	sadd.s32 $0x7, s28;
	v18 =	vmul.f32 $5.656854150e+00, v18  }
0xef: {  	v55 =	vmov s12;
	v19 =	vmul.f32 $5.656854150e+00, v19  }
0xf0: {  	[tilespmem:v20+s22+$0x0] =	vst.idx.msk $0xffff, v18;
	v18 =	vshrl.u32 v55, $0x3  }
0xf1: {  	[tilespmem:v17+s22+$0x0] =	vst.idx.msk $0xffff, v19;
	v17 =	vshll.u32 v18, v1  }
0xf2: {  	v18 =	vld [tilespmem:s0+$0x60];
	v17 =	vbroadcast v17, $0x0  }
0xf3: {  	v19 =	vld [tilespmem:s0+$0x70]  }
0xf4: {  	v20 =	vadd.s32 v15, v17  }
0xf5: {  	v17 =	vadd.s32 v16, v17;
	_ =	sdelay $0x1  }
0xf6: {  	s26 =	sshll.u32 s20, $0x13;
	v18 =	vmul.f32 $5.656854150e+00, v18  }
0xf7: {  	s0 =	sor.u32 s4, s26;
	v19 =	vmul.f32 $5.656854150e+00, v19  }
0xf8: {  	s12 =	rddreg [dreg:$0x2];
	s26 =	sshrl.u32 s0, $0x3;
	[tilespmem:v20+s22+$0x0] =	vst.idx.msk $0xffff, v18  }
0xf9: {  	s0 =	sadd.s32 s12, s26;
	[tilespmem:v17+s22+$0x0] =	vst.idx.msk $0xffff, v19  }
0xfa: {  	[hbm4b:s0+s3] =	stream.linear.scatter [tilespmem:s22], [sflag:$0x5], $0x80, $0x38;
	[tilespmem:$0xE800] =	vst v63  }
0xfb: {  	s12 =	simm.s32 $0xA488;
	s28 =	sadd.s32 $0x10, s0  }
0xfc: {  	[hbm4b:s28+s3] =	stream.linear.scatter [tilespmem:s12], [sflag:$0x5], $0x80, $0x38;
	[tilespmem:$0xE800] =	vst v63  }
0xfd: {  	s28 =	sadd.s32 $0x20, s0;
	s12 =	simm.s32 $0xA510  }
0xfe: {  	[hbm4b:s28+s3] =	stream.linear.scatter [tilespmem:s12], [sflag:$0x5], $0x80, $0x38;
	[tilespmem:$0xE800] =	vst v63  }
0xff: {  	s28 =	sadd.s32 $0x30, s0;
	s12 =	simm.s32 $0xA598  }
0x100: {  	[hbm4b:s28+s3] =	stream.linear.scatter [tilespmem:s12], [sflag:$0x5], $0x80, $0x38;
	[tilespmem:$0xE800] =	vst v63  }
0x101: {  	s28 =	sadd.s32 $0x40, s0;
	s12 =	simm.s32 $0xA620  }
0x102: {  	[hbm4b:s28+s3] =	stream.linear.scatter [tilespmem:s12], [sflag:$0x5], $0x80, $0x38;
	[tilespmem:$0xE800] =	vst v63  }
0x103: {  	s28 =	sadd.s32 $0x50, s0;
	s12 =	simm.s32 $0xA6A8  }
0x104: {  	[hbm4b:s28+s3] =	stream.linear.scatter [tilespmem:s12], [sflag:$0x5], $0x80, $0x38;
	[tilespmem:$0xE800] =	vst v63  }
0x105: {  	s28 =	sadd.s32 $0x60, s0;
	s12 =	simm.s32 $0xA730  }
0x106: {  	[hbm4b:s28+s3] =	stream.linear.scatter [tilespmem:s12], [sflag:$0x5], $0x80, $0x38;
	[tilespmem:$0xE800] =	vst v63  }
0x107: {  	s28 =	sadd.s32 $0x70, s0;
	s12 =	simm.s32 $0xA7B8  }
0x108: {  	[hbm4b:s28+s3] =	stream.linear.scatter [tilespmem:s12], [sflag:$0x5], $0x80, $0x38;
	[tilespmem:$0xE800] =	vst v63  }
0x109: {  	s28 =	sadd.s32 $0x1000, s0;
	s12 =	simm.s32 $0xA840  }
0x10a: {  	[hbm4b:s28+s3] =	stream.linear.scatter [tilespmem:s12], [sflag:$0x5], $0x80, $0x38;
	[tilespmem:$0xE800] =	vst v63  }
0x10b: {  	s28 =	sadd.s32 $0x1010, s0;
	s12 =	simm.s32 $0xA8C8  }
0x10c: {  	[hbm4b:s28+s3] =	stream.linear.scatter [tilespmem:s12], [sflag:$0x5], $0x80, $0x38;
	[tilespmem:$0xE800] =	vst v63  }
0x10d: {  	s28 =	sadd.s32 $0x1020, s0;
	s12 =	simm.s32 $0xA950  }
0x10e: {  	[hbm4b:s28+s3] =	stream.linear.scatter [tilespmem:s12], [sflag:$0x5], $0x80, $0x38;
	[tilespmem:$0xE800] =	vst v63  }
0x10f: {  	s28 =	sadd.s32 $0x1030, s0;
	s12 =	simm.s32 $0xA9D8  }
0x110: {  	[hbm4b:s28+s3] =	stream.linear.scatter [tilespmem:s12], [sflag:$0x5], $0x80, $0x38;
	[tilespmem:$0xE800] =	vst v63  }
0x111: {  	s28 =	sadd.s32 $0x1040, s0;
	s12 =	simm.s32 $0xAA60  }
0x112: {  	[hbm4b:s28+s3] =	stream.linear.scatter [tilespmem:s12], [sflag:$0x5], $0x80, $0x38;
	[tilespmem:$0xE800] =	vst v63  }
0x113: {  	s28 =	sadd.s32 $0x1050, s0;
	s12 =	simm.s32 $0xAAE8  }
0x114: {  	[hbm4b:s28+s3] =	stream.linear.scatter [tilespmem:s12], [sflag:$0x5], $0x80, $0x38;
	[tilespmem:$0xE800] =	vst v63  }
0x115: {  	s28 =	sadd.s32 $0x1060, s0;
	s12 =	simm.s32 $0xAB70  }
0x116: {  	[hbm4b:s28+s3] =	stream.linear.scatter [tilespmem:s12], [sflag:$0x5], $0x80, $0x38;
	[tilespmem:$0xE800] =	vst v63  }
0x117: {  	s28 =	sadd.s32 $0x1070, s0;
	s12 =	simm.s32 $0xABF8  }
0x118: {  	[hbm4b:s28+s3] =	stream.linear.scatter [tilespmem:s12], [sflag:$0x5], $0x80, $0x38;
	[tilespmem:$0xE800] =	vst v63  }
0x119: {  	s28 =	sadd.s32 $0x2000, s0;
	s12 =	simm.s32 $0xAC80  }
0x11a: {  	[hbm4b:s28+s3] =	stream.linear.scatter [tilespmem:s12], [sflag:$0x5], $0x80, $0x38;
	[tilespmem:$0xE800] =	vst v63  }
0x11b: {  	s28 =	sadd.s32 $0x2010, s0;
	s12 =	simm.s32 $0xAD08  }
0x11c: {  	[hbm4b:s28+s3] =	stream.linear.scatter [tilespmem:s12], [sflag:$0x5], $0x80, $0x38;
	[tilespmem:$0xE800] =	vst v63  }
0x11d: {  	s28 =	sadd.s32 $0x2020, s0;
	s12 =	simm.s32 $0xAD90  }
0x11e: {  	[hbm4b:s28+s3] =	stream.linear.scatter [tilespmem:s12], [sflag:$0x5], $0x80, $0x38;
	[tilespmem:$0xE800] =	vst v63  }
0x11f: {  	s28 =	sadd.s32 $0x2030, s0;
	s12 =	simm.s32 $0xAE18  }
0x120: {  	[hbm4b:s28+s3] =	stream.linear.scatter [tilespmem:s12], [sflag:$0x5], $0x80, $0x38;
	[tilespmem:$0xE800] =	vst v63  }
0x121: {  	s28 =	sadd.s32 $0x2040, s0;
	s12 =	simm.s32 $0xAEA0  }
0x122: {  	[hbm4b:s28+s3] =	stream.linear.scatter [tilespmem:s12], [sflag:$0x5], $0x80, $0x38;
	[tilespmem:$0xE800] =	vst v63  }
0x123: {  	s28 =	sadd.s32 $0x2050, s0;
	s12 =	simm.s32 $0xAF28  }
0x124: {  	[hbm4b:s28+s3] =	stream.linear.scatter [tilespmem:s12], [sflag:$0x5], $0x80, $0x38;
	[tilespmem:$0xE800] =	vst v63  }
0x125: {  	s28 =	sadd.s32 $0x2060, s0;
	s12 =	simm.s32 $0xAFB0  }
0x126: {  	[hbm4b:s28+s3] =	stream.linear.scatter [tilespmem:s12], [sflag:$0x5], $0x80, $0x38;
	[tilespmem:$0xE800] =	vst v63  }
0x127: {  	s28 =	sadd.s32 $0x2070, s0;
	s12 =	simm.s32 $0xB038  }
0x128: {  	[hbm4b:s28+s3] =	stream.linear.scatter [tilespmem:s12], [sflag:$0x5], $0x80, $0x38;
	[tilespmem:$0xE800] =	vst v63  }
0x129: {  	s28 =	sadd.s32 $0x3000, s0;
	s12 =	simm.s32 $0xB0C0  }
0x12a: {  	[hbm4b:s28+s3] =	stream.linear.scatter [tilespmem:s12], [sflag:$0x5], $0x80, $0x38;
	[tilespmem:$0xE800] =	vst v63  }
0x12b: {  	s28 =	sadd.s32 $0x3010, s0;
	s12 =	simm.s32 $0xB148  }
0x12c: {  	[hbm4b:s28+s3] =	stream.linear.scatter [tilespmem:s12], [sflag:$0x5], $0x80, $0x38;
	[tilespmem:$0xE800] =	vst v63  }
0x12d: {  	s28 =	sadd.s32 $0x3020, s0;
	s12 =	simm.s32 $0xB1D0  }
0x12e: {  	[hbm4b:s28+s3] =	stream.linear.scatter [tilespmem:s12], [sflag:$0x5], $0x80, $0x38;
	[tilespmem:$0xE800] =	vst v63  }
0x12f: {  	s28 =	sadd.s32 $0x3030, s0;
	s12 =	simm.s32 $0xB258  }
0x130: {  	[hbm4b:s28+s3] =	stream.linear.scatter [tilespmem:s12], [sflag:$0x5], $0x80, $0x38;
	[tilespmem:$0xE800] =	vst v63  }
0x131: {  	s28 =	sadd.s32 $0x3040, s0;
	s12 =	simm.s32 $0xB2E0  }
0x132: {  	[hbm4b:s28+s3] =	stream.linear.scatter [tilespmem:s12], [sflag:$0x5], $0x80, $0x38;
	[tilespmem:$0xE800] =	vst v63  }
0x133: {  	s28 =	sadd.s32 $0x3050, s0;
	s12 =	simm.s32 $0xB368  }
0x134: {  	[hbm4b:s28+s3] =	stream.linear.scatter [tilespmem:s12], [sflag:$0x5], $0x80, $0x38;
	[tilespmem:$0xE800] =	vst v63  }
0x135: {  	p0 =	seq.s32 s20, $0x31;
	s28 =	sadd.s32 $0x3060, s0;
	s12 =	simm.s32 $0xB3F0  }
0x136: {  	[hbm4b:s28+s3] =	stream.linear.scatter [tilespmem:s12], [sflag:$0x5], $0x80, $0x38;
	[tilespmem:$0xE800] =	vst v63  }
0x137: {  	s0 =	sadd.s32 $0x3070, s0;
	s12 =	simm.s32 $0xB478;
	s28 =	sshll.u32 @!p0 s25, $0x7  }
0x138: {  	[hbm4b:s0+s3] =	stream.linear.scatter [tilespmem:s12], [sflag:$0x5], $0x80, $0x38;
	[tilespmem:$0xE800] =	vst v63  }
0x139: {  	s29 =	simm.s32 @!p0 $0x80;
	p1 =	seq.s32 @!p0 s20, $0x0;
	s0 =	sadd.s32 @!p0 $0x200, s28  }
0x13a: {  	s30 =	simm.s32 @!p0 $0x6400;
	p1 =	por p0, !p1;
	s0 =	sand.u32 @!p0 $0xFE00, s0  }
0x13b: {  	[tilespmem:s30], [sflag:$0x1] =	stream.indirect.gather @!p0 [hbm4b:s5+s29], $0x20, s0, s29, $0xb8;
	[tilespmem:$0xE800] =	vst v63  }
0x13c: {  	_ =	swait.ge @p1 [sflag:s19], $0x1000  }
0x13d: {  	[sflag:s19] =	ssyncset.done @p1 $0x0  }
0x13e: {  	s12 =	simm.s32 $0x0;
	[sflag:s19] =	ssyncadd.s32 @p1 $0xFFFFF000  }
0x13f: {  	v17 =	vmov s12;
	_ =	swait.ge [sflag:s1], $0x1000  }
0x140: {  	v17 =	vshrl.u32 v17, $0x3;
	[sflag:s1] =	ssyncset.done $0x0  }
0x141: {  	s29 =	simm.s32 $0x74F0;
	v17 =	vshll.u32 v17, v1;
	[sflag:s1] =	ssyncadd.s32 $0xFFFFF000  }
0x142: {  	v17 =	vbroadcast v17, $0x0;
	v18 =	vld [tilespmem:s29+$0xFFFFFF10]  }
0x143: {  	v19 =	vld [tilespmem:s29+$0xFFFFFF20]  }
0x144: {  	v20 =	vadd.s32 v0, v17  }
0x145: {  	v17 =	vadd.s32 v2, v17;
	_ =	sdelay $0x1  }
0x146: {  	s12 =	simm.s32 $0x1;
	v18 =	vmul.f32 $5.656854150e+00, v18  }
0x147: {  	v56 =	vmov s12;
	v19 =	vmul.f32 $5.656854150e+00, v19  }
0x148: {  	[tilespmem:v20+s11+$0x0] =	vst.idx.msk $0xffff, v18;
	v18 =	vshrl.u32 v56, $0x3  }
0x149: {  	[tilespmem:v17+s11+$0x0] =	vst.idx.msk $0xffff, v19;
	v17 =	vshll.u32 v18, v1  }
0x14a: {  	v18 =	vld [tilespmem:s29+$0xFFFFFF30];
	v17 =	vbroadcast v17, $0x0  }
0x14b: {  	v19 =	vld [tilespmem:s29+$0xFFFFFF40]  }
0x14c: {  	v20 =	vadd.s32 v3, v17  }
0x14d: {  	v17 =	vadd.s32 v4, v17;
	_ =	sdelay $0x1  }
0x14e: {  	s12 =	simm.s32 $0x2;
	v18 =	vmul.f32 $5.656854150e+00, v18  }
0x14f: {  	v57 =	vmov s12;
	v19 =	vmul.f32 $5.656854150e+00, v19  }
0x150: {  	[tilespmem:v20+s11+$0x0] =	vst.idx.msk $0xffff, v18;
	v18 =	vshrl.u32 v57, $0x3  }
0x151: {  	[tilespmem:v17+s11+$0x0] =	vst.idx.msk $0xffff, v19;
	v17 =	vshll.u32 v18, v1  }
0x152: {  	v18 =	vld [tilespmem:s29+$0xFFFFFF50];
	v17 =	vbroadcast v17, $0x0  }
0x153: {  	v19 =	vld [tilespmem:s29+$0xFFFFFF60]  }
0x154: {  	v20 =	vadd.s32 v5, v17  }
0x155: {  	v17 =	vadd.s32 v6, v17;
	_ =	sdelay $0x1  }
0x156: {  	s12 =	simm.s32 $0x3;
	v18 =	vmul.f32 $5.656854150e+00, v18  }
0x157: {  	v58 =	vmov s12;
	v19 =	vmul.f32 $5.656854150e+00, v19  }
0x158: {  	[tilespmem:v20+s11+$0x0] =	vst.idx.msk $0xffff, v18;
	v18 =	vshrl.u32 v58, $0x3  }
0x159: {  	[tilespmem:v17+s11+$0x0] =	vst.idx.msk $0xffff, v19;
	v17 =	vshll.u32 v18, v1  }
0x15a: {  	v18 =	vld [tilespmem:s29+$0xFFFFFF70];
	v17 =	vbroadcast v17, $0x0  }
0x15b: {  	v19 =	vld [tilespmem:s29+$0xFFFFFF80]  }
0x15c: {  	v20 =	vadd.s32 v7, v17  }
0x15d: {  	v17 =	vadd.s32 v8, v17;
	_ =	sdelay $0x1  }
0x15e: {  	s12 =	simm.s32 $0x4;
	v18 =	vmul.f32 $5.656854150e+00, v18  }
0x15f: {  	v59 =	vmov s12;
	v19 =	vmul.f32 $5.656854150e+00, v19  }
0x160: {  	[tilespmem:v20+s11+$0x0] =	vst.idx.msk $0xffff, v18;
	v18 =	vshrl.u32 v59, $0x3  }
0x161: {  	[tilespmem:v17+s11+$0x0] =	vst.idx.msk $0xffff, v19;
	v17 =	vshll.u32 v18, v1  }
0x162: {  	v18 =	vld [tilespmem:s29+$0xFFFFFF90];
	v17 =	vbroadcast v17, $0x0  }
0x163: {  	v19 =	vld [tilespmem:s29+$0xFFFFFFA0]  }
0x164: {  	v20 =	vadd.s32 v9, v17  }
0x165: {  	v17 =	vadd.s32 v10, v17;
	_ =	sdelay $0x1  }
0x166: {  	s12 =	simm.s32 $0x5;
	v18 =	vmul.f32 $5.656854150e+00, v18  }
0x167: {  	v60 =	vmov s12;
	v19 =	vmul.f32 $5.656854150e+00, v19  }
0x168: {  	[tilespmem:v20+s11+$0x0] =	vst.idx.msk $0xffff, v18;
	v18 =	vshrl.u32 v60, $0x3  }
0x169: {  	[tilespmem:v17+s11+$0x0] =	vst.idx.msk $0xffff, v19;
	v17 =	vshll.u32 v18, v1  }
0x16a: {  	v18 =	vld [tilespmem:s29+$0xFFFFFFB0];
	v17 =	vbroadcast v17, $0x0  }
0x16b: {  	v19 =	vld [tilespmem:s29+$0xFFFFFFC0]  }
0x16c: {  	v20 =	vadd.s32 v11, v17  }
0x16d: {  	v17 =	vadd.s32 v12, v17;
	_ =	sdelay $0x1  }
0x16e: {  	s12 =	simm.s32 $0x6;
	v18 =	vmul.f32 $5.656854150e+00, v18  }
0x16f: {  	v61 =	vmov s12;
	v19 =	vmul.f32 $5.656854150e+00, v19  }
0x170: {  	[tilespmem:v20+s11+$0x0] =	vst.idx.msk $0xffff, v18;
	v18 =	vshrl.u32 v61, $0x3  }
0x171: {  	[tilespmem:v17+s11+$0x0] =	vst.idx.msk $0xffff, v19;
	v17 =	vshll.u32 v18, v1  }
0x172: {  	v18 =	vld [tilespmem:s29+$0xFFFFFFD0];
	v17 =	vbroadcast v17, $0x0  }
0x173: {  	v19 =	vld [tilespmem:s29+$0xFFFFFFE0]  }
0x174: {  	v20 =	vadd.s32 v13, v17  }
0x175: {  	v17 =	vadd.s32 v14, v17;
	_ =	sdelay $0x1  }
0x176: {  	s12 =	simm.s32 $0x7;
	v18 =	vmul.f32 $5.656854150e+00, v18  }
0x177: {  	v62 =	vmov s12;
	v19 =	vmul.f32 $5.656854150e+00, v19  }
0x178: {  	[tilespmem:v20+s11+$0x0] =	vst.idx.msk $0xffff, v18;
	v18 =	vshrl.u32 v62, $0x3  }
0x179: {  	[tilespmem:v17+s11+$0x0] =	vst.idx.msk $0xffff, v19;
	v17 =	vshll.u32 v18, v1  }
0x17a: {  	v18 =	vld [tilespmem:s29+$0xFFFFFFF0];
	v17 =	vbroadcast v17, $0x0;
	_ =	sdelay $0x1  }
0x17b: {  	v19 =	vld [tilespmem:s29+$0x0];
	v20 =	vadd.s32 v15, v17;
	_ =	sdelay $0x1  }
0x17c: {  	v17 =	vadd.s32 v16, v17  }
0x17d: {  	s30 =	simm.s32 $0x8;
	v63 =	vmul.f32 $5.656854150e+00, v18  }
0x17e: {  	v22 =	vmov s30  }
0x17f: {  	s31 =	simm.s32 $0x10;
	v18 =	vmul.f32 $5.656854150e+00, v19;
	v19 =	vshrl.u32 v22, $0x3;
	[tilespmem:v20+s11+$0x0] =	vst.idx.msk $0xffff, v63  }
.LBB2_5:
0x180: {  	p2 =	slt.u32 s31, $0x78  }
0x181: {  	v19 =	vshll.u32 v19, v1;
	[tilespmem:v17+s11+$0x0] =	vst.idx.msk $0xffff, v18;
	s29 =	sadd.s32 $0x100, s29;
	s0 =	smov.u32 s31;
	s31 =	sadd.s32 $0x8, s31  }
0x182: {  	v17 =	vld [tilespmem:s29+$0xFFFFFF10];
	v18 =	vbroadcast v19, $0x0  }
0x183: {  	v19 =	vld [tilespmem:s29+$0xFFFFFF20]  }
0x184: {  	v20 =	vadd.s32 v0, v18  }
0x185: {  	v18 =	vadd.s32 v2, v18;
	_ =	sdelay $0x1  }
0x186: {  	s12 =	sadd.s32 $0x1, s30;
	v17 =	vmul.f32 $5.656854150e+00, v17  }
0x187: {  	v21 =	vmov s12;
	v19 =	vmul.f32 $5.656854150e+00, v19  }
0x188: {  	[tilespmem:v20+s11+$0x0] =	vst.idx.msk $0xffff, v17;
	v17 =	vshrl.u32 v21, $0x3  }
0x189: {  	[tilespmem:v18+s11+$0x0] =	vst.idx.msk $0xffff, v19;
	v17 =	vshll.u32 v17, v1  }
0x18a: {  	v18 =	vld [tilespmem:s29+$0xFFFFFF30];
	v17 =	vbroadcast v17, $0x0  }
0x18b: {  	v19 =	vld [tilespmem:s29+$0xFFFFFF40]  }
0x18c: {  	v20 =	vadd.s32 v3, v17  }
0x18d: {  	v17 =	vadd.s32 v4, v17;
	_ =	sdelay $0x1  }
0x18e: {  	s12 =	sadd.s32 $0x2, s30;
	v18 =	vmul.f32 $5.656854150e+00, v18  }
0x18f: {  	v21 =	vmov s12;
	v19 =	vmul.f32 $5.656854150e+00, v19  }
0x190: {  	[tilespmem:v20+s11+$0x0] =	vst.idx.msk $0xffff, v18;
	v18 =	vshrl.u32 v21, $0x3  }
0x191: {  	[tilespmem:v17+s11+$0x0] =	vst.idx.msk $0xffff, v19;
	v17 =	vshll.u32 v18, v1  }
0x192: {  	v18 =	vld [tilespmem:s29+$0xFFFFFF50];
	v17 =	vbroadcast v17, $0x0  }
0x193: {  	v19 =	vld [tilespmem:s29+$0xFFFFFF60]  }
0x194: {  	v20 =	vadd.s32 v5, v17  }
0x195: {  	v17 =	vadd.s32 v6, v17;
	_ =	sdelay $0x1  }
0x196: {  	s12 =	sadd.s32 $0x3, s30;
	v18 =	vmul.f32 $5.656854150e+00, v18  }
0x197: {  	v21 =	vmov s12;
	v19 =	vmul.f32 $5.656854150e+00, v19  }
0x198: {  	[tilespmem:v20+s11+$0x0] =	vst.idx.msk $0xffff, v18;
	v18 =	vshrl.u32 v21, $0x3  }
0x199: {  	[tilespmem:v17+s11+$0x0] =	vst.idx.msk $0xffff, v19;
	v17 =	vshll.u32 v18, v1  }
0x19a: {  	v18 =	vld [tilespmem:s29+$0xFFFFFF70];
	v17 =	vbroadcast v17, $0x0  }
0x19b: {  	v19 =	vld [tilespmem:s29+$0xFFFFFF80]  }
0x19c: {  	v20 =	vadd.s32 v7, v17  }
0x19d: {  	v17 =	vadd.s32 v8, v17;
	_ =	sdelay $0x1  }
0x19e: {  	s12 =	sadd.s32 $0x4, s30;
	v18 =	vmul.f32 $5.656854150e+00, v18  }
0x19f: {  	v21 =	vmov s12;
	v19 =	vmul.f32 $5.656854150e+00, v19  }
0x1a0: {  	[tilespmem:v20+s11+$0x0] =	vst.idx.msk $0xffff, v18;
	v18 =	vshrl.u32 v21, $0x3  }
0x1a1: {  	[tilespmem:v17+s11+$0x0] =	vst.idx.msk $0xffff, v19;
	v17 =	vshll.u32 v18, v1  }
0x1a2: {  	v18 =	vld [tilespmem:s29+$0xFFFFFF90];
	v17 =	vbroadcast v17, $0x0  }
0x1a3: {  	v19 =	vld [tilespmem:s29+$0xFFFFFFA0]  }
0x1a4: {  	v20 =	vadd.s32 v9, v17  }
0x1a5: {  	v17 =	vadd.s32 v10, v17;
	_ =	sdelay $0x1  }
0x1a6: {  	s12 =	sadd.s32 $0x5, s30;
	v18 =	vmul.f32 $5.656854150e+00, v18  }
0x1a7: {  	v21 =	vmov s12;
	v19 =	vmul.f32 $5.656854150e+00, v19  }
0x1a8: {  	[tilespmem:v20+s11+$0x0] =	vst.idx.msk $0xffff, v18;
	v18 =	vshrl.u32 v21, $0x3  }
0x1a9: {  	[tilespmem:v17+s11+$0x0] =	vst.idx.msk $0xffff, v19;
	v17 =	vshll.u32 v18, v1  }
0x1aa: {  	v18 =	vld [tilespmem:s29+$0xFFFFFFB0];
	v17 =	vbroadcast v17, $0x0  }
0x1ab: {  	v19 =	vld [tilespmem:s29+$0xFFFFFFC0]  }
0x1ac: {  	v20 =	vadd.s32 v11, v17  }
0x1ad: {  	v17 =	vadd.s32 v12, v17;
	_ =	sdelay $0x1  }
0x1ae: {  	s12 =	sadd.s32 $0x6, s30;
	v18 =	vmul.f32 $5.656854150e+00, v18  }
0x1af: {  	v21 =	vmov s12;
	v19 =	vmul.f32 $5.656854150e+00, v19  }
0x1b0: {  	[tilespmem:v20+s11+$0x0] =	vst.idx.msk $0xffff, v18;
	v18 =	vshrl.u32 v21, $0x3  }
0x1b1: {  	[tilespmem:v17+s11+$0x0] =	vst.idx.msk $0xffff, v19;
	v17 =	vshll.u32 v18, v1  }
0x1b2: {  	v18 =	vld [tilespmem:s29+$0xFFFFFFD0];
	v17 =	vbroadcast v17, $0x0  }
0x1b3: {  	v19 =	vld [tilespmem:s29+$0xFFFFFFE0]  }
0x1b4: {  	v20 =	vadd.s32 v13, v17  }
0x1b5: {  	v17 =	vadd.s32 v14, v17;
	_ =	sdelay $0x1  }
0x1b6: {  	s12 =	sadd.s32 $0x7, s30;
	s30 =	smov.u32 s0;
	v18 =	vmul.f32 $5.656854150e+00, v18  }
0x1b7: {  	v21 =	vmov s12;
	v19 =	vmul.f32 $5.656854150e+00, v19  }
0x1b8: {  	[tilespmem:v20+s11+$0x0] =	vst.idx.msk $0xffff, v18;
	v18 =	vshrl.u32 v21, $0x3  }
0x1b9: {  	[tilespmem:v17+s11+$0x0] =	vst.idx.msk $0xffff, v19;
	v17 =	vshll.u32 v18, v1  }
0x1ba: {  	v18 =	vld [tilespmem:s29+$0xFFFFFFF0];
	v17 =	vbroadcast v17, $0x0  }
0x1bb: {  	v19 =	vld [tilespmem:s29+$0x0]  }
0x1bc: {  	v20 =	vadd.s32 v15, v17  }
.Ltmp3:
0x1bd: {  	v17 =	vadd.s32 v16, v17;
	(pc) =	sbr.rel @p2 .LBB2_5-.Ltmp3, $4  }
0x1be: {  	_ = 	snop  }
0x1bf: {  	v21 =	vmul.f32 $5.656854150e+00, v18  }
0x1c0: {  	v22 =	vmov s30;
	v18 =	vmul.f32 $5.656854150e+00, v19  }
0x1c1: {  	v19 =	vshrl.u32 v22, $0x3;
	[tilespmem:v20+s11+$0x0] =	vst.idx.msk $0xffff, v21  }
0x1c2: {  	_ =	sdelay $0x3  }
0x1c3: {  	v19 =	vshll.u32 v19, v1;
	[tilespmem:v17+s11+$0x0] =	vst.idx.msk $0xffff, v18;
	s0 =	sadd.s32 $0x100, s29  }
0x1c4: {  	v17 =	vld [tilespmem:s0+$0xFFFFFF10];
	v18 =	vbroadcast v19, $0x0  }
0x1c5: {  	v19 =	vld [tilespmem:s0+$0xFFFFFF20]  }
0x1c6: {  	v20 =	vadd.s32 v0, v18  }
0x1c7: {  	v18 =	vadd.s32 v2, v18;
	_ =	sdelay $0x1  }
0x1c8: {  	s12 =	sadd.s32 $0x1, s30;
	v17 =	vmul.f32 $5.656854150e+00, v17  }
0x1c9: {  	v21 =	vmov s12;
	v19 =	vmul.f32 $5.656854150e+00, v19  }
0x1ca: {  	[tilespmem:v20+s11+$0x0] =	vst.idx.msk $0xffff, v17;
	v17 =	vshrl.u32 v21, $0x3  }
0x1cb: {  	[tilespmem:v18+s11+$0x0] =	vst.idx.msk $0xffff, v19;
	v17 =	vshll.u32 v17, v1  }
0x1cc: {  	v18 =	vld [tilespmem:s0+$0xFFFFFF30];
	v17 =	vbroadcast v17, $0x0  }
0x1cd: {  	v19 =	vld [tilespmem:s0+$0xFFFFFF40]  }
0x1ce: {  	v20 =	vadd.s32 v3, v17  }
0x1cf: {  	v17 =	vadd.s32 v4, v17;
	_ =	sdelay $0x1  }
0x1d0: {  	s12 =	sadd.s32 $0x2, s30;
	v18 =	vmul.f32 $5.656854150e+00, v18  }
0x1d1: {  	v50 =	vmov s12;
	v19 =	vmul.f32 $5.656854150e+00, v19  }
0x1d2: {  	[tilespmem:v20+s11+$0x0] =	vst.idx.msk $0xffff, v18;
	v18 =	vshrl.u32 v50, $0x3  }
0x1d3: {  	[tilespmem:v17+s11+$0x0] =	vst.idx.msk $0xffff, v19;
	v17 =	vshll.u32 v18, v1  }
0x1d4: {  	v18 =	vld [tilespmem:s0+$0xFFFFFF50];
	v17 =	vbroadcast v17, $0x0  }
0x1d5: {  	v19 =	vld [tilespmem:s0+$0xFFFFFF60]  }
0x1d6: {  	v20 =	vadd.s32 v5, v17  }
0x1d7: {  	v17 =	vadd.s32 v6, v17;
	_ =	sdelay $0x1  }
0x1d8: {  	s12 =	sadd.s32 $0x3, s30;
	v18 =	vmul.f32 $5.656854150e+00, v18  }
0x1d9: {  	v51 =	vmov s12;
	v19 =	vmul.f32 $5.656854150e+00, v19  }
0x1da: {  	[tilespmem:v20+s11+$0x0] =	vst.idx.msk $0xffff, v18;
	v18 =	vshrl.u32 v51, $0x3  }
0x1db: {  	[tilespmem:v17+s11+$0x0] =	vst.idx.msk $0xffff, v19;
	v17 =	vshll.u32 v18, v1  }
0x1dc: {  	v18 =	vld [tilespmem:s0+$0xFFFFFF70];
	v17 =	vbroadcast v17, $0x0  }
0x1dd: {  	v19 =	vld [tilespmem:s0+$0xFFFFFF80]  }
0x1de: {  	v20 =	vadd.s32 v7, v17  }
0x1df: {  	v17 =	vadd.s32 v8, v17;
	_ =	sdelay $0x1  }
0x1e0: {  	s12 =	sadd.s32 $0x4, s30;
	v18 =	vmul.f32 $5.656854150e+00, v18  }
0x1e1: {  	v52 =	vmov s12;
	v19 =	vmul.f32 $5.656854150e+00, v19  }
0x1e2: {  	[tilespmem:v20+s11+$0x0] =	vst.idx.msk $0xffff, v18;
	v18 =	vshrl.u32 v52, $0x3  }
0x1e3: {  	[tilespmem:v17+s11+$0x0] =	vst.idx.msk $0xffff, v19;
	v17 =	vshll.u32 v18, v1  }
0x1e4: {  	v18 =	vld [tilespmem:s0+$0xFFFFFF90];
	v17 =	vbroadcast v17, $0x0  }
0x1e5: {  	v19 =	vld [tilespmem:s0+$0xFFFFFFA0]  }
0x1e6: {  	v20 =	vadd.s32 v9, v17  }
0x1e7: {  	v17 =	vadd.s32 v10, v17;
	_ =	sdelay $0x1  }
0x1e8: {  	s12 =	sadd.s32 $0x5, s30;
	v18 =	vmul.f32 $5.656854150e+00, v18  }
0x1e9: {  	v53 =	vmov s12;
	v19 =	vmul.f32 $5.656854150e+00, v19  }
0x1ea: {  	[tilespmem:v20+s11+$0x0] =	vst.idx.msk $0xffff, v18;
	v18 =	vshrl.u32 v53, $0x3  }
0x1eb: {  	[tilespmem:v17+s11+$0x0] =	vst.idx.msk $0xffff, v19;
	v17 =	vshll.u32 v18, v1  }
0x1ec: {  	v18 =	vld [tilespmem:s0+$0xFFFFFFB0];
	v17 =	vbroadcast v17, $0x0  }
0x1ed: {  	v19 =	vld [tilespmem:s0+$0xFFFFFFC0]  }
0x1ee: {  	v20 =	vadd.s32 v11, v17  }
0x1ef: {  	v17 =	vadd.s32 v12, v17;
	_ =	sdelay $0x1  }
0x1f0: {  	s12 =	sadd.s32 $0x6, s30;
	v18 =	vmul.f32 $5.656854150e+00, v18  }
0x1f1: {  	v54 =	vmov s12;
	v19 =	vmul.f32 $5.656854150e+00, v19  }
0x1f2: {  	[tilespmem:v20+s11+$0x0] =	vst.idx.msk $0xffff, v18;
	v18 =	vshrl.u32 v54, $0x3  }
0x1f3: {  	[tilespmem:v17+s11+$0x0] =	vst.idx.msk $0xffff, v19;
	v17 =	vshll.u32 v18, v1  }
0x1f4: {  	v18 =	vld [tilespmem:s0+$0xFFFFFFD0];
	v17 =	vbroadcast v17, $0x0  }
0x1f5: {  	v19 =	vld [tilespmem:s0+$0xFFFFFFE0]  }
0x1f6: {  	v20 =	vadd.s32 v13, v17  }
0x1f7: {  	v17 =	vadd.s32 v14, v17;
	_ =	sdelay $0x1  }
0x1f8: {  	s12 =	sadd.s32 $0x7, s30;
	v18 =	vmul.f32 $5.656854150e+00, v18  }
0x1f9: {  	v55 =	vmov s12;
	v19 =	vmul.f32 $5.656854150e+00, v19  }
0x1fa: {  	[tilespmem:v20+s11+$0x0] =	vst.idx.msk $0xffff, v18;
	v18 =	vshrl.u32 v55, $0x3  }
0x1fb: {  	[tilespmem:v17+s11+$0x0] =	vst.idx.msk $0xffff, v19;
	v17 =	vshll.u32 v18, v1  }
0x1fc: {  	v18 =	vld [tilespmem:s0+$0xFFFFFFF0];
	v17 =	vbroadcast v17, $0x0  }
0x1fd: {  	v19 =	vld [tilespmem:s0+$0x0]  }
0x1fe: {  	v20 =	vadd.s32 v15, v17  }
0x1ff: {  	v17 =	vadd.s32 v16, v17;
	_ =	sdelay $0x1  }
0x200: {  	v18 =	vmul.f32 $5.656854150e+00, v18  }
0x201: {  	v19 =	vmul.f32 $5.656854150e+00, v19  }
0x202: {  	[tilespmem:v20+s11+$0x0] =	vst.idx.msk $0xffff, v18  }
0x203: {  	s0 =	sadd.s32 s26, s7;
	[tilespmem:v17+s11+$0x0] =	vst.idx.msk $0xffff, v19  }
0x204: {  	[hbm4b:s0+s3] =	stream.linear.scatter [tilespmem:s11], [sflag:$0x6], $0x80, $0x38;
	[tilespmem:$0xE800] =	vst v63  }
0x205: {  	s29 =	simm.s32 $0xB588;
	s12 =	sadd.s32 $0x10, s0  }
0x206: {  	[hbm4b:s12+s3] =	stream.linear.scatter [tilespmem:s29], [sflag:$0x6], $0x80, $0x38;
	[tilespmem:$0xE800] =	vst v63  }
0x207: {  	s12 =	sadd.s32 $0x20, s0;
	s29 =	simm.s32 $0xB610  }
0x208: {  	[hbm4b:s12+s3] =	stream.linear.scatter [tilespmem:s29], [sflag:$0x6], $0x80, $0x38;
	[tilespmem:$0xE800] =	vst v63  }
0x209: {  	s12 =	sadd.s32 $0x30, s0;
	s29 =	simm.s32 $0xB698  }
0x20a: {  	[hbm4b:s12+s3] =	stream.linear.scatter [tilespmem:s29], [sflag:$0x6], $0x80, $0x38;
	[tilespmem:$0xE800] =	vst v63  }
0x20b: {  	s12 =	sadd.s32 $0x40, s0;
	s29 =	simm.s32 $0xB720  }
0x20c: {  	[hbm4b:s12+s3] =	stream.linear.scatter [tilespmem:s29], [sflag:$0x6], $0x80, $0x38;
	[tilespmem:$0xE800] =	vst v63  }
0x20d: {  	s12 =	sadd.s32 $0x50, s0;
	s29 =	simm.s32 $0xB7A8  }
0x20e: {  	[hbm4b:s12+s3] =	stream.linear.scatter [tilespmem:s29], [sflag:$0x6], $0x80, $0x38;
	[tilespmem:$0xE800] =	vst v63  }
0x20f: {  	s12 =	sadd.s32 $0x60, s0;
	s29 =	simm.s32 $0xB830  }
0x210: {  	[hbm4b:s12+s3] =	stream.linear.scatter [tilespmem:s29], [sflag:$0x6], $0x80, $0x38;
	[tilespmem:$0xE800] =	vst v63  }
0x211: {  	s12 =	sadd.s32 $0x70, s0;
	s29 =	simm.s32 $0xB8B8  }
0x212: {  	[hbm4b:s12+s3] =	stream.linear.scatter [tilespmem:s29], [sflag:$0x6], $0x80, $0x38;
	[tilespmem:$0xE800] =	vst v63  }
0x213: {  	s12 =	sadd.s32 $0x1000, s0;
	s29 =	simm.s32 $0xB940  }
0x214: {  	[hbm4b:s12+s3] =	stream.linear.scatter [tilespmem:s29], [sflag:$0x6], $0x80, $0x38;
	[tilespmem:$0xE800] =	vst v63  }
0x215: {  	s12 =	sadd.s32 $0x1010, s0;
	s29 =	simm.s32 $0xB9C8  }
0x216: {  	[hbm4b:s12+s3] =	stream.linear.scatter [tilespmem:s29], [sflag:$0x6], $0x80, $0x38;
	[tilespmem:$0xE800] =	vst v63  }
0x217: {  	s12 =	sadd.s32 $0x1020, s0;
	s29 =	simm.s32 $0xBA50  }
0x218: {  	[hbm4b:s12+s3] =	stream.linear.scatter [tilespmem:s29], [sflag:$0x6], $0x80, $0x38;
	[tilespmem:$0xE800] =	vst v63  }
0x219: {  	s12 =	sadd.s32 $0x1030, s0;
	s29 =	simm.s32 $0xBAD8  }
0x21a: {  	[hbm4b:s12+s3] =	stream.linear.scatter [tilespmem:s29], [sflag:$0x6], $0x80, $0x38;
	[tilespmem:$0xE800] =	vst v63  }
0x21b: {  	s12 =	sadd.s32 $0x1040, s0;
	s29 =	simm.s32 $0xBB60  }
0x21c: {  	[hbm4b:s12+s3] =	stream.linear.scatter [tilespmem:s29], [sflag:$0x6], $0x80, $0x38;
	[tilespmem:$0xE800] =	vst v63  }
0x21d: {  	s12 =	sadd.s32 $0x1050, s0;
	s29 =	simm.s32 $0xBBE8  }
0x21e: {  	[hbm4b:s12+s3] =	stream.linear.scatter [tilespmem:s29], [sflag:$0x6], $0x80, $0x38;
	[tilespmem:$0xE800] =	vst v63  }
0x21f: {  	s12 =	sadd.s32 $0x1060, s0;
	s29 =	simm.s32 $0xBC70  }
0x220: {  	[hbm4b:s12+s3] =	stream.linear.scatter [tilespmem:s29], [sflag:$0x6], $0x80, $0x38;
	[tilespmem:$0xE800] =	vst v63  }
0x221: {  	s12 =	sadd.s32 $0x1070, s0;
	s29 =	simm.s32 $0xBCF8  }
0x222: {  	[hbm4b:s12+s3] =	stream.linear.scatter [tilespmem:s29], [sflag:$0x6], $0x80, $0x38;
	[tilespmem:$0xE800] =	vst v63  }
0x223: {  	s12 =	sadd.s32 $0x2000, s0;
	s29 =	simm.s32 $0xBD80  }
0x224: {  	[hbm4b:s12+s3] =	stream.linear.scatter [tilespmem:s29], [sflag:$0x6], $0x80, $0x38;
	[tilespmem:$0xE800] =	vst v63  }
0x225: {  	s12 =	sadd.s32 $0x2010, s0;
	s29 =	simm.s32 $0xBE08  }
0x226: {  	[hbm4b:s12+s3] =	stream.linear.scatter [tilespmem:s29], [sflag:$0x6], $0x80, $0x38;
	[tilespmem:$0xE800] =	vst v63  }
0x227: {  	s12 =	sadd.s32 $0x2020, s0;
	s29 =	simm.s32 $0xBE90  }
0x228: {  	[hbm4b:s12+s3] =	stream.linear.scatter [tilespmem:s29], [sflag:$0x6], $0x80, $0x38;
	[tilespmem:$0xE800] =	vst v63  }
0x229: {  	s12 =	sadd.s32 $0x2030, s0;
	s29 =	simm.s32 $0xBF18  }
0x22a: {  	[hbm4b:s12+s3] =	stream.linear.scatter [tilespmem:s29], [sflag:$0x6], $0x80, $0x38;
	[tilespmem:$0xE800] =	vst v63  }
0x22b: {  	s12 =	sadd.s32 $0x2040, s0;
	s29 =	simm.s32 $0xBFA0  }
0x22c: {  	[hbm4b:s12+s3] =	stream.linear.scatter [tilespmem:s29], [sflag:$0x6], $0x80, $0x38;
	[tilespmem:$0xE800] =	vst v63  }
0x22d: {  	s12 =	sadd.s32 $0x2050, s0;
	s29 =	simm.s32 $0xC028  }
0x22e: {  	[hbm4b:s12+s3] =	stream.linear.scatter [tilespmem:s29], [sflag:$0x6], $0x80, $0x38;
	[tilespmem:$0xE800] =	vst v63  }
0x22f: {  	s12 =	sadd.s32 $0x2060, s0;
	s29 =	simm.s32 $0xC0B0  }
0x230: {  	[hbm4b:s12+s3] =	stream.linear.scatter [tilespmem:s29], [sflag:$0x6], $0x80, $0x38;
	[tilespmem:$0xE800] =	vst v63  }
0x231: {  	s12 =	sadd.s32 $0x2070, s0;
	s29 =	simm.s32 $0xC138  }
0x232: {  	[hbm4b:s12+s3] =	stream.linear.scatter [tilespmem:s29], [sflag:$0x6], $0x80, $0x38;
	[tilespmem:$0xE800] =	vst v63  }
0x233: {  	s12 =	sadd.s32 $0x3000, s0;
	s29 =	simm.s32 $0xC1C0  }
0x234: {  	[hbm4b:s12+s3] =	stream.linear.scatter [tilespmem:s29], [sflag:$0x6], $0x80, $0x38;
	[tilespmem:$0xE800] =	vst v63  }
0x235: {  	s12 =	sadd.s32 $0x3010, s0;
	s29 =	simm.s32 $0xC248  }
0x236: {  	[hbm4b:s12+s3] =	stream.linear.scatter [tilespmem:s29], [sflag:$0x6], $0x80, $0x38;
	[tilespmem:$0xE800] =	vst v63  }
0x237: {  	s12 =	sadd.s32 $0x3020, s0;
	s29 =	simm.s32 $0xC2D0  }
0x238: {  	[hbm4b:s12+s3] =	stream.linear.scatter [tilespmem:s29], [sflag:$0x6], $0x80, $0x38;
	[tilespmem:$0xE800] =	vst v63  }
0x239: {  	s12 =	sadd.s32 $0x3030, s0;
	s29 =	simm.s32 $0xC358  }
0x23a: {  	[hbm4b:s12+s3] =	stream.linear.scatter [tilespmem:s29], [sflag:$0x6], $0x80, $0x38;
	[tilespmem:$0xE800] =	vst v63  }
0x23b: {  	s12 =	sadd.s32 $0x3040, s0;
	s29 =	simm.s32 $0xC3E0  }
0x23c: {  	[hbm4b:s12+s3] =	stream.linear.scatter [tilespmem:s29], [sflag:$0x6], $0x80, $0x38;
	[tilespmem:$0xE800] =	vst v63  }
0x23d: {  	s12 =	sadd.s32 $0x3050, s0;
	s29 =	simm.s32 $0xC468  }
0x23e: {  	[hbm4b:s12+s3] =	stream.linear.scatter [tilespmem:s29], [sflag:$0x6], $0x80, $0x38;
	[tilespmem:$0xE800] =	vst v63  }
0x23f: {  	s12 =	sadd.s32 $0x3060, s0;
	s29 =	simm.s32 $0xC4F0  }
0x240: {  	[hbm4b:s12+s3] =	stream.linear.scatter [tilespmem:s29], [sflag:$0x6], $0x80, $0x38;
	[tilespmem:$0xE800] =	vst v63  }
0x241: {  	s0 =	sadd.s32 $0x3070, s0;
	s12 =	simm.s32 $0xC578  }
0x242: {  	[hbm4b:s0+s3] =	stream.linear.scatter [tilespmem:s12], [sflag:$0x6], $0x80, $0x38;
	[tilespmem:$0xE800] =	vst v63  }
0x243: {  	s0 =	sadd.s32 @!p0 $0x280, s28  }
0x244: {  	s29 =	simm.s32 @!p0 $0x7400;
	s12 =	simm.s32 @!p0 $0x80;
	s0 =	sand.u32 @!p0 $0xFE80, s0  }
0x245: {  	[tilespmem:s29], [sflag:$0x2] =	stream.indirect.gather @!p0 [hbm4b:s5+s12], $0x20, s0, s12, $0xb8;
	[tilespmem:$0xE800] =	vst v63  }
0x246: {  	_ =	swait.ge @p1 [sflag:s13], $0x1000  }
0x247: {  	[sflag:s13] =	ssyncset.done @p1 $0x0  }
0x248: {  	s12 =	simm.s32 $0x0;
	[sflag:s13] =	ssyncadd.s32 @p1 $0xFFFFF000  }
0x249: {  	v17 =	vmov s12;
	_ =	swait.ge [sflag:s23], $0x1000  }
0x24a: {  	v17 =	vshrl.u32 v17, $0x3;
	[sflag:s23] =	ssyncset.done $0x0  }
0x24b: {  	s29 =	simm.s32 $0x84F0;
	v17 =	vshll.u32 v17, v1;
	[sflag:s23] =	ssyncadd.s32 $0xFFFFF000  }
0x24c: {  	v17 =	vbroadcast v17, $0x0;
	v18 =	vld [tilespmem:s29+$0xFFFFFF10]  }
0x24d: {  	v19 =	vld [tilespmem:s29+$0xFFFFFF20]  }
0x24e: {  	v20 =	vadd.s32 v0, v17  }
0x24f: {  	v17 =	vadd.s32 v2, v17;
	_ =	sdelay $0x1  }
0x250: {  	s12 =	simm.s32 $0x1;
	v18 =	vmul.f32 $5.656854150e+00, v18  }
0x251: {  	v56 =	vmov s12;
	v19 =	vmul.f32 $5.656854150e+00, v19  }
0x252: {  	[tilespmem:v20+s24+$0x0] =	vst.idx.msk $0xffff, v18;
	v18 =	vshrl.u32 v56, $0x3  }
0x253: {  	[tilespmem:v17+s24+$0x0] =	vst.idx.msk $0xffff, v19;
	v17 =	vshll.u32 v18, v1  }
0x254: {  	v18 =	vld [tilespmem:s29+$0xFFFFFF30];
	v17 =	vbroadcast v17, $0x0  }
0x255: {  	v19 =	vld [tilespmem:s29+$0xFFFFFF40]  }
0x256: {  	v20 =	vadd.s32 v3, v17  }
0x257: {  	v17 =	vadd.s32 v4, v17;
	_ =	sdelay $0x1  }
0x258: {  	s12 =	simm.s32 $0x2;
	v18 =	vmul.f32 $5.656854150e+00, v18  }
0x259: {  	v57 =	vmov s12;
	v19 =	vmul.f32 $5.656854150e+00, v19  }
0x25a: {  	[tilespmem:v20+s24+$0x0] =	vst.idx.msk $0xffff, v18;
	v18 =	vshrl.u32 v57, $0x3  }
0x25b: {  	[tilespmem:v17+s24+$0x0] =	vst.idx.msk $0xffff, v19;
	v17 =	vshll.u32 v18, v1  }
0x25c: {  	v18 =	vld [tilespmem:s29+$0xFFFFFF50];
	v17 =	vbroadcast v17, $0x0  }
0x25d: {  	v19 =	vld [tilespmem:s29+$0xFFFFFF60]  }
0x25e: {  	v20 =	vadd.s32 v5, v17  }
0x25f: {  	v17 =	vadd.s32 v6, v17;
	_ =	sdelay $0x1  }
0x260: {  	s12 =	simm.s32 $0x3;
	v18 =	vmul.f32 $5.656854150e+00, v18  }
0x261: {  	v58 =	vmov s12;
	v19 =	vmul.f32 $5.656854150e+00, v19  }
0x262: {  	[tilespmem:v20+s24+$0x0] =	vst.idx.msk $0xffff, v18;
	v18 =	vshrl.u32 v58, $0x3  }
0x263: {  	[tilespmem:v17+s24+$0x0] =	vst.idx.msk $0xffff, v19;
	v17 =	vshll.u32 v18, v1  }
0x264: {  	v18 =	vld [tilespmem:s29+$0xFFFFFF70];
	v17 =	vbroadcast v17, $0x0  }
0x265: {  	v19 =	vld [tilespmem:s29+$0xFFFFFF80]  }
0x266: {  	v20 =	vadd.s32 v7, v17  }
0x267: {  	v17 =	vadd.s32 v8, v17;
	_ =	sdelay $0x1  }
0x268: {  	s12 =	simm.s32 $0x4;
	v18 =	vmul.f32 $5.656854150e+00, v18  }
0x269: {  	v59 =	vmov s12;
	v19 =	vmul.f32 $5.656854150e+00, v19  }
0x26a: {  	[tilespmem:v20+s24+$0x0] =	vst.idx.msk $0xffff, v18;
	v18 =	vshrl.u32 v59, $0x3  }
0x26b: {  	[tilespmem:v17+s24+$0x0] =	vst.idx.msk $0xffff, v19;
	v17 =	vshll.u32 v18, v1  }
0x26c: {  	v18 =	vld [tilespmem:s29+$0xFFFFFF90];
	v17 =	vbroadcast v17, $0x0  }
0x26d: {  	v19 =	vld [tilespmem:s29+$0xFFFFFFA0]  }
0x26e: {  	v20 =	vadd.s32 v9, v17  }
0x26f: {  	v17 =	vadd.s32 v10, v17;
	_ =	sdelay $0x1  }
0x270: {  	s12 =	simm.s32 $0x5;
	v18 =	vmul.f32 $5.656854150e+00, v18  }
0x271: {  	v60 =	vmov s12;
	v19 =	vmul.f32 $5.656854150e+00, v19  }
0x272: {  	[tilespmem:v20+s24+$0x0] =	vst.idx.msk $0xffff, v18;
	v18 =	vshrl.u32 v60, $0x3  }
0x273: {  	[tilespmem:v17+s24+$0x0] =	vst.idx.msk $0xffff, v19;
	v17 =	vshll.u32 v18, v1  }
0x274: {  	v18 =	vld [tilespmem:s29+$0xFFFFFFB0];
	v17 =	vbroadcast v17, $0x0  }
0x275: {  	v19 =	vld [tilespmem:s29+$0xFFFFFFC0]  }
0x276: {  	v20 =	vadd.s32 v11, v17  }
0x277: {  	v17 =	vadd.s32 v12, v17;
	_ =	sdelay $0x1  }
0x278: {  	s12 =	simm.s32 $0x6;
	v18 =	vmul.f32 $5.656854150e+00, v18  }
0x279: {  	v61 =	vmov s12;
	v19 =	vmul.f32 $5.656854150e+00, v19  }
0x27a: {  	[tilespmem:v20+s24+$0x0] =	vst.idx.msk $0xffff, v18;
	v18 =	vshrl.u32 v61, $0x3  }
0x27b: {  	[tilespmem:v17+s24+$0x0] =	vst.idx.msk $0xffff, v19;
	v17 =	vshll.u32 v18, v1  }
0x27c: {  	v18 =	vld [tilespmem:s29+$0xFFFFFFD0];
	v17 =	vbroadcast v17, $0x0  }
0x27d: {  	v19 =	vld [tilespmem:s29+$0xFFFFFFE0]  }
0x27e: {  	v20 =	vadd.s32 v13, v17  }
0x27f: {  	v17 =	vadd.s32 v14, v17;
	_ =	sdelay $0x1  }
0x280: {  	s12 =	simm.s32 $0x7;
	v18 =	vmul.f32 $5.656854150e+00, v18  }
0x281: {  	v62 =	vmov s12;
	v19 =	vmul.f32 $5.656854150e+00, v19  }
0x282: {  	[tilespmem:v20+s24+$0x0] =	vst.idx.msk $0xffff, v18;
	v18 =	vshrl.u32 v62, $0x3  }
0x283: {  	[tilespmem:v17+s24+$0x0] =	vst.idx.msk $0xffff, v19;
	v17 =	vshll.u32 v18, v1  }
0x284: {  	v18 =	vld [tilespmem:s29+$0xFFFFFFF0];
	v17 =	vbroadcast v17, $0x0;
	_ =	sdelay $0x1  }
0x285: {  	v19 =	vld [tilespmem:s29+$0x0];
	v20 =	vadd.s32 v15, v17;
	_ =	sdelay $0x1  }
0x286: {  	v17 =	vadd.s32 v16, v17  }
0x287: {  	s30 =	simm.s32 $0x8;
	v63 =	vmul.f32 $5.656854150e+00, v18  }
0x288: {  	v22 =	vmov s30  }
0x289: {  	s31 =	simm.s32 $0x10;
	v18 =	vmul.f32 $5.656854150e+00, v19;
	v19 =	vshrl.u32 v22, $0x3;
	[tilespmem:v20+s24+$0x0] =	vst.idx.msk $0xffff, v63  }
.LBB2_7:
0x28a: {  	p2 =	slt.u32 s31, $0x78  }
0x28b: {  	v19 =	vshll.u32 v19, v1;
	[tilespmem:v17+s24+$0x0] =	vst.idx.msk $0xffff, v18;
	s29 =	sadd.s32 $0x100, s29;
	s0 =	smov.u32 s31;
	s31 =	sadd.s32 $0x8, s31  }
0x28c: {  	v17 =	vld [tilespmem:s29+$0xFFFFFF10];
	v18 =	vbroadcast v19, $0x0  }
0x28d: {  	v19 =	vld [tilespmem:s29+$0xFFFFFF20]  }
0x28e: {  	v20 =	vadd.s32 v0, v18  }
0x28f: {  	v18 =	vadd.s32 v2, v18;
	_ =	sdelay $0x1  }
0x290: {  	s12 =	sadd.s32 $0x1, s30;
	v17 =	vmul.f32 $5.656854150e+00, v17  }
0x291: {  	v21 =	vmov s12;
	v19 =	vmul.f32 $5.656854150e+00, v19  }
0x292: {  	[tilespmem:v20+s24+$0x0] =	vst.idx.msk $0xffff, v17;
	v17 =	vshrl.u32 v21, $0x3  }
0x293: {  	[tilespmem:v18+s24+$0x0] =	vst.idx.msk $0xffff, v19;
	v17 =	vshll.u32 v17, v1  }
0x294: {  	v18 =	vld [tilespmem:s29+$0xFFFFFF30];
	v17 =	vbroadcast v17, $0x0  }
0x295: {  	v19 =	vld [tilespmem:s29+$0xFFFFFF40]  }
0x296: {  	v20 =	vadd.s32 v3, v17  }
0x297: {  	v17 =	vadd.s32 v4, v17;
	_ =	sdelay $0x1  }
0x298: {  	s12 =	sadd.s32 $0x2, s30;
	v18 =	vmul.f32 $5.656854150e+00, v18  }
0x299: {  	v21 =	vmov s12;
	v19 =	vmul.f32 $5.656854150e+00, v19  }
0x29a: {  	[tilespmem:v20+s24+$0x0] =	vst.idx.msk $0xffff, v18;
	v18 =	vshrl.u32 v21, $0x3  }
0x29b: {  	[tilespmem:v17+s24+$0x0] =	vst.idx.msk $0xffff, v19;
	v17 =	vshll.u32 v18, v1  }
0x29c: {  	v18 =	vld [tilespmem:s29+$0xFFFFFF50];
	v17 =	vbroadcast v17, $0x0  }
0x29d: {  	v19 =	vld [tilespmem:s29+$0xFFFFFF60]  }
0x29e: {  	v20 =	vadd.s32 v5, v17  }
0x29f: {  	v17 =	vadd.s32 v6, v17;
	_ =	sdelay $0x1  }
0x2a0: {  	s12 =	sadd.s32 $0x3, s30;
	v18 =	vmul.f32 $5.656854150e+00, v18  }
0x2a1: {  	v21 =	vmov s12;
	v19 =	vmul.f32 $5.656854150e+00, v19  }
0x2a2: {  	[tilespmem:v20+s24+$0x0] =	vst.idx.msk $0xffff, v18;
	v18 =	vshrl.u32 v21, $0x3  }
0x2a3: {  	[tilespmem:v17+s24+$0x0] =	vst.idx.msk $0xffff, v19;
	v17 =	vshll.u32 v18, v1  }
0x2a4: {  	v18 =	vld [tilespmem:s29+$0xFFFFFF70];
	v17 =	vbroadcast v17, $0x0  }
0x2a5: {  	v19 =	vld [tilespmem:s29+$0xFFFFFF80]  }
0x2a6: {  	v20 =	vadd.s32 v7, v17  }
0x2a7: {  	v17 =	vadd.s32 v8, v17;
	_ =	sdelay $0x1  }
0x2a8: {  	s12 =	sadd.s32 $0x4, s30;
	v18 =	vmul.f32 $5.656854150e+00, v18  }
0x2a9: {  	v21 =	vmov s12;
	v19 =	vmul.f32 $5.656854150e+00, v19  }
0x2aa: {  	[tilespmem:v20+s24+$0x0] =	vst.idx.msk $0xffff, v18;
	v18 =	vshrl.u32 v21, $0x3  }
0x2ab: {  	[tilespmem:v17+s24+$0x0] =	vst.idx.msk $0xffff, v19;
	v17 =	vshll.u32 v18, v1  }
0x2ac: {  	v18 =	vld [tilespmem:s29+$0xFFFFFF90];
	v17 =	vbroadcast v17, $0x0  }
0x2ad: {  	v19 =	vld [tilespmem:s29+$0xFFFFFFA0]  }
0x2ae: {  	v20 =	vadd.s32 v9, v17  }
0x2af: {  	v17 =	vadd.s32 v10, v17;
	_ =	sdelay $0x1  }
0x2b0: {  	s12 =	sadd.s32 $0x5, s30;
	v18 =	vmul.f32 $5.656854150e+00, v18  }
0x2b1: {  	v21 =	vmov s12;
	v19 =	vmul.f32 $5.656854150e+00, v19  }
0x2b2: {  	[tilespmem:v20+s24+$0x0] =	vst.idx.msk $0xffff, v18;
	v18 =	vshrl.u32 v21, $0x3  }
0x2b3: {  	[tilespmem:v17+s24+$0x0] =	vst.idx.msk $0xffff, v19;
	v17 =	vshll.u32 v18, v1  }
0x2b4: {  	v18 =	vld [tilespmem:s29+$0xFFFFFFB0];
	v17 =	vbroadcast v17, $0x0  }
0x2b5: {  	v19 =	vld [tilespmem:s29+$0xFFFFFFC0]  }
0x2b6: {  	v20 =	vadd.s32 v11, v17  }
0x2b7: {  	v17 =	vadd.s32 v12, v17;
	_ =	sdelay $0x1  }
0x2b8: {  	s12 =	sadd.s32 $0x6, s30;
	v18 =	vmul.f32 $5.656854150e+00, v18  }
0x2b9: {  	v21 =	vmov s12;
	v19 =	vmul.f32 $5.656854150e+00, v19  }
0x2ba: {  	[tilespmem:v20+s24+$0x0] =	vst.idx.msk $0xffff, v18;
	v18 =	vshrl.u32 v21, $0x3  }
0x2bb: {  	[tilespmem:v17+s24+$0x0] =	vst.idx.msk $0xffff, v19;
	v17 =	vshll.u32 v18, v1  }
0x2bc: {  	v18 =	vld [tilespmem:s29+$0xFFFFFFD0];
	v17 =	vbroadcast v17, $0x0  }
0x2bd: {  	v19 =	vld [tilespmem:s29+$0xFFFFFFE0]  }
0x2be: {  	v20 =	vadd.s32 v13, v17  }
0x2bf: {  	v17 =	vadd.s32 v14, v17;
	_ =	sdelay $0x1  }
0x2c0: {  	s12 =	sadd.s32 $0x7, s30;
	s30 =	smov.u32 s0;
	v18 =	vmul.f32 $5.656854150e+00, v18  }
0x2c1: {  	v21 =	vmov s12;
	v19 =	vmul.f32 $5.656854150e+00, v19  }
0x2c2: {  	[tilespmem:v20+s24+$0x0] =	vst.idx.msk $0xffff, v18;
	v18 =	vshrl.u32 v21, $0x3  }
0x2c3: {  	[tilespmem:v17+s24+$0x0] =	vst.idx.msk $0xffff, v19;
	v17 =	vshll.u32 v18, v1  }
0x2c4: {  	v18 =	vld [tilespmem:s29+$0xFFFFFFF0];
	v17 =	vbroadcast v17, $0x0  }
0x2c5: {  	v19 =	vld [tilespmem:s29+$0x0]  }
0x2c6: {  	v20 =	vadd.s32 v15, v17  }
.Ltmp4:
0x2c7: {  	v17 =	vadd.s32 v16, v17;
	(pc) =	sbr.rel @p2 .LBB2_7-.Ltmp4, $4  }
0x2c8: {  	_ = 	snop  }
0x2c9: {  	v21 =	vmul.f32 $5.656854150e+00, v18  }
0x2ca: {  	v22 =	vmov s30;
	v18 =	vmul.f32 $5.656854150e+00, v19  }
0x2cb: {  	v19 =	vshrl.u32 v22, $0x3;
	[tilespmem:v20+s24+$0x0] =	vst.idx.msk $0xffff, v21  }
0x2cc: {  	_ =	sdelay $0x3  }
0x2cd: {  	v19 =	vshll.u32 v19, v1;
	[tilespmem:v17+s24+$0x0] =	vst.idx.msk $0xffff, v18;
	s0 =	sadd.s32 $0x100, s29  }
0x2ce: {  	v17 =	vld [tilespmem:s0+$0xFFFFFF10];
	v18 =	vbroadcast v19, $0x0  }
0x2cf: {  	v19 =	vld [tilespmem:s0+$0xFFFFFF20]  }
0x2d0: {  	v20 =	vadd.s32 v0, v18  }
0x2d1: {  	v18 =	vadd.s32 v2, v18;
	_ =	sdelay $0x1  }
0x2d2: {  	s12 =	sadd.s32 $0x1, s30;
	v17 =	vmul.f32 $5.656854150e+00, v17  }
0x2d3: {  	v21 =	vmov s12;
	v19 =	vmul.f32 $5.656854150e+00, v19  }
0x2d4: {  	[tilespmem:v20+s24+$0x0] =	vst.idx.msk $0xffff, v17;
	v17 =	vshrl.u32 v21, $0x3  }
0x2d5: {  	[tilespmem:v18+s24+$0x0] =	vst.idx.msk $0xffff, v19;
	v17 =	vshll.u32 v17, v1  }
0x2d6: {  	v18 =	vld [tilespmem:s0+$0xFFFFFF30];
	v17 =	vbroadcast v17, $0x0  }
0x2d7: {  	v19 =	vld [tilespmem:s0+$0xFFFFFF40]  }
0x2d8: {  	v20 =	vadd.s32 v3, v17  }
0x2d9: {  	v17 =	vadd.s32 v4, v17;
	_ =	sdelay $0x1  }
0x2da: {  	s31 =	sadd.s32 $0x2, s30;
	v18 =	vmul.f32 $5.656854150e+00, v18  }
0x2db: {  	v50 =	vmov s31;
	v19 =	vmul.f32 $5.656854150e+00, v19  }
0x2dc: {  	[tilespmem:v20+s24+$0x0] =	vst.idx.msk $0xffff, v18;
	v18 =	vshrl.u32 v50, $0x3  }
0x2dd: {  	[tilespmem:v17+s24+$0x0] =	vst.idx.msk $0xffff, v19;
	v17 =	vshll.u32 v18, v1  }
0x2de: {  	v18 =	vld [tilespmem:s0+$0xFFFFFF50];
	v17 =	vbroadcast v17, $0x0  }
0x2df: {  	v19 =	vld [tilespmem:s0+$0xFFFFFF60]  }
0x2e0: {  	v20 =	vadd.s32 v5, v17  }
0x2e1: {  	v17 =	vadd.s32 v6, v17;
	_ =	sdelay $0x1  }
0x2e2: {  	s31 =	sadd.s32 $0x3, s30;
	v18 =	vmul.f32 $5.656854150e+00, v18  }
0x2e3: {  	v51 =	vmov s31;
	v19 =	vmul.f32 $5.656854150e+00, v19  }
0x2e4: {  	[tilespmem:v20+s24+$0x0] =	vst.idx.msk $0xffff, v18;
	v18 =	vshrl.u32 v51, $0x3  }
0x2e5: {  	[tilespmem:v17+s24+$0x0] =	vst.idx.msk $0xffff, v19;
	v17 =	vshll.u32 v18, v1  }
0x2e6: {  	v18 =	vld [tilespmem:s0+$0xFFFFFF70];
	v17 =	vbroadcast v17, $0x0  }
0x2e7: {  	v19 =	vld [tilespmem:s0+$0xFFFFFF80]  }
0x2e8: {  	v20 =	vadd.s32 v7, v17  }
0x2e9: {  	v17 =	vadd.s32 v8, v17;
	_ =	sdelay $0x1  }
0x2ea: {  	s31 =	sadd.s32 $0x4, s30;
	v18 =	vmul.f32 $5.656854150e+00, v18  }
0x2eb: {  	v52 =	vmov s31;
	v19 =	vmul.f32 $5.656854150e+00, v19  }
0x2ec: {  	[tilespmem:v20+s24+$0x0] =	vst.idx.msk $0xffff, v18;
	v18 =	vshrl.u32 v52, $0x3  }
0x2ed: {  	[tilespmem:v17+s24+$0x0] =	vst.idx.msk $0xffff, v19;
	v17 =	vshll.u32 v18, v1  }
0x2ee: {  	v18 =	vld [tilespmem:s0+$0xFFFFFF90];
	v17 =	vbroadcast v17, $0x0  }
0x2ef: {  	v19 =	vld [tilespmem:s0+$0xFFFFFFA0]  }
0x2f0: {  	v20 =	vadd.s32 v9, v17  }
0x2f1: {  	v17 =	vadd.s32 v10, v17;
	_ =	sdelay $0x1  }
0x2f2: {  	s31 =	sadd.s32 $0x5, s30;
	v18 =	vmul.f32 $5.656854150e+00, v18  }
0x2f3: {  	v53 =	vmov s31;
	v19 =	vmul.f32 $5.656854150e+00, v19  }
0x2f4: {  	[tilespmem:v20+s24+$0x0] =	vst.idx.msk $0xffff, v18;
	v18 =	vshrl.u32 v53, $0x3  }
0x2f5: {  	[tilespmem:v17+s24+$0x0] =	vst.idx.msk $0xffff, v19;
	v17 =	vshll.u32 v18, v1  }
0x2f6: {  	v18 =	vld [tilespmem:s0+$0xFFFFFFB0];
	v17 =	vbroadcast v17, $0x0  }
0x2f7: {  	v19 =	vld [tilespmem:s0+$0xFFFFFFC0]  }
0x2f8: {  	v20 =	vadd.s32 v11, v17  }
0x2f9: {  	v17 =	vadd.s32 v12, v17;
	_ =	sdelay $0x1  }
0x2fa: {  	s31 =	sadd.s32 $0x6, s30;
	v18 =	vmul.f32 $5.656854150e+00, v18  }
0x2fb: {  	v54 =	vmov s31;
	v19 =	vmul.f32 $5.656854150e+00, v19  }
0x2fc: {  	[tilespmem:v20+s24+$0x0] =	vst.idx.msk $0xffff, v18;
	v18 =	vshrl.u32 v54, $0x3  }
0x2fd: {  	[tilespmem:v17+s24+$0x0] =	vst.idx.msk $0xffff, v19;
	v17 =	vshll.u32 v18, v1  }
0x2fe: {  	v18 =	vld [tilespmem:s0+$0xFFFFFFD0];
	v17 =	vbroadcast v17, $0x0  }
0x2ff: {  	v19 =	vld [tilespmem:s0+$0xFFFFFFE0]  }
0x300: {  	v20 =	vadd.s32 v13, v17  }
0x301: {  	v17 =	vadd.s32 v14, v17;
	_ =	sdelay $0x1  }
0x302: {  	s31 =	sadd.s32 $0x7, s30;
	v18 =	vmul.f32 $5.656854150e+00, v18  }
0x303: {  	v55 =	vmov s31;
	v19 =	vmul.f32 $5.656854150e+00, v19  }
0x304: {  	[tilespmem:v20+s24+$0x0] =	vst.idx.msk $0xffff, v18;
	v18 =	vshrl.u32 v55, $0x3  }
0x305: {  	[tilespmem:v17+s24+$0x0] =	vst.idx.msk $0xffff, v19;
	v17 =	vshll.u32 v18, v1  }
0x306: {  	v18 =	vld [tilespmem:s0+$0xFFFFFFF0];
	v17 =	vbroadcast v17, $0x0  }
0x307: {  	v19 =	vld [tilespmem:s0+$0x0]  }
0x308: {  	v20 =	vadd.s32 v15, v17  }
0x309: {  	v17 =	vadd.s32 v16, v17;
	_ =	sdelay $0x1  }
0x30a: {  	v18 =	vmul.f32 $5.656854150e+00, v18  }
0x30b: {  	v19 =	vmul.f32 $5.656854150e+00, v19  }
0x30c: {  	[tilespmem:v20+s24+$0x0] =	vst.idx.msk $0xffff, v18  }
0x30d: {  	s0 =	sadd.s32 s26, s8;
	[tilespmem:v17+s24+$0x0] =	vst.idx.msk $0xffff, v19  }
0x30e: {  	[hbm4b:s0+s3] =	stream.linear.scatter [tilespmem:s24], [sflag:$0x7], $0x80, $0x38;
	[tilespmem:$0xE800] =	vst v63  }
0x30f: {  	s29 =	simm.s32 $0xC688;
	s31 =	sadd.s32 $0x10, s0  }
0x310: {  	[hbm4b:s31+s3] =	stream.linear.scatter [tilespmem:s29], [sflag:$0x7], $0x80, $0x38;
	[tilespmem:$0xE800] =	vst v63  }
0x311: {  	s31 =	sadd.s32 $0x20, s0;
	s29 =	simm.s32 $0xC710  }
0x312: {  	[hbm4b:s31+s3] =	stream.linear.scatter [tilespmem:s29], [sflag:$0x7], $0x80, $0x38;
	[tilespmem:$0xE800] =	vst v63  }
0x313: {  	s31 =	sadd.s32 $0x30, s0;
	s29 =	simm.s32 $0xC798  }
0x314: {  	[hbm4b:s31+s3] =	stream.linear.scatter [tilespmem:s29], [sflag:$0x7], $0x80, $0x38;
	[tilespmem:$0xE800] =	vst v63  }
0x315: {  	s31 =	sadd.s32 $0x40, s0;
	s29 =	simm.s32 $0xC820  }
0x316: {  	[hbm4b:s31+s3] =	stream.linear.scatter [tilespmem:s29], [sflag:$0x7], $0x80, $0x38;
	[tilespmem:$0xE800] =	vst v63  }
0x317: {  	s31 =	sadd.s32 $0x50, s0;
	s29 =	simm.s32 $0xC8A8  }
0x318: {  	[hbm4b:s31+s3] =	stream.linear.scatter [tilespmem:s29], [sflag:$0x7], $0x80, $0x38;
	[tilespmem:$0xE800] =	vst v63  }
0x319: {  	s31 =	sadd.s32 $0x60, s0;
	s29 =	simm.s32 $0xC930  }
0x31a: {  	[hbm4b:s31+s3] =	stream.linear.scatter [tilespmem:s29], [sflag:$0x7], $0x80, $0x38;
	[tilespmem:$0xE800] =	vst v63  }
0x31b: {  	s31 =	sadd.s32 $0x70, s0;
	s29 =	simm.s32 $0xC9B8  }
0x31c: {  	[hbm4b:s31+s3] =	stream.linear.scatter [tilespmem:s29], [sflag:$0x7], $0x80, $0x38;
	[tilespmem:$0xE800] =	vst v63  }
0x31d: {  	s31 =	sadd.s32 $0x1000, s0;
	s29 =	simm.s32 $0xCA40  }
0x31e: {  	[hbm4b:s31+s3] =	stream.linear.scatter [tilespmem:s29], [sflag:$0x7], $0x80, $0x38;
	[tilespmem:$0xE800] =	vst v63  }
0x31f: {  	s31 =	sadd.s32 $0x1010, s0;
	s29 =	simm.s32 $0xCAC8  }
0x320: {  	[hbm4b:s31+s3] =	stream.linear.scatter [tilespmem:s29], [sflag:$0x7], $0x80, $0x38;
	[tilespmem:$0xE800] =	vst v63  }
0x321: {  	s31 =	sadd.s32 $0x1020, s0;
	s29 =	simm.s32 $0xCB50  }
0x322: {  	[hbm4b:s31+s3] =	stream.linear.scatter [tilespmem:s29], [sflag:$0x7], $0x80, $0x38;
	[tilespmem:$0xE800] =	vst v63  }
0x323: {  	s31 =	sadd.s32 $0x1030, s0;
	s29 =	simm.s32 $0xCBD8  }
0x324: {  	[hbm4b:s31+s3] =	stream.linear.scatter [tilespmem:s29], [sflag:$0x7], $0x80, $0x38;
	[tilespmem:$0xE800] =	vst v63  }
0x325: {  	s31 =	sadd.s32 $0x1040, s0;
	s29 =	simm.s32 $0xCC60  }
0x326: {  	[hbm4b:s31+s3] =	stream.linear.scatter [tilespmem:s29], [sflag:$0x7], $0x80, $0x38;
	[tilespmem:$0xE800] =	vst v63  }
0x327: {  	s31 =	sadd.s32 $0x1050, s0;
	s29 =	simm.s32 $0xCCE8  }
0x328: {  	[hbm4b:s31+s3] =	stream.linear.scatter [tilespmem:s29], [sflag:$0x7], $0x80, $0x38;
	[tilespmem:$0xE800] =	vst v63  }
0x329: {  	s31 =	sadd.s32 $0x1060, s0;
	s29 =	simm.s32 $0xCD70  }
0x32a: {  	[hbm4b:s31+s3] =	stream.linear.scatter [tilespmem:s29], [sflag:$0x7], $0x80, $0x38;
	[tilespmem:$0xE800] =	vst v63  }
0x32b: {  	s31 =	sadd.s32 $0x1070, s0;
	s29 =	simm.s32 $0xCDF8  }
0x32c: {  	[hbm4b:s31+s3] =	stream.linear.scatter [tilespmem:s29], [sflag:$0x7], $0x80, $0x38;
	[tilespmem:$0xE800] =	vst v63  }
0x32d: {  	s31 =	sadd.s32 $0x2000, s0;
	s29 =	simm.s32 $0xCE80  }
0x32e: {  	[hbm4b:s31+s3] =	stream.linear.scatter [tilespmem:s29], [sflag:$0x7], $0x80, $0x38;
	[tilespmem:$0xE800] =	vst v63  }
0x32f: {  	s31 =	sadd.s32 $0x2010, s0;
	s29 =	simm.s32 $0xCF08  }
0x330: {  	[hbm4b:s31+s3] =	stream.linear.scatter [tilespmem:s29], [sflag:$0x7], $0x80, $0x38;
	[tilespmem:$0xE800] =	vst v63  }
0x331: {  	s31 =	sadd.s32 $0x2020, s0;
	s29 =	simm.s32 $0xCF90  }
0x332: {  	[hbm4b:s31+s3] =	stream.linear.scatter [tilespmem:s29], [sflag:$0x7], $0x80, $0x38;
	[tilespmem:$0xE800] =	vst v63  }
0x333: {  	s31 =	sadd.s32 $0x2030, s0;
	s29 =	simm.s32 $0xD018  }
0x334: {  	[hbm4b:s31+s3] =	stream.linear.scatter [tilespmem:s29], [sflag:$0x7], $0x80, $0x38;
	[tilespmem:$0xE800] =	vst v63  }
0x335: {  	s31 =	sadd.s32 $0x2040, s0;
	s29 =	simm.s32 $0xD0A0  }
0x336: {  	[hbm4b:s31+s3] =	stream.linear.scatter [tilespmem:s29], [sflag:$0x7], $0x80, $0x38;
	[tilespmem:$0xE800] =	vst v63  }
0x337: {  	s31 =	sadd.s32 $0x2050, s0;
	s29 =	simm.s32 $0xD128  }
0x338: {  	[hbm4b:s31+s3] =	stream.linear.scatter [tilespmem:s29], [sflag:$0x7], $0x80, $0x38;
	[tilespmem:$0xE800] =	vst v63  }
0x339: {  	s31 =	sadd.s32 $0x2060, s0;
	s29 =	simm.s32 $0xD1B0  }
0x33a: {  	[hbm4b:s31+s3] =	stream.linear.scatter [tilespmem:s29], [sflag:$0x7], $0x80, $0x38;
	[tilespmem:$0xE800] =	vst v63  }
0x33b: {  	s31 =	sadd.s32 $0x2070, s0;
	s29 =	simm.s32 $0xD238  }
0x33c: {  	[hbm4b:s31+s3] =	stream.linear.scatter [tilespmem:s29], [sflag:$0x7], $0x80, $0x38;
	[tilespmem:$0xE800] =	vst v63  }
0x33d: {  	s31 =	sadd.s32 $0x3000, s0;
	s29 =	simm.s32 $0xD2C0  }
0x33e: {  	[hbm4b:s31+s3] =	stream.linear.scatter [tilespmem:s29], [sflag:$0x7], $0x80, $0x38;
	[tilespmem:$0xE800] =	vst v63  }
0x33f: {  	s31 =	sadd.s32 $0x3010, s0;
	s29 =	simm.s32 $0xD348  }
0x340: {  	[hbm4b:s31+s3] =	stream.linear.scatter [tilespmem:s29], [sflag:$0x7], $0x80, $0x38;
	[tilespmem:$0xE800] =	vst v63  }
0x341: {  	s31 =	sadd.s32 $0x3020, s0;
	s29 =	simm.s32 $0xD3D0  }
0x342: {  	[hbm4b:s31+s3] =	stream.linear.scatter [tilespmem:s29], [sflag:$0x7], $0x80, $0x38;
	[tilespmem:$0xE800] =	vst v63  }
0x343: {  	s31 =	sadd.s32 $0x3030, s0;
	s29 =	simm.s32 $0xD458  }
0x344: {  	[hbm4b:s31+s3] =	stream.linear.scatter [tilespmem:s29], [sflag:$0x7], $0x80, $0x38;
	[tilespmem:$0xE800] =	vst v63  }
0x345: {  	s31 =	sadd.s32 $0x3040, s0;
	s29 =	simm.s32 $0xD4E0  }
0x346: {  	[hbm4b:s31+s3] =	stream.linear.scatter [tilespmem:s29], [sflag:$0x7], $0x80, $0x38;
	[tilespmem:$0xE800] =	vst v63  }
0x347: {  	s31 =	sadd.s32 $0x3050, s0;
	s29 =	simm.s32 $0xD568  }
0x348: {  	[hbm4b:s31+s3] =	stream.linear.scatter [tilespmem:s29], [sflag:$0x7], $0x80, $0x38;
	[tilespmem:$0xE800] =	vst v63  }
0x349: {  	s31 =	sadd.s32 $0x3060, s0;
	s29 =	simm.s32 $0xD5F0  }
0x34a: {  	[hbm4b:s31+s3] =	stream.linear.scatter [tilespmem:s29], [sflag:$0x7], $0x80, $0x38;
	[tilespmem:$0xE800] =	vst v63  }
0x34b: {  	s0 =	sadd.s32 $0x3070, s0;
	s31 =	simm.s32 $0xD678  }
0x34c: {  	[hbm4b:s0+s3] =	stream.linear.scatter [tilespmem:s31], [sflag:$0x7], $0x80, $0x38;
	[tilespmem:$0xE800] =	vst v63  }
0x34d: {  	s0 =	sadd.s32 @!p0 $0x300, s28  }
0x34e: {  	s12 =	simm.s32 @!p0 $0x80;
	s28 =	simm.s32 @!p0 $0x8400;
	s0 =	sand.u32 @!p0 $0xFF00, s0  }
0x34f: {  	[tilespmem:s28], [sflag:$0x3] =	stream.indirect.gather @!p0 [hbm4b:s5+s12], $0x20, s0, s12, $0xb8;
	[tilespmem:$0xE800] =	vst v63  }
0x350: {  	_ =	swait.ge @p1 [sflag:s2], $0x1000  }
0x351: {  	[sflag:s2] =	ssyncset.done @p1 $0x0  }
0x352: {  	s12 =	simm.s32 $0x0;
	[sflag:s2] =	ssyncadd.s32 @p1 $0xFFFFF000  }
0x353: {  	v17 =	vmov s12;
	_ =	swait.ge [sflag:s6], $0x1000  }
0x354: {  	v17 =	vshrl.u32 v17, $0x3;
	[sflag:s6] =	ssyncset.done $0x0  }
0x355: {  	s28 =	simm.s32 $0x94F0;
	v17 =	vshll.u32 v17, v1;
	[sflag:s6] =	ssyncadd.s32 $0xFFFFF000  }
0x356: {  	v17 =	vbroadcast v17, $0x0;
	v18 =	vld [tilespmem:s28+$0xFFFFFF10]  }
0x357: {  	v19 =	vld [tilespmem:s28+$0xFFFFFF20]  }
0x358: {  	v20 =	vadd.s32 v0, v17  }
0x359: {  	v17 =	vadd.s32 v2, v17;
	_ =	sdelay $0x1  }
0x35a: {  	s31 =	simm.s32 $0x1;
	v18 =	vmul.f32 $5.656854150e+00, v18  }
0x35b: {  	v56 =	vmov s31;
	v19 =	vmul.f32 $5.656854150e+00, v19  }
0x35c: {  	[tilespmem:v20+s10+$0x0] =	vst.idx.msk $0xffff, v18;
	v18 =	vshrl.u32 v56, $0x3  }
0x35d: {  	[tilespmem:v17+s10+$0x0] =	vst.idx.msk $0xffff, v19;
	v17 =	vshll.u32 v18, v1  }
0x35e: {  	v18 =	vld [tilespmem:s28+$0xFFFFFF30];
	v17 =	vbroadcast v17, $0x0  }
0x35f: {  	v19 =	vld [tilespmem:s28+$0xFFFFFF40]  }
0x360: {  	v20 =	vadd.s32 v3, v17  }
0x361: {  	v17 =	vadd.s32 v4, v17;
	_ =	sdelay $0x1  }
0x362: {  	s12 =	simm.s32 $0x2;
	v18 =	vmul.f32 $5.656854150e+00, v18  }
0x363: {  	v57 =	vmov s12;
	v19 =	vmul.f32 $5.656854150e+00, v19  }
0x364: {  	[tilespmem:v20+s10+$0x0] =	vst.idx.msk $0xffff, v18;
	v18 =	vshrl.u32 v57, $0x3  }
0x365: {  	[tilespmem:v17+s10+$0x0] =	vst.idx.msk $0xffff, v19;
	v17 =	vshll.u32 v18, v1  }
0x366: {  	v18 =	vld [tilespmem:s28+$0xFFFFFF50];
	v17 =	vbroadcast v17, $0x0  }
0x367: {  	v19 =	vld [tilespmem:s28+$0xFFFFFF60]  }
0x368: {  	v20 =	vadd.s32 v5, v17  }
0x369: {  	v17 =	vadd.s32 v6, v17;
	_ =	sdelay $0x1  }
0x36a: {  	s31 =	simm.s32 $0x3;
	v18 =	vmul.f32 $5.656854150e+00, v18  }
0x36b: {  	v58 =	vmov s31;
	v19 =	vmul.f32 $5.656854150e+00, v19  }
0x36c: {  	[tilespmem:v20+s10+$0x0] =	vst.idx.msk $0xffff, v18;
	v18 =	vshrl.u32 v58, $0x3  }
0x36d: {  	[tilespmem:v17+s10+$0x0] =	vst.idx.msk $0xffff, v19;
	v17 =	vshll.u32 v18, v1  }
0x36e: {  	v18 =	vld [tilespmem:s28+$0xFFFFFF70];
	v17 =	vbroadcast v17, $0x0  }
0x36f: {  	v19 =	vld [tilespmem:s28+$0xFFFFFF80]  }
0x370: {  	v20 =	vadd.s32 v7, v17  }
0x371: {  	v17 =	vadd.s32 v8, v17;
	_ =	sdelay $0x1  }
0x372: {  	s12 =	simm.s32 $0x4;
	v18 =	vmul.f32 $5.656854150e+00, v18  }
0x373: {  	v59 =	vmov s12;
	v19 =	vmul.f32 $5.656854150e+00, v19  }
0x374: {  	[tilespmem:v20+s10+$0x0] =	vst.idx.msk $0xffff, v18;
	v18 =	vshrl.u32 v59, $0x3  }
0x375: {  	[tilespmem:v17+s10+$0x0] =	vst.idx.msk $0xffff, v19;
	v17 =	vshll.u32 v18, v1  }
0x376: {  	v18 =	vld [tilespmem:s28+$0xFFFFFF90];
	v17 =	vbroadcast v17, $0x0  }
0x377: {  	v19 =	vld [tilespmem:s28+$0xFFFFFFA0]  }
0x378: {  	v20 =	vadd.s32 v9, v17  }
0x379: {  	v17 =	vadd.s32 v10, v17;
	_ =	sdelay $0x1  }
0x37a: {  	s31 =	simm.s32 $0x5;
	v18 =	vmul.f32 $5.656854150e+00, v18  }
0x37b: {  	v60 =	vmov s31;
	v19 =	vmul.f32 $5.656854150e+00, v19  }
0x37c: {  	[tilespmem:v20+s10+$0x0] =	vst.idx.msk $0xffff, v18;
	v18 =	vshrl.u32 v60, $0x3  }
0x37d: {  	[tilespmem:v17+s10+$0x0] =	vst.idx.msk $0xffff, v19;
	v17 =	vshll.u32 v18, v1  }
0x37e: {  	v18 =	vld [tilespmem:s28+$0xFFFFFFB0];
	v17 =	vbroadcast v17, $0x0  }
0x37f: {  	v19 =	vld [tilespmem:s28+$0xFFFFFFC0]  }
0x380: {  	v20 =	vadd.s32 v11, v17  }
0x381: {  	v17 =	vadd.s32 v12, v17;
	_ =	sdelay $0x1  }
0x382: {  	s12 =	simm.s32 $0x6;
	v18 =	vmul.f32 $5.656854150e+00, v18  }
0x383: {  	v61 =	vmov s12;
	v19 =	vmul.f32 $5.656854150e+00, v19  }
0x384: {  	[tilespmem:v20+s10+$0x0] =	vst.idx.msk $0xffff, v18;
	v18 =	vshrl.u32 v61, $0x3  }
0x385: {  	[tilespmem:v17+s10+$0x0] =	vst.idx.msk $0xffff, v19;
	v17 =	vshll.u32 v18, v1  }
0x386: {  	v18 =	vld [tilespmem:s28+$0xFFFFFFD0];
	v17 =	vbroadcast v17, $0x0  }
0x387: {  	v19 =	vld [tilespmem:s28+$0xFFFFFFE0]  }
0x388: {  	v20 =	vadd.s32 v13, v17  }
0x389: {  	v17 =	vadd.s32 v14, v17;
	_ =	sdelay $0x1  }
0x38a: {  	s31 =	simm.s32 $0x7;
	v18 =	vmul.f32 $5.656854150e+00, v18  }
0x38b: {  	v62 =	vmov s31;
	v19 =	vmul.f32 $5.656854150e+00, v19  }
0x38c: {  	[tilespmem:v20+s10+$0x0] =	vst.idx.msk $0xffff, v18;
	v18 =	vshrl.u32 v62, $0x3  }
0x38d: {  	[tilespmem:v17+s10+$0x0] =	vst.idx.msk $0xffff, v19;
	v17 =	vshll.u32 v18, v1  }
0x38e: {  	v18 =	vld [tilespmem:s28+$0xFFFFFFF0];
	v17 =	vbroadcast v17, $0x0;
	_ =	sdelay $0x1  }
0x38f: {  	v19 =	vld [tilespmem:s28+$0x0];
	v20 =	vadd.s32 v15, v17;
	_ =	sdelay $0x1  }
0x390: {  	v17 =	vadd.s32 v16, v17  }
0x391: {  	s29 =	simm.s32 $0x8;
	v63 =	vmul.f32 $5.656854150e+00, v18  }
0x392: {  	v22 =	vmov s29  }
0x393: {  	s30 =	simm.s32 $0x10;
	v18 =	vmul.f32 $5.656854150e+00, v19;
	v19 =	vshrl.u32 v22, $0x3;
	[tilespmem:v20+s10+$0x0] =	vst.idx.msk $0xffff, v63  }
.LBB2_9:
0x394: {  	p1 =	slt.u32 s30, $0x78  }
0x395: {  	v19 =	vshll.u32 v19, v1;
	[tilespmem:v17+s10+$0x0] =	vst.idx.msk $0xffff, v18;
	s28 =	sadd.s32 $0x100, s28;
	s0 =	smov.u32 s30;
	s30 =	sadd.s32 $0x8, s30  }
0x396: {  	v17 =	vld [tilespmem:s28+$0xFFFFFF10];
	v18 =	vbroadcast v19, $0x0  }
0x397: {  	v19 =	vld [tilespmem:s28+$0xFFFFFF20]  }
0x398: {  	v20 =	vadd.s32 v0, v18  }
0x399: {  	v18 =	vadd.s32 v2, v18;
	_ =	sdelay $0x1  }
0x39a: {  	s12 =	sadd.s32 $0x1, s29;
	v17 =	vmul.f32 $5.656854150e+00, v17  }
0x39b: {  	v21 =	vmov s12;
	v19 =	vmul.f32 $5.656854150e+00, v19  }
0x39c: {  	[tilespmem:v20+s10+$0x0] =	vst.idx.msk $0xffff, v17;
	v17 =	vshrl.u32 v21, $0x3  }
0x39d: {  	[tilespmem:v18+s10+$0x0] =	vst.idx.msk $0xffff, v19;
	v17 =	vshll.u32 v17, v1  }
0x39e: {  	v18 =	vld [tilespmem:s28+$0xFFFFFF30];
	v17 =	vbroadcast v17, $0x0  }
0x39f: {  	v19 =	vld [tilespmem:s28+$0xFFFFFF40]  }
0x3a0: {  	v20 =	vadd.s32 v3, v17  }
0x3a1: {  	v17 =	vadd.s32 v4, v17;
	_ =	sdelay $0x1  }
0x3a2: {  	s12 =	sadd.s32 $0x2, s29;
	v18 =	vmul.f32 $5.656854150e+00, v18  }
0x3a3: {  	v21 =	vmov s12;
	v19 =	vmul.f32 $5.656854150e+00, v19  }
0x3a4: {  	[tilespmem:v20+s10+$0x0] =	vst.idx.msk $0xffff, v18;
	v18 =	vshrl.u32 v21, $0x3  }
0x3a5: {  	[tilespmem:v17+s10+$0x0] =	vst.idx.msk $0xffff, v19;
	v17 =	vshll.u32 v18, v1  }
0x3a6: {  	v18 =	vld [tilespmem:s28+$0xFFFFFF50];
	v17 =	vbroadcast v17, $0x0  }
0x3a7: {  	v19 =	vld [tilespmem:s28+$0xFFFFFF60]  }
0x3a8: {  	v20 =	vadd.s32 v5, v17  }
0x3a9: {  	v17 =	vadd.s32 v6, v17;
	_ =	sdelay $0x1  }
0x3aa: {  	s12 =	sadd.s32 $0x3, s29;
	v18 =	vmul.f32 $5.656854150e+00, v18  }
0x3ab: {  	v21 =	vmov s12;
	v19 =	vmul.f32 $5.656854150e+00, v19  }
0x3ac: {  	[tilespmem:v20+s10+$0x0] =	vst.idx.msk $0xffff, v18;
	v18 =	vshrl.u32 v21, $0x3  }
0x3ad: {  	[tilespmem:v17+s10+$0x0] =	vst.idx.msk $0xffff, v19;
	v17 =	vshll.u32 v18, v1  }
0x3ae: {  	v18 =	vld [tilespmem:s28+$0xFFFFFF70];
	v17 =	vbroadcast v17, $0x0  }
0x3af: {  	v19 =	vld [tilespmem:s28+$0xFFFFFF80]  }
0x3b0: {  	v20 =	vadd.s32 v7, v17  }
0x3b1: {  	v17 =	vadd.s32 v8, v17;
	_ =	sdelay $0x1  }
0x3b2: {  	s12 =	sadd.s32 $0x4, s29;
	v18 =	vmul.f32 $5.656854150e+00, v18  }
0x3b3: {  	v21 =	vmov s12;
	v19 =	vmul.f32 $5.656854150e+00, v19  }
0x3b4: {  	[tilespmem:v20+s10+$0x0] =	vst.idx.msk $0xffff, v18;
	v18 =	vshrl.u32 v21, $0x3  }
0x3b5: {  	[tilespmem:v17+s10+$0x0] =	vst.idx.msk $0xffff, v19;
	v17 =	vshll.u32 v18, v1  }
0x3b6: {  	v18 =	vld [tilespmem:s28+$0xFFFFFF90];
	v17 =	vbroadcast v17, $0x0  }
0x3b7: {  	v19 =	vld [tilespmem:s28+$0xFFFFFFA0]  }
0x3b8: {  	v20 =	vadd.s32 v9, v17  }
0x3b9: {  	v17 =	vadd.s32 v10, v17;
	_ =	sdelay $0x1  }
0x3ba: {  	s12 =	sadd.s32 $0x5, s29;
	v18 =	vmul.f32 $5.656854150e+00, v18  }
0x3bb: {  	v21 =	vmov s12;
	v19 =	vmul.f32 $5.656854150e+00, v19  }
0x3bc: {  	[tilespmem:v20+s10+$0x0] =	vst.idx.msk $0xffff, v18;
	v18 =	vshrl.u32 v21, $0x3  }
0x3bd: {  	[tilespmem:v17+s10+$0x0] =	vst.idx.msk $0xffff, v19;
	v17 =	vshll.u32 v18, v1  }
0x3be: {  	v18 =	vld [tilespmem:s28+$0xFFFFFFB0];
	v17 =	vbroadcast v17, $0x0  }
0x3bf: {  	v19 =	vld [tilespmem:s28+$0xFFFFFFC0]  }
0x3c0: {  	v20 =	vadd.s32 v11, v17  }
0x3c1: {  	v17 =	vadd.s32 v12, v17;
	_ =	sdelay $0x1  }
0x3c2: {  	s12 =	sadd.s32 $0x6, s29;
	v18 =	vmul.f32 $5.656854150e+00, v18  }
0x3c3: {  	v21 =	vmov s12;
	v19 =	vmul.f32 $5.656854150e+00, v19  }
0x3c4: {  	[tilespmem:v20+s10+$0x0] =	vst.idx.msk $0xffff, v18;
	v18 =	vshrl.u32 v21, $0x3  }
0x3c5: {  	[tilespmem:v17+s10+$0x0] =	vst.idx.msk $0xffff, v19;
	v17 =	vshll.u32 v18, v1  }
0x3c6: {  	v18 =	vld [tilespmem:s28+$0xFFFFFFD0];
	v17 =	vbroadcast v17, $0x0  }
0x3c7: {  	v19 =	vld [tilespmem:s28+$0xFFFFFFE0]  }
0x3c8: {  	v20 =	vadd.s32 v13, v17  }
0x3c9: {  	v17 =	vadd.s32 v14, v17;
	_ =	sdelay $0x1  }
0x3ca: {  	s12 =	sadd.s32 $0x7, s29;
	s29 =	smov.u32 s0;
	v18 =	vmul.f32 $5.656854150e+00, v18  }
0x3cb: {  	v21 =	vmov s12;
	v19 =	vmul.f32 $5.656854150e+00, v19  }
0x3cc: {  	[tilespmem:v20+s10+$0x0] =	vst.idx.msk $0xffff, v18;
	v18 =	vshrl.u32 v21, $0x3  }
0x3cd: {  	[tilespmem:v17+s10+$0x0] =	vst.idx.msk $0xffff, v19;
	v17 =	vshll.u32 v18, v1  }
0x3ce: {  	v18 =	vld [tilespmem:s28+$0xFFFFFFF0];
	v17 =	vbroadcast v17, $0x0  }
0x3cf: {  	v19 =	vld [tilespmem:s28+$0x0]  }
0x3d0: {  	v20 =	vadd.s32 v15, v17  }
.Ltmp5:
0x3d1: {  	v17 =	vadd.s32 v16, v17;
	(pc) =	sbr.rel @p1 .LBB2_9-.Ltmp5, $4  }
0x3d2: {  	_ = 	snop  }
0x3d3: {  	v21 =	vmul.f32 $5.656854150e+00, v18  }
0x3d4: {  	v22 =	vmov s29;
	v18 =	vmul.f32 $5.656854150e+00, v19  }
0x3d5: {  	v19 =	vshrl.u32 v22, $0x3;
	[tilespmem:v20+s10+$0x0] =	vst.idx.msk $0xffff, v21  }
0x3d6: {  	_ =	sdelay $0x3  }
0x3d7: {  	v19 =	vshll.u32 v19, v1;
	[tilespmem:v17+s10+$0x0] =	vst.idx.msk $0xffff, v18;
	s0 =	sadd.s32 $0x100, s28  }
0x3d8: {  	v17 =	vld [tilespmem:s0+$0xFFFFFF10];
	v18 =	vbroadcast v19, $0x0  }
0x3d9: {  	v19 =	vld [tilespmem:s0+$0xFFFFFF20]  }
0x3da: {  	v20 =	vadd.s32 v0, v18  }
0x3db: {  	v18 =	vadd.s32 v2, v18;
	_ =	sdelay $0x1  }
0x3dc: {  	s12 =	sadd.s32 $0x1, s29;
	v17 =	vmul.f32 $5.656854150e+00, v17  }
0x3dd: {  	v21 =	vmov s12;
	v19 =	vmul.f32 $5.656854150e+00, v19  }
0x3de: {  	[tilespmem:v20+s10+$0x0] =	vst.idx.msk $0xffff, v17;
	v17 =	vshrl.u32 v21, $0x3  }
0x3df: {  	[tilespmem:v18+s10+$0x0] =	vst.idx.msk $0xffff, v19;
	v17 =	vshll.u32 v17, v1  }
0x3e0: {  	v18 =	vld [tilespmem:s0+$0xFFFFFF30];
	v17 =	vbroadcast v17, $0x0  }
0x3e1: {  	v19 =	vld [tilespmem:s0+$0xFFFFFF40]  }
0x3e2: {  	v51 =	vadd.s32 v3, v17  }
0x3e3: {  	v17 =	vadd.s32 v4, v17;
	_ =	sdelay $0x1  }
0x3e4: {  	s28 =	sadd.s32 $0x2, s29;
	v18 =	vmul.f32 $5.656854150e+00, v18  }
0x3e5: {  	v52 =	vmov s28;
	v19 =	vmul.f32 $5.656854150e+00, v19  }
0x3e6: {  	[tilespmem:v51+s10+$0x0] =	vst.idx.msk $0xffff, v18;
	v18 =	vshrl.u32 v52, $0x3  }
0x3e7: {  	[tilespmem:v17+s10+$0x0] =	vst.idx.msk $0xffff, v19;
	v17 =	vshll.u32 v18, v1  }
0x3e8: {  	v18 =	vld [tilespmem:s0+$0xFFFFFF50];
	v17 =	vbroadcast v17, $0x0  }
0x3e9: {  	v19 =	vld [tilespmem:s0+$0xFFFFFF60]  }
0x3ea: {  	v53 =	vadd.s32 v5, v17  }
0x3eb: {  	v17 =	vadd.s32 v6, v17;
	_ =	sdelay $0x1  }
0x3ec: {  	s30 =	sadd.s32 $0x3, s29;
	v18 =	vmul.f32 $5.656854150e+00, v18  }
0x3ed: {  	v54 =	vmov s30;
	v19 =	vmul.f32 $5.656854150e+00, v19  }
0x3ee: {  	[tilespmem:v53+s10+$0x0] =	vst.idx.msk $0xffff, v18;
	v18 =	vshrl.u32 v54, $0x3  }
0x3ef: {  	[tilespmem:v17+s10+$0x0] =	vst.idx.msk $0xffff, v19;
	v17 =	vshll.u32 v18, v1  }
0x3f0: {  	v18 =	vld [tilespmem:s0+$0xFFFFFF70];
	v17 =	vbroadcast v17, $0x0  }
0x3f1: {  	v19 =	vld [tilespmem:s0+$0xFFFFFF80]  }
0x3f2: {  	v55 =	vadd.s32 v7, v17  }
0x3f3: {  	v17 =	vadd.s32 v8, v17;
	_ =	sdelay $0x1  }
0x3f4: {  	s31 =	sadd.s32 $0x4, s29;
	v18 =	vmul.f32 $5.656854150e+00, v18  }
0x3f5: {  	v56 =	vmov s31;
	v19 =	vmul.f32 $5.656854150e+00, v19  }
0x3f6: {  	[tilespmem:v55+s10+$0x0] =	vst.idx.msk $0xffff, v18;
	v18 =	vshrl.u32 v56, $0x3  }
0x3f7: {  	[tilespmem:v17+s10+$0x0] =	vst.idx.msk $0xffff, v19;
	v17 =	vshll.u32 v18, v1  }
0x3f8: {  	v18 =	vld [tilespmem:s0+$0xFFFFFF90];
	v17 =	vbroadcast v17, $0x0  }
0x3f9: {  	v19 =	vld [tilespmem:s0+$0xFFFFFFA0]  }
0x3fa: {  	v57 =	vadd.s32 v9, v17  }
0x3fb: {  	v17 =	vadd.s32 v10, v17;
	_ =	sdelay $0x1  }
0x3fc: {  	s28 =	sadd.s32 $0x5, s29;
	v18 =	vmul.f32 $5.656854150e+00, v18  }
0x3fd: {  	v58 =	vmov s28;
	v19 =	vmul.f32 $5.656854150e+00, v19  }
0x3fe: {  	[tilespmem:v57+s10+$0x0] =	vst.idx.msk $0xffff, v18;
	v18 =	vshrl.u32 v58, $0x3  }
0x3ff: {  	[tilespmem:v17+s10+$0x0] =	vst.idx.msk $0xffff, v19;
	v17 =	vshll.u32 v18, v1  }
0x400: {  	v18 =	vld [tilespmem:s0+$0xFFFFFFB0];
	v17 =	vbroadcast v17, $0x0  }
0x401: {  	v19 =	vld [tilespmem:s0+$0xFFFFFFC0]  }
0x402: {  	v59 =	vadd.s32 v11, v17  }
0x403: {  	v17 =	vadd.s32 v12, v17;
	_ =	sdelay $0x1  }
0x404: {  	s30 =	sadd.s32 $0x6, s29;
	v18 =	vmul.f32 $5.656854150e+00, v18  }
0x405: {  	v60 =	vmov s30;
	v19 =	vmul.f32 $5.656854150e+00, v19  }
0x406: {  	[tilespmem:v59+s10+$0x0] =	vst.idx.msk $0xffff, v18;
	v18 =	vshrl.u32 v60, $0x3  }
0x407: {  	[tilespmem:v17+s10+$0x0] =	vst.idx.msk $0xffff, v19;
	v17 =	vshll.u32 v18, v1  }
0x408: {  	v18 =	vld [tilespmem:s0+$0xFFFFFFD0];
	v17 =	vbroadcast v17, $0x0  }
0x409: {  	v19 =	vld [tilespmem:s0+$0xFFFFFFE0]  }
0x40a: {  	v61 =	vadd.s32 v13, v17  }
0x40b: {  	v17 =	vadd.s32 v14, v17;
	_ =	sdelay $0x1  }
0x40c: {  	s31 =	sadd.s32 $0x7, s29;
	v18 =	vmul.f32 $5.656854150e+00, v18  }
0x40d: {  	v62 =	vmov s31;
	v19 =	vmul.f32 $5.656854150e+00, v19  }
0x40e: {  	[tilespmem:v61+s10+$0x0] =	vst.idx.msk $0xffff, v18;
	v18 =	vshrl.u32 v62, $0x3  }
0x40f: {  	[tilespmem:v17+s10+$0x0] =	vst.idx.msk $0xffff, v19;
	v17 =	vshll.u32 v18, v1  }
0x410: {  	v18 =	vld [tilespmem:s0+$0xFFFFFFF0];
	v17 =	vbroadcast v17, $0x0  }
0x411: {  	v19 =	vld [tilespmem:s0+$0x0]  }
0x412: {  	v63 =	vadd.s32 v15, v17  }
0x413: {  	v17 =	vadd.s32 v16, v17;
	_ =	sdelay $0x1  }
0x414: {  	v18 =	vmul.f32 $5.656854150e+00, v18  }
0x415: {  	v19 =	vmul.f32 $5.656854150e+00, v19  }
0x416: {  	[tilespmem:v63+s10+$0x0] =	vst.idx.msk $0xffff, v18  }
0x417: {  	s0 =	sadd.s32 s26, s9;
	[tilespmem:v17+s10+$0x0] =	vst.idx.msk $0xffff, v19  }
0x418: {  	[hbm4b:s0+s3] =	stream.linear.scatter [tilespmem:s10], [sflag:$0x8], $0x80, $0x38;
	[tilespmem:$0xE800] =	vst v63  }
0x419: {  	s29 =	simm.s32 $0xD788;
	s28 =	sadd.s32 $0x10, s0  }
0x41a: {  	[hbm4b:s28+s3] =	stream.linear.scatter [tilespmem:s29], [sflag:$0x8], $0x80, $0x38;
	[tilespmem:$0xE800] =	vst v63  }
0x41b: {  	s31 =	simm.s32 $0xD810;
	s30 =	sadd.s32 $0x20, s0  }
0x41c: {  	[hbm4b:s30+s3] =	stream.linear.scatter [tilespmem:s31], [sflag:$0x8], $0x80, $0x38;
	[tilespmem:$0xE800] =	vst v63  }
0x41d: {  	s28 =	sadd.s32 $0x30, s0;
	s29 =	simm.s32 $0xD898  }
0x41e: {  	[hbm4b:s28+s3] =	stream.linear.scatter [tilespmem:s29], [sflag:$0x8], $0x80, $0x38;
	[tilespmem:$0xE800] =	vst v63  }
0x41f: {  	s30 =	sadd.s32 $0x40, s0;
	s31 =	simm.s32 $0xD920  }
0x420: {  	[hbm4b:s30+s3] =	stream.linear.scatter [tilespmem:s31], [sflag:$0x8], $0x80, $0x38;
	[tilespmem:$0xE800] =	vst v63  }
0x421: {  	s28 =	sadd.s32 $0x50, s0;
	s29 =	simm.s32 $0xD9A8  }
0x422: {  	[hbm4b:s28+s3] =	stream.linear.scatter [tilespmem:s29], [sflag:$0x8], $0x80, $0x38;
	[tilespmem:$0xE800] =	vst v63  }
0x423: {  	s30 =	sadd.s32 $0x60, s0;
	s31 =	simm.s32 $0xDA30  }
0x424: {  	[hbm4b:s30+s3] =	stream.linear.scatter [tilespmem:s31], [sflag:$0x8], $0x80, $0x38;
	[tilespmem:$0xE800] =	vst v63  }
0x425: {  	s28 =	sadd.s32 $0x70, s0;
	s29 =	simm.s32 $0xDAB8  }
0x426: {  	[hbm4b:s28+s3] =	stream.linear.scatter [tilespmem:s29], [sflag:$0x8], $0x80, $0x38;
	[tilespmem:$0xE800] =	vst v63  }
0x427: {  	s30 =	sadd.s32 $0x1000, s0;
	s31 =	simm.s32 $0xDB40  }
0x428: {  	[hbm4b:s30+s3] =	stream.linear.scatter [tilespmem:s31], [sflag:$0x8], $0x80, $0x38;
	[tilespmem:$0xE800] =	vst v63  }
0x429: {  	s28 =	sadd.s32 $0x1010, s0;
	s29 =	simm.s32 $0xDBC8  }
0x42a: {  	[hbm4b:s28+s3] =	stream.linear.scatter [tilespmem:s29], [sflag:$0x8], $0x80, $0x38;
	[tilespmem:$0xE800] =	vst v63  }
0x42b: {  	s30 =	sadd.s32 $0x1020, s0;
	s31 =	simm.s32 $0xDC50  }
0x42c: {  	[hbm4b:s30+s3] =	stream.linear.scatter [tilespmem:s31], [sflag:$0x8], $0x80, $0x38;
	[tilespmem:$0xE800] =	vst v63  }
0x42d: {  	s28 =	sadd.s32 $0x1030, s0;
	s29 =	simm.s32 $0xDCD8  }
0x42e: {  	[hbm4b:s28+s3] =	stream.linear.scatter [tilespmem:s29], [sflag:$0x8], $0x80, $0x38;
	[tilespmem:$0xE800] =	vst v63  }
0x42f: {  	s30 =	sadd.s32 $0x1040, s0;
	s31 =	simm.s32 $0xDD60  }
0x430: {  	[hbm4b:s30+s3] =	stream.linear.scatter [tilespmem:s31], [sflag:$0x8], $0x80, $0x38;
	[tilespmem:$0xE800] =	vst v63  }
0x431: {  	s28 =	sadd.s32 $0x1050, s0;
	s29 =	simm.s32 $0xDDE8  }
0x432: {  	[hbm4b:s28+s3] =	stream.linear.scatter [tilespmem:s29], [sflag:$0x8], $0x80, $0x38;
	[tilespmem:$0xE800] =	vst v63  }
0x433: {  	s30 =	sadd.s32 $0x1060, s0;
	s31 =	simm.s32 $0xDE70  }
0x434: {  	[hbm4b:s30+s3] =	stream.linear.scatter [tilespmem:s31], [sflag:$0x8], $0x80, $0x38;
	[tilespmem:$0xE800] =	vst v63  }
0x435: {  	s28 =	sadd.s32 $0x1070, s0;
	s29 =	simm.s32 $0xDEF8  }
0x436: {  	[hbm4b:s28+s3] =	stream.linear.scatter [tilespmem:s29], [sflag:$0x8], $0x80, $0x38;
	[tilespmem:$0xE800] =	vst v63  }
0x437: {  	s30 =	sadd.s32 $0x2000, s0;
	s31 =	simm.s32 $0xDF80  }
0x438: {  	[hbm4b:s30+s3] =	stream.linear.scatter [tilespmem:s31], [sflag:$0x8], $0x80, $0x38;
	[tilespmem:$0xE800] =	vst v63  }
0x439: {  	s28 =	sadd.s32 $0x2010, s0;
	s29 =	simm.s32 $0xE008  }
0x43a: {  	[hbm4b:s28+s3] =	stream.linear.scatter [tilespmem:s29], [sflag:$0x8], $0x80, $0x38;
	[tilespmem:$0xE800] =	vst v63  }
0x43b: {  	s30 =	sadd.s32 $0x2020, s0;
	s31 =	simm.s32 $0xE090  }
0x43c: {  	[hbm4b:s30+s3] =	stream.linear.scatter [tilespmem:s31], [sflag:$0x8], $0x80, $0x38;
	[tilespmem:$0xE800] =	vst v63  }
0x43d: {  	s28 =	sadd.s32 $0x2030, s0;
	s29 =	simm.s32 $0xE118  }
0x43e: {  	[hbm4b:s28+s3] =	stream.linear.scatter [tilespmem:s29], [sflag:$0x8], $0x80, $0x38;
	[tilespmem:$0xE800] =	vst v63  }
0x43f: {  	s30 =	sadd.s32 $0x2040, s0;
	s31 =	simm.s32 $0xE1A0  }
0x440: {  	[hbm4b:s30+s3] =	stream.linear.scatter [tilespmem:s31], [sflag:$0x8], $0x80, $0x38;
	[tilespmem:$0xE800] =	vst v63  }
0x441: {  	s28 =	sadd.s32 $0x2050, s0;
	s29 =	simm.s32 $0xE228  }
0x442: {  	[hbm4b:s28+s3] =	stream.linear.scatter [tilespmem:s29], [sflag:$0x8], $0x80, $0x38;
	[tilespmem:$0xE800] =	vst v63  }
0x443: {  	s30 =	sadd.s32 $0x2060, s0;
	s31 =	simm.s32 $0xE2B0  }
0x444: {  	[hbm4b:s30+s3] =	stream.linear.scatter [tilespmem:s31], [sflag:$0x8], $0x80, $0x38;
	[tilespmem:$0xE800] =	vst v63  }
0x445: {  	s28 =	sadd.s32 $0x2070, s0;
	s29 =	simm.s32 $0xE338  }
0x446: {  	[hbm4b:s28+s3] =	stream.linear.scatter [tilespmem:s29], [sflag:$0x8], $0x80, $0x38;
	[tilespmem:$0xE800] =	vst v63  }
0x447: {  	s30 =	sadd.s32 $0x3000, s0;
	s31 =	simm.s32 $0xE3C0  }
0x448: {  	[hbm4b:s30+s3] =	stream.linear.scatter [tilespmem:s31], [sflag:$0x8], $0x80, $0x38;
	[tilespmem:$0xE800] =	vst v63  }
0x449: {  	s28 =	sadd.s32 $0x3010, s0;
	s29 =	simm.s32 $0xE448  }
0x44a: {  	[hbm4b:s28+s3] =	stream.linear.scatter [tilespmem:s29], [sflag:$0x8], $0x80, $0x38;
	[tilespmem:$0xE800] =	vst v63  }
0x44b: {  	s30 =	sadd.s32 $0x3020, s0;
	s31 =	simm.s32 $0xE4D0  }
0x44c: {  	[hbm4b:s30+s3] =	stream.linear.scatter [tilespmem:s31], [sflag:$0x8], $0x80, $0x38;
	[tilespmem:$0xE800] =	vst v63  }
0x44d: {  	s26 =	sadd.s32 $0x3030, s0;
	s28 =	simm.s32 $0xE558  }
0x44e: {  	[hbm4b:s26+s3] =	stream.linear.scatter [tilespmem:s28], [sflag:$0x8], $0x80, $0x38;
	[tilespmem:$0xE800] =	vst v63  }
0x44f: {  	s29 =	sadd.s32 $0x3040, s0  }
0x450: {  	[hbm4b:s29+s3] =	stream.linear.scatter [tilespmem:s15], [sflag:$0x8], $0x80, $0x38;
	[tilespmem:$0xE800] =	vst v63  }
0x451: {  	s30 =	sadd.s32 $0x3050, s0  }
0x452: {  	[hbm4b:s30+s3] =	stream.linear.scatter [tilespmem:s16], [sflag:$0x8], $0x80, $0x38;
	[tilespmem:$0xE800] =	vst v63  }
.Ltmp6:
0x453: {  	_ = 	snop;
	(pc) =	sbr.rel @p0 .LBB2_12-.Ltmp6, $4  }
0x454: {  	s31 =	sadd.s32 $0x3060, s0  }
0x455: {  	[hbm4b:s31+s3] =	stream.linear.scatter [tilespmem:s17], [sflag:$0x8], $0x80, $0x38;
	[tilespmem:$0xE800] =	vst v63  }
0x456: {  	s0 =	sadd.s32 $0x3070, s0  }
0x457: {  	[hbm4b:s0+s3] =	stream.linear.scatter [tilespmem:s18], [sflag:$0x8], $0x80, $0x38;
	[tilespmem:$0xE800] =	vst v63  }
.Ltmp7:
0x458: {  	(pc) =	sbr.rel .LBB2_2-.Ltmp7, $4  }
0x459: {  	s0 =	sshll.u32 s25, $0x7  }
0x45a: {  	s0 =	sadd.s32 $0x380, s0  }
0x45b: {  	s12 =	simm.s32 $0x9400;
	s20 =	sadd.s32 $0x1, s20;
	s0 =	sand.u32 $0xFF80, s0  }
0x45c: {  	[tilespmem:s12], [sflag:$0x4] =	stream.indirect.gather [hbm4b:s5+s14], $0x20, s0, s14, $0xb8;
	[tilespmem:$0xE800] =	vst v63  }
.LBB2_13:
0x45d: {  	_ =	sfence.sel $0x180000  }
0x45e: {  	[bflag:$0x0] =	sbarrier.arrive $0xFFFF  }
0x45f: {  	_ =	strace $0x90000047  }
0x460: {  	s0 =	stileid.u32;
	[bflag:$0x2] =	sbarrier.arrive $0xFFFF  }
0x461: {  	p0 =	sne.s32 s0, $0x0;
	s0 =	rddreg [dreg:$0x3]  }
0x462: {  	s0 =	sadd.s32 @!p0 $0x100000, s0  }
0x463: {  	[sflag:s0] =	ssyncadd.tile.s32 @!p0 $0x1;
	_ =	shalt  }
.Lfunc_end2:
_tile_overlayer_lowered:
.L_overlay_start_2:
0x464: {  	(tag) =	ssettag $0x2  }
0x465: {  	s0 =	rddreg [dreg:$0x0];
	s2 =	stileid.u32  }
0x466: {  	s1 =	rddreg [dreg:$0x1];
	p0 =	sne.s32 s2, $0x0  }
0x467: {  	s3 =	rddreg [dreg:$0x2];
	[bflag:$0x3] =	sbarrier.arrive $0xFFFF;
	s2 =	simm.s32 @!p0 $0x1C09  }
0x468: {  	[timem:s3], [sflag:s2] =	dma.local @!p0 [hbm:s0], s1  }
0x469: {  	s0 =	simm.s32 @!p0 $0x9  }
0x46a: {  	_ =	swait.ge @!p0 [sflag:s0], s1  }
0x46b: {  	s1 =	ssub.s32 @!p0 $0x0, s1;
	[sflag:s0] =	ssyncset.done @!p0 $0x0  }
0x46c: {  	[sflag:s0] =	ssyncadd.s32 @!p0 s1  }
0x46d: {  	[bflag:$0x3] =	sbarrier.arrive $0xFFFF  }
0x46e: {  	_ =	shalt  }

</sc_bundles>
